<compile_context>
chip_gen: v7x
topology: tpu7x:2x2x1
jax: 0.10.2.dev20260603
libtpu: 0.0.44.dev20260713+nightly
codegen_flags: <defaults>
</compile_context>

<pallas_src>
import functools

import jax
import jax.numpy as jnp
from jax import lax
from jax.experimental import pallas as pl
from jax.experimental.pallas import tpu as pltpu
from jax.experimental.pallas import tpu_sc as plsc

NC = 2
NS = 16
NW = NC * NS
L = 16
K = 128


def _fisr(d):
    i = lax.bitcast_convert_type(d, jnp.int32)
    i = jnp.int32(0x5F3759DF) - (i >> 1)
    y = lax.bitcast_convert_type(i, jnp.float32)
    for _ in range(3):
        y = y * (1.5 - 0.5 * d * y * y)
    return jnp.where(d > 0.5, y, 0.0)


def _make_deg_kernel(n_pad, q):
    rpt = n_pad // NS
    mesh = plsc.VectorSubcoreMesh(
        core_axis_name="c", subcore_axis_name="s",
        num_cores=NC, num_subcores=NS)

    nr = n_pad // 128
    nrp = nr + 1

    @functools.partial(
        pl.kernel,
        out_type=jax.ShapeDtypeStruct((NC * n_pad,), jnp.float32),
        mesh=mesh,
        compiler_params=pltpu.CompilerParams(needs_layout_passes=False),
        scratch_types=[
            pltpu.VMEM((q, K), jnp.int32),
            pltpu.VMEM((nrp, 128), jnp.float32),
            pltpu.VMEM((nrp,), jnp.int32),
            pltpu.VMEM((128,), jnp.float32),
            pltpu.VMEM_SHARED((nrp, 128), jnp.float32),
        ],
    )
    def deg_kernel(col_hbm, degp_hbm, colv, hist, idxv, tmp, deg_acc):
        c = lax.axis_index("c")
        s = lax.axis_index("s")
        wid = s * NC + c
        z16 = jnp.zeros((L,), jnp.float32)
        o16 = jnp.ones((L,), jnp.float32)
        iot = lax.iota(jnp.int32, L)

        def hzero(i, _):
            for l in range(8):
                hist[i, pl.ds(l * L, L)] = z16
            return 0
        lax.fori_loop(0, nrp, hzero, 0)

        def ifill(v, _):
            idxv[pl.ds(v * L, L)] = iot + v * L
            return 0
        lax.fori_loop(0, nrp // L, ifill, 0)

        for l in range(8):
            tmp[pl.ds(l * L, L)] = z16

        def azero(i, _):
            pltpu.sync_copy(tmp, deg_acc.at[i * NS + s])
            return 0
        lax.fori_loop(0, nrp // NS, azero, 0)
        plsc.subcore_barrier()

        pltpu.sync_copy(col_hbm.at[wid], colv)

        def body(g, _):
            for j in range(K // L):
                c16 = colv[g, pl.ds(j * L, L)]
                plsc.addupdate_scatter(hist, [c16 >> 7, c16 & 127], o16)
            return 0
        lax.fori_loop(0, q, body, 0)

        pltpu.sync_copy(hist, deg_acc.at[idxv], add=True)
        plsc.subcore_barrier()

        def obody(i, _):
            ch = s * 5 + i

            @pl.when(ch < nr)
            def _():
                pltpu.sync_copy(deg_acc.at[ch], tmp)
                pltpu.sync_copy(tmp,
                                degp_hbm.at[pl.ds(c * n_pad + ch * 128, 128)])
            return 0
        lax.fori_loop(0, 5, obody, 0)

    return deg_kernel


CH = 8
CD = 1264


def _make_agg_kernel(n, d, n_pad, q):
    rpt = n_pad // NS
    nw_win = q // CH
    nd_ch = n_pad // CD
    npair = CH // 2
    mesh = plsc.VectorSubcoreMesh(
        core_axis_name="c", subcore_axis_name="s",
        num_cores=NC, num_subcores=NS)

    @functools.partial(
        pl.kernel,
        out_type=jax.ShapeDtypeStruct((NC, n_pad, d), jnp.float32),
        mesh=mesh,
        compiler_params=pltpu.CompilerParams(needs_layout_passes=False),
        scratch_types=[
            pltpu.VMEM((CH, K), jnp.int32),
            pltpu.VMEM((CH, K), jnp.int32),
            pltpu.VMEM((CH, K), jnp.float32),
            pltpu.VMEM((CD,), jnp.float32),
            pltpu.VMEM((CD,), jnp.float32),
            pltpu.VMEM((n_pad,), jnp.float32),
            pltpu.VMEM((K,), jnp.float32),
            pltpu.VMEM((K, 128), jnp.float32),
            pltpu.VMEM((K, 128), jnp.float32),
            pltpu.VMEM_SHARED((n_pad, 128), jnp.float32),
            pltpu.SemaphoreType.DMA,
            pltpu.SemaphoreType.DMA,
            pltpu.SemaphoreType.DMA,
            pltpu.SemaphoreType.DMA,
        ],
    )
    def agg_kernel(x_hbm, col_hbm, row_hbm, dist_hbm, degp_hbm, accp_hbm,
                   colw, roww, distw, stg0, stg1, dinv, vals, rbuf0, rbuf1,
                   acc, sg0, sg1, ss0, ss1):
        c = lax.axis_index("c")
        s = lax.axis_index("s")
        wid = s * NC + c
        z16 = jnp.zeros((L,), jnp.float32)
        for i in range(8):
            for l in range(d // L):
                rbuf0[i, pl.ds(l * L, L)] = z16

        def zbody(i, _):
            pltpu.sync_copy(rbuf0.at[pl.ds(0, 8)],
                            acc.at[pl.ds(s * rpt + i * 8, 8)])
            return 0
        lax.fori_loop(0, rpt // 8, zbody, 0)

        def dbody(db, _):
            pltpu.sync_copy(degp_hbm.at[pl.ds(db * CD, CD)], stg0)
            pltpu.sync_copy(degp_hbm.at[pl.ds(n_pad + db * CD, CD)], stg1)

            def dvec(v, _):
                dg = stg0[pl.ds(v * L, L)] + stg1[pl.ds(v * L, L)]
                dinv[pl.ds(db * CD + v * L, L)] = _fisr(dg)
                return 0
            lax.fori_loop(0, CD // L, dvec, 0)
            return 0
        lax.fori_loop(0, nd_ch, dbody, 0)

        def dzero(g, _):
            dinv[pl.ds(n + g * L, L)] = z16
            return 0
        lax.fori_loop(0, (n_pad - n) // L, dzero, 0)

        plsc.subcore_barrier()

        def wait_gather(sem, buf):
            pltpu.make_async_copy(x_hbm.at[colw.at[0]], buf, sem).wait()

        def wait_scatter(sem):
            pltpu.make_async_copy(rbuf0, acc.at[roww.at[0]], sem).wait()

        def compute_vals(l):
            for j in range(K // L):
                c16 = colw[l, pl.ds(j * L, L)]
                d16 = distw[l, pl.ds(j * L, L)]
                dv = plsc.load_gather(dinv, [c16])
                vals[pl.ds(j * L, L)] = jnp.exp(-(d16 * d16)) * dv

        def scale(buf):
            def sbody(k4, _):
                vbs = [plsc.load_gather(
                    vals, [jnp.full((L,), k4 * 4 + u, jnp.int32)])
                    for u in range(4)]
                for u in range(4):
                    k = k4 * 4 + u
                    for l in range(d // L):
                        buf[k, pl.ds(l * L, L)] = (
                            buf[k, pl.ds(l * L, L)] * vbs[u])
                return 0
            lax.fori_loop(0, K // 4, sbody, 0)

        def wbody(gw, _):
            @pl.when(gw > 0)
            def _():
                wait_scatter(ss0)
                wait_scatter(ss1)
            pltpu.sync_copy(col_hbm.at[wid, pl.ds(gw * CH, CH)], colw)
            pltpu.sync_copy(row_hbm.at[wid, pl.ds(gw * CH, CH)], roww)
            pltpu.sync_copy(dist_hbm.at[wid, pl.ds(gw * CH, CH)], distw)
            def pbody(gp, _):
                l0 = 2 * gp
                @pl.when(gp > 0)
                def _():
                    wait_scatter(ss1)
                compute_vals(l0)
                scale(rbuf0)
                pltpu.async_copy(rbuf0, acc.at[roww.at[l0]], ss0, add=True)
                compute_vals(l0 + 1)

                @pl.when(gp + 1 < npair)
                def _():
                    wait_scatter(ss0)
                scale(rbuf1)
                pltpu.async_copy(rbuf1, acc.at[roww.at[l0 + 1]], ss1, add=True)
                return 0
            lax.fori_loop(0, npair, pbody, 0)
            return 0
        lax.fori_loop(0, nw_win, wbody, 0)
        wait_scatter(ss0)
        wait_scatter(ss1)

        plsc.subcore_barrier()

        def obody(i, _):
            base = s * rpt + i * K
            pltpu.sync_copy(acc.at[pl.ds(base, K)], rbuf0)
            pltpu.sync_copy(rbuf0, accp_hbm.at[c, pl.ds(base, K)])
            return 0
        lax.fori_loop(0, rpt // K, obody, 0)
        rem = rpt % K
        if rem:
            base = s * rpt + (rpt // K) * K
            pltpu.sync_copy(acc.at[pl.ds(base, rem)], rbuf0.at[pl.ds(0, rem)])
            pltpu.sync_copy(rbuf0.at[pl.ds(0, rem)],
                            accp_hbm.at[c, pl.ds(base, rem)])

    return agg_kernel


def _mm_body(acc_ref, deg_ref, w_ref, b_ref, o_ref):
    dg = deg_ref[0] + deg_ref[1]
    dinv = jnp.where(dg > 0.0, lax.rsqrt(jnp.maximum(dg, 1e-30)), 0.0)
    ssum = (acc_ref[0] + acc_ref[1]) * dinv
    out = lax.dot_general(ssum, w_ref[...], (((1,), (1,)), ((), ())),
                          preferred_element_type=jnp.float32)
    o_ref[...] = out + b_ref[...]


def kernel(x, edge_index, dist_vec, W, b):
    n, d = x.shape
    e = edge_index.shape[1]
    ept = -(-e // NW)
    q = -(-ept // K)
    q = -(-q // CH) * CH
    e_pad = q * K * NW
    n_pad = -(-(n + 1) // 128) * 128

    pad = e_pad - e
    row3 = jnp.concatenate(
        [edge_index[0], jnp.full((pad,), n, jnp.int32)]).reshape(NW, q, K)
    col3 = jnp.concatenate(
        [edge_index[1], jnp.full((pad,), n, jnp.int32)]).reshape(NW, q, K)
    dist3 = jnp.concatenate(
        [dist_vec, jnp.zeros((pad,), jnp.float32)]).reshape(NW, q, K)

    degp = _make_deg_kernel(n_pad, q)(col3)
    accp = _make_agg_kernel(n, d, n_pad, q)(x, col3, row3, dist3, degp)

    br = n_pad // 8
    out = pl.pallas_call(
        _mm_body,
        grid=(n_pad // br,),
        in_specs=[
            pl.BlockSpec((NC, br, d), lambda i: (0, i, 0)),
            pl.BlockSpec((NC, br, 1), lambda i: (0, i, 0)),
            pl.BlockSpec((d, d), lambda i: (0, 0)),
            pl.BlockSpec((1, d), lambda i: (0, 0)),
        ],
        out_specs=pl.BlockSpec((br, d), lambda i: (i, 0)),
        out_shape=jax.ShapeDtypeStruct((n_pad, d), jnp.float32),
    )(accp, degp.reshape(NC, n_pad, 1), W, b.reshape(1, d))
    return out[:n]

# --- scband reference (transcript-rebuilt; emitter-appended) ---
"""Pipeline reference for scband-geo-gcn-16741782520368 (READ-ONLY COPY).

The authoritative reference and input builder live on the scoring server;
editing this copy changes nothing except your own understanding.
"""

import jax, jax.numpy as jnp
import numpy as np

N = 10000
E = 320000
D = 128

def setup_inputs(seed: int = 0) -> dict:
    key = jax.random.key(seed)
    k1, k2, k3, k4 = jax.random.split(key, 4)
    x = jax.random.normal(k1, (N, D), dtype=jnp.float32)
    edge_index = jax.random.randint(k2, (2, E), 0, N, dtype=jnp.int32)
    dist_vec = jax.random.uniform(k3, (E,), dtype=jnp.float32)
    # nn.Linear(in, out) with xavier_uniform weight, default bias init (use zeros)
    limit = float(np.sqrt(6.0 / (D + D)))
    W = jax.random.uniform(k4, (D, D), minval=-limit, maxval=limit, dtype=jnp.float32)
    b = jnp.zeros((D,), dtype=jnp.float32)
    return {"x": x, "edge_index": edge_index, "dist_vec": dist_vec, "W": W, "b": b}

def reference(x, edge_index, dist_vec, W, b):
    row = edge_index[0]
    col = edge_index[1]
    n = x.shape[0]
    # degree of col nodes
    deg = jnp.zeros((n,), dtype=x.dtype).at[col].add(1.0)
    deg_safe = jnp.where(deg > 0, deg, 1.0)
    deg_inv_sqrt = jnp.where(deg > 0, deg_safe ** -0.5, 0.0)
    norm = deg_inv_sqrt[row] * deg_inv_sqrt[col]
    dist_weight = jnp.exp(-dist_vec ** 2)
    vals = dist_weight * norm
    # sparse.mm(adj, x): out[row] += vals * x[col]
    side_embed = jax.ops.segment_sum(vals[:, None] * x[col], row, num_segments=n)
    return side_embed @ W.T + b

if __name__ == "__main__":
    import jax
    _d = setup_inputs()
    print(jax.jit(kernel)(*tuple(_d.values())))

</pallas_src>

<mosaic_0001>
#map = affine_map<(d0, d1) -> (0, 0)>
#map1 = affine_map<(d0, d1) -> (0, 0, 0)>
#map2 = affine_map<(d0, d1) -> (0)>
module attributes {stable_mosaic.version = 14 : i64} {
  func.func @agg_kernel(%arg0: i32, %arg1: i32, %arg2: memref<10000x128xf32, #tpu.memory_space<hbm>>, %arg3: memref<32x80x128xi32, #tpu.memory_space<hbm>>, %arg4: memref<32x80x128xi32, #tpu.memory_space<hbm>>, %arg5: memref<32x80x128xf32, #tpu.memory_space<hbm>>, %arg6: memref<20224xf32, #tpu.memory_space<hbm>>, %arg7: memref<2x10112x128xf32, #tpu.memory_space<hbm>>, %arg8: memref<8x128xi32, #tpu.memory_space<vmem>>, %arg9: memref<8x128xi32, #tpu.memory_space<vmem>>, %arg10: memref<8x128xf32, #tpu.memory_space<vmem>>, %arg11: memref<1264xf32, #tpu.memory_space<vmem>>, %arg12: memref<1264xf32, #tpu.memory_space<vmem>>, %arg13: memref<10112xf32, #tpu.memory_space<vmem>>, %arg14: memref<128xf32, #tpu.memory_space<vmem>>, %arg15: memref<128x128xf32, #tpu.memory_space<vmem>>, %arg16: memref<128x128xf32, #tpu.memory_space<vmem>>, %arg17: memref<10112x128xf32, #tpu.memory_space<vmem_shared>>, %arg18: memref<!tpu.dma_semaphore, #tpu.memory_space<semaphore_mem>>, %arg19: memref<!tpu.dma_semaphore, #tpu.memory_space<semaphore_mem>>, %arg20: memref<!tpu.dma_semaphore, #tpu.memory_space<semaphore_mem>>, %arg21: memref<!tpu.dma_semaphore, #tpu.memory_space<semaphore_mem>>) attributes {dimension_semantics = [#tpu.dimension_semantics<core_parallel>, #tpu.dimension_semantics<subcore_parallel>], iteration_bounds = array<i64: 2, 16>, scalar_prefetch = 0 : i64, scratch_operands = 14 : i64, tpu.core_type = #tpu.core_type<sc_vector_subcore>, window_params = [{transform_indices = #map}, {transform_indices = #map1}, {transform_indices = #map1}, {transform_indices = #map1}, {transform_indices = #map2}, {transform_indices = #map1}]} {
    %mul3A = arith.constant 2 : i32
    %mul3A_0 = arith.muli %arg1, %mul3A : i32
    %add3A = arith.addi %mul3A_0, %arg0 : i32
    %broadcast_in_dim3A = arith.constant 0.000000e+00 : f32
    %broadcast_in_dim3A_1 = vector.broadcast %broadcast_in_dim3A : f32 to vector<16xf32>
    %swap3A = arith.constant 0 : i32
    %swap3A_2 = arith.index_cast %swap3A : i32 to index
    %swap3A_3 = arith.constant 0 : index
    %swap3A_4 = tpu.vector_load %arg15[%swap3A_2, %swap3A_3] {strides = array<i32>} : memref<128x128xf32, #tpu.memory_space<vmem>>, vector<16xf32>,
    tpu.vector_store %arg15[%swap3A_2, %swap3A_3], %broadcast_in_dim3A_1 {strides = array<i32>} : memref<128x128xf32, #tpu.memory_space<vmem>>, vector<16xf32>,
    %swap3A_5 = arith.constant 0 : i32
    %swap3A_6 = arith.index_cast %swap3A_5 : i32 to index
    %swap3A_7 = arith.constant 16 : index
    %swap3A_8 = tpu.vector_load %arg15[%swap3A_6, %swap3A_7] {strides = array<i32>} : memref<128x128xf32, #tpu.memory_space<vmem>>, vector<16xf32>,
    tpu.vector_store %arg15[%swap3A_6, %swap3A_7], %broadcast_in_dim3A_1 {strides = array<i32>} : memref<128x128xf32, #tpu.memory_space<vmem>>, vector<16xf32>,
    %swap3A_9 = arith.constant 0 : i32
    %swap3A_10 = arith.index_cast %swap3A_9 : i32 to index
    %swap3A_11 = arith.constant 32 : index
    %swap3A_12 = tpu.vector_load %arg15[%swap3A_10, %swap3A_11] {strides = array<i32>} : memref<128x128xf32, #tpu.memory_space<vmem>>, vector<16xf32>,
    tpu.vector_store %arg15[%swap3A_10, %swap3A_11], %broadcast_in_dim3A_1 {strides = array<i32>} : memref<128x128xf32, #tpu.memory_space<vmem>>, vector<16xf32>,
    %swap3A_13 = arith.constant 0 : i32
    %swap3A_14 = arith.index_cast %swap3A_13 : i32 to index
    %swap3A_15 = arith.constant 48 : index
    %swap3A_16 = tpu.vector_load %arg15[%swap3A_14, %swap3A_15] {strides = array<i32>} : memref<128x128xf32, #tpu.memory_space<vmem>>, vector<16xf32>,
    tpu.vector_store %arg15[%swap3A_14, %swap3A_15], %broadcast_in_dim3A_1 {strides = array<i32>} : memref<128x128xf32, #tpu.memory_space<vmem>>, vector<16xf32>,
    %swap3A_17 = arith.constant 0 : i32
    %swap3A_18 = arith.index_cast %swap3A_17 : i32 to index
    %swap3A_19 = arith.constant 64 : index
    %swap3A_20 = tpu.vector_load %arg15[%swap3A_18, %swap3A_19] {strides = array<i32>} : memref<128x128xf32, #tpu.memory_space<vmem>>, vector<16xf32>,
    tpu.vector_store %arg15[%swap3A_18, %swap3A_19], %broadcast_in_dim3A_1 {strides = array<i32>} : memref<128x128xf32, #tpu.memory_space<vmem>>, vector<16xf32>,
    %swap3A_21 = arith.constant 0 : i32
    %swap3A_22 = arith.index_cast %swap3A_21 : i32 to index
    %swap3A_23 = arith.constant 80 : index
    %swap3A_24 = tpu.vector_load %arg15[%swap3A_22, %swap3A_23] {strides = array<i32>} : memref<128x128xf32, #tpu.memory_space<vmem>>, vector<16xf32>,
    tpu.vector_store %arg15[%swap3A_22, %swap3A_23], %broadcast_in_dim3A_1 {strides = array<i32>} : memref<128x128xf32, #tpu.memory_space<vmem>>, vector<16xf32>,
    %swap3A_25 = arith.constant 0 : i32
    %swap3A_26 = arith.index_cast %swap3A_25 : i32 to index
    %swap3A_27 = arith.constant 96 : index
    %swap3A_28 = tpu.vector_load %arg15[%swap3A_26, %swap3A_27] {strides = array<i32>} : memref<128x128xf32, #tpu.memory_space<vmem>>, vector<16xf32>,
    tpu.vector_store %arg15[%swap3A_26, %swap3A_27], %broadcast_in_dim3A_1 {strides = array<i32>} : memref<128x128xf32, #tpu.memory_space<vmem>>, vector<16xf32>,
    %swap3A_29 = arith.constant 0 : i32
    %swap3A_30 = arith.index_cast %swap3A_29 : i32 to index
    %swap3A_31 = arith.constant 112 : index
    %swap3A_32 = tpu.vector_load %arg15[%swap3A_30, %swap3A_31] {strides = array<i32>} : memref<128x128xf32, #tpu.memory_space<vmem>>, vector<16xf32>,
    tpu.vector_store %arg15[%swap3A_30, %swap3A_31], %broadcast_in_dim3A_1 {strides = array<i32>} : memref<128x128xf32, #tpu.memory_space<vmem>>, vector<16xf32>,
    %swap3A_33 = arith.constant 1 : i32
    %swap3A_34 = arith.index_cast %swap3A_33 : i32 to index
    %swap3A_35 = arith.constant 0 : index
    %swap3A_36 = tpu.vector_load %arg15[%swap3A_34, %swap3A_35] {strides = array<i32>} : memref<128x128xf32, #tpu.memory_space<vmem>>, vector<16xf32>,
    tpu.vector_store %arg15[%swap3A_34, %swap3A_35], %broadcast_in_dim3A_1 {strides = array<i32>} : memref<128x128xf32, #tpu.memory_space<vmem>>, vector<16xf32>,
    %swap3A_37 = arith.constant 1 : i32
    %swap3A_38 = arith.index_cast %swap3A_37 : i32 to index
    %swap3A_39 = arith.constant 16 : index
    %swap3A_40 = tpu.vector_load %arg15[%swap3A_38, %swap3A_39] {strides = array<i32>} : memref<128x128xf32, #tpu.memory_space<vmem>>, vector<16xf32>,
    tpu.vector_store %arg15[%swap3A_38, %swap3A_39], %broadcast_in_dim3A_1 {strides = array<i32>} : memref<128x128xf32, #tpu.memory_space<vmem>>, vector<16xf32>,
    %swap3A_41 = arith.constant 1 : i32
    %swap3A_42 = arith.index_cast %swap3A_41 : i32 to index
    %swap3A_43 = arith.constant 32 : index
    %swap3A_44 = tpu.vector_load %arg15[%swap3A_42, %swap3A_43] {strides = array<i32>} : memref<128x128xf32, #tpu.memory_space<vmem>>, vector<16xf32>,
    tpu.vector_store %arg15[%swap3A_42, %swap3A_43], %broadcast_in_dim3A_1 {strides = array<i32>} : memref<128x128xf32, #tpu.memory_space<vmem>>, vector<16xf32>,
    %swap3A_45 = arith.constant 1 : i32
    %swap3A_46 = arith.index_cast %swap3A_45 : i32 to index
    %swap3A_47 = arith.constant 48 : index
    %swap3A_48 = tpu.vector_load %arg15[%swap3A_46, %swap3A_47] {strides = array<i32>} : memref<128x128xf32, #tpu.memory_space<vmem>>, vector<16xf32>,
    tpu.vector_store %arg15[%swap3A_46, %swap3A_47], %broadcast_in_dim3A_1 {strides = array<i32>} : memref<128x128xf32, #tpu.memory_space<vmem>>, vector<16xf32>,
    %swap3A_49 = arith.constant 1 : i32
    %swap3A_50 = arith.index_cast %swap3A_49 : i32 to index
    %swap3A_51 = arith.constant 64 : index
    %swap3A_52 = tpu.vector_load %arg15[%swap3A_50, %swap3A_51] {strides = array<i32>} : memref<128x128xf32, #tpu.memory_space<vmem>>, vector<16xf32>,
    tpu.vector_store %arg15[%swap3A_50, %swap3A_51], %broadcast_in_dim3A_1 {strides = array<i32>} : memref<128x128xf32, #tpu.memory_space<vmem>>, vector<16xf32>,
    %swap3A_53 = arith.constant 1 : i32
    %swap3A_54 = arith.index_cast %swap3A_53 : i32 to index
    %swap3A_55 = arith.constant 80 : index
    %swap3A_56 = tpu.vector_load %arg15[%swap3A_54, %swap3A_55] {strides = array<i32>} : memref<128x128xf32, #tpu.memory_space<vmem>>, vector<16xf32>,
    tpu.vector_store %arg15[%swap3A_54, %swap3A_55], %broadcast_in_dim3A_1 {strides = array<i32>} : memref<128x128xf32, #tpu.memory_space<vmem>>, vector<16xf32>,
    %swap3A_57 = arith.constant 1 : i32
    %swap3A_58 = arith.index_cast %swap3A_57 : i32 to index
    %swap3A_59 = arith.constant 96 : index
    %swap3A_60 = tpu.vector_load %arg15[%swap3A_58, %swap3A_59] {strides = array<i32>} : memref<128x128xf32, #tpu.memory_space<vmem>>, vector<16xf32>,
    tpu.vector_store %arg15[%swap3A_58, %swap3A_59], %broadcast_in_dim3A_1 {strides = array<i32>} : memref<128x128xf32, #tpu.memory_space<vmem>>, vector<16xf32>,
    %swap3A_61 = arith.constant 1 : i32
    %swap3A_62 = arith.index_cast %swap3A_61 : i32 to index
    %swap3A_63 = arith.constant 112 : index
    %swap3A_64 = tpu.vector_load %arg15[%swap3A_62, %swap3A_63] {strides = array<i32>} : memref<128x128xf32, #tpu.memory_space<vmem>>, vector<16xf32>,
    tpu.vector_store %arg15[%swap3A_62, %swap3A_63], %broadcast_in_dim3A_1 {strides = array<i32>} : memref<128x128xf32, #tpu.memory_space<vmem>>, vector<16xf32>,
    %swap3A_65 = arith.constant 2 : i32
    %swap3A_66 = arith.index_cast %swap3A_65 : i32 to index
    %swap3A_67 = arith.constant 0 : index
    %swap3A_68 = tpu.vector_load %arg15[%swap3A_66, %swap3A_67] {strides = array<i32>} : memref<128x128xf32, #tpu.memory_space<vmem>>, vector<16xf32>,
    tpu.vector_store %arg15[%swap3A_66, %swap3A_67], %broadcast_in_dim3A_1 {strides = array<i32>} : memref<128x128xf32, #tpu.memory_space<vmem>>, vector<16xf32>,
    %swap3A_69 = arith.constant 2 : i32
    %swap3A_70 = arith.index_cast %swap3A_69 : i32 to index
    %swap3A_71 = arith.constant 16 : index
    %swap3A_72 = tpu.vector_load %arg15[%swap3A_70, %swap3A_71] {strides = array<i32>} : memref<128x128xf32, #tpu.memory_space<vmem>>, vector<16xf32>,
    tpu.vector_store %arg15[%swap3A_70, %swap3A_71], %broadcast_in_dim3A_1 {strides = array<i32>} : memref<128x128xf32, #tpu.memory_space<vmem>>, vector<16xf32>,
    %swap3A_73 = arith.constant 2 : i32
    %swap3A_74 = arith.index_cast %swap3A_73 : i32 to index
    %swap3A_75 = arith.constant 32 : index
    %swap3A_76 = tpu.vector_load %arg15[%swap3A_74, %swap3A_75] {strides = array<i32>} : memref<128x128xf32, #tpu.memory_space<vmem>>, vector<16xf32>,
    tpu.vector_store %arg15[%swap3A_74, %swap3A_75], %broadcast_in_dim3A_1 {strides = array<i32>} : memref<128x128xf32, #tpu.memory_space<vmem>>, vector<16xf32>,
    %swap3A_77 = arith.constant 2 : i32
    %swap3A_78 = arith.index_cast %swap3A_77 : i32 to index
    %swap3A_79 = arith.constant 48 : index
    %swap3A_80 = tpu.vector_load %arg15[%swap3A_78, %swap3A_79] {strides = array<i32>} : memref<128x128xf32, #tpu.memory_space<vmem>>, vector<16xf32>,
    tpu.vector_store %arg15[%swap3A_78, %swap3A_79], %broadcast_in_dim3A_1 {strides = array<i32>} : memref<128x128xf32, #tpu.memory_space<vmem>>, vector<16xf32>,
    %swap3A_81 = arith.constant 2 : i32
    %swap3A_82 = arith.index_cast %swap3A_81 : i32 to index
    %swap3A_83 = arith.constant 64 : index
    %swap3A_84 = tpu.vector_load %arg15[%swap3A_82, %swap3A_83] {strides = array<i32>} : memref<128x128xf32, #tpu.memory_space<vmem>>, vector<16xf32>,
    tpu.vector_store %arg15[%swap3A_82, %swap3A_83], %broadcast_in_dim3A_1 {strides = array<i32>} : memref<128x128xf32, #tpu.memory_space<vmem>>, vector<16xf32>,
    %swap3A_85 = arith.constant 2 : i32
    %swap3A_86 = arith.index_cast %swap3A_85 : i32 to index
    %swap3A_87 = arith.constant 80 : index
    %swap3A_88 = tpu.vector_load %arg15[%swap3A_86, %swap3A_87] {strides = array<i32>} : memref<128x128xf32, #tpu.memory_space<vmem>>, vector<16xf32>,
    tpu.vector_store %arg15[%swap3A_86, %swap3A_87], %broadcast_in_dim3A_1 {strides = array<i32>} : memref<128x128xf32, #tpu.memory_space<vmem>>, vector<16xf32>,
    %swap3A_89 = arith.constant 2 : i32
    %swap3A_90 = arith.index_cast %swap3A_89 : i32 to index
    %swap3A_91 = arith.constant 96 : index
    %swap3A_92 = tpu.vector_load %arg15[%swap3A_90, %swap3A_91] {strides = array<i32>} : memref<128x128xf32, #tpu.memory_space<vmem>>, vector<16xf32>,
    tpu.vector_store %arg15[%swap3A_90, %swap3A_91], %broadcast_in_dim3A_1 {strides = array<i32>} : memref<128x128xf32, #tpu.memory_space<vmem>>, vector<16xf32>,
    %swap3A_93 = arith.constant 2 : i32
    %swap3A_94 = arith.index_cast %swap3A_93 : i32 to index
    %swap3A_95 = arith.constant 112 : index
    %swap3A_96 = tpu.vector_load %arg15[%swap3A_94, %swap3A_95] {strides = array<i32>} : memref<128x128xf32, #tpu.memory_space<vmem>>, vector<16xf32>,
    tpu.vector_store %arg15[%swap3A_94, %swap3A_95], %broadcast_in_dim3A_1 {strides = array<i32>} : memref<128x128xf32, #tpu.memory_space<vmem>>, vector<16xf32>,
    %swap3A_97 = arith.constant 3 : i32
    %swap3A_98 = arith.index_cast %swap3A_97 : i32 to index
    %swap3A_99 = arith.constant 0 : index
    %swap3A_100 = tpu.vector_load %arg15[%swap3A_98, %swap3A_99] {strides = array<i32>} : memref<128x128xf32, #tpu.memory_space<vmem>>, vector<16xf32>,
    tpu.vector_store %arg15[%swap3A_98, %swap3A_99], %broadcast_in_dim3A_1 {strides = array<i32>} : memref<128x128xf32, #tpu.memory_space<vmem>>, vector<16xf32>,
    %swap3A_101 = arith.constant 3 : i32
    %swap3A_102 = arith.index_cast %swap3A_101 : i32 to index
    %swap3A_103 = arith.constant 16 : index
    %swap3A_104 = tpu.vector_load %arg15[%swap3A_102, %swap3A_103] {strides = array<i32>} : memref<128x128xf32, #tpu.memory_space<vmem>>, vector<16xf32>,
    tpu.vector_store %arg15[%swap3A_102, %swap3A_103], %broadcast_in_dim3A_1 {strides = array<i32>} : memref<128x128xf32, #tpu.memory_space<vmem>>, vector<16xf32>,
    %swap3A_105 = arith.constant 3 : i32
    %swap3A_106 = arith.index_cast %swap3A_105 : i32 to index
    %swap3A_107 = arith.constant 32 : index
    %swap3A_108 = tpu.vector_load %arg15[%swap3A_106, %swap3A_107] {strides = array<i32>} : memref<128x128xf32, #tpu.memory_space<vmem>>, vector<16xf32>,
    tpu.vector_store %arg15[%swap3A_106, %swap3A_107], %broadcast_in_dim3A_1 {strides = array<i32>} : memref<128x128xf32, #tpu.memory_space<vmem>>, vector<16xf32>,
    %swap3A_109 = arith.constant 3 : i32
    %swap3A_110 = arith.index_cast %swap3A_109 : i32 to index
    %swap3A_111 = arith.constant 48 : index
    %swap3A_112 = tpu.vector_load %arg15[%swap3A_110, %swap3A_111] {strides = array<i32>} : memref<128x128xf32, #tpu.memory_space<vmem>>, vector<16xf32>,
    tpu.vector_store %arg15[%swap3A_110, %swap3A_111], %broadcast_in_dim3A_1 {strides = array<i32>} : memref<128x128xf32, #tpu.memory_space<vmem>>, vector<16xf32>,
    %swap3A_113 = arith.constant 3 : i32
    %swap3A_114 = arith.index_cast %swap3A_113 : i32 to index
    %swap3A_115 = arith.constant 64 : index
    %swap3A_116 = tpu.vector_load %arg15[%swap3A_114, %swap3A_115] {strides = array<i32>} : memref<128x128xf32, #tpu.memory_space<vmem>>, vector<16xf32>,
    tpu.vector_store %arg15[%swap3A_114, %swap3A_115], %broadcast_in_dim3A_1 {strides = array<i32>} : memref<128x128xf32, #tpu.memory_space<vmem>>, vector<16xf32>,
    %swap3A_117 = arith.constant 3 : i32
    %swap3A_118 = arith.index_cast %swap3A_117 : i32 to index
    %swap3A_119 = arith.constant 80 : index
    %swap3A_120 = tpu.vector_load %arg15[%swap3A_118, %swap3A_119] {strides = array<i32>} : memref<128x128xf32, #tpu.memory_space<vmem>>, vector<16xf32>,
    tpu.vector_store %arg15[%swap3A_118, %swap3A_119], %broadcast_in_dim3A_1 {strides = array<i32>} : memref<128x128xf32, #tpu.memory_space<vmem>>, vector<16xf32>,
    %swap3A_121 = arith.constant 3 : i32
    %swap3A_122 = arith.index_cast %swap3A_121 : i32 to index
    %swap3A_123 = arith.constant 96 : index
    %swap3A_124 = tpu.vector_load %arg15[%swap3A_122, %swap3A_123] {strides = array<i32>} : memref<128x128xf32, #tpu.memory_space<vmem>>, vector<16xf32>,
    tpu.vector_store %arg15[%swap3A_122, %swap3A_123], %broadcast_in_dim3A_1 {strides = array<i32>} : memref<128x128xf32, #tpu.memory_space<vmem>>, vector<16xf32>,
    %swap3A_125 = arith.constant 3 : i32
    %swap3A_126 = arith.index_cast %swap3A_125 : i32 to index
    %swap3A_127 = arith.constant 112 : index
    %swap3A_128 = tpu.vector_load %arg15[%swap3A_126, %swap3A_127] {strides = array<i32>} : memref<128x128xf32, #tpu.memory_space<vmem>>, vector<16xf32>,
    tpu.vector_store %arg15[%swap3A_126, %swap3A_127], %broadcast_in_dim3A_1 {strides = array<i32>} : memref<128x128xf32, #tpu.memory_space<vmem>>, vector<16xf32>,
    %swap3A_129 = arith.constant 4 : i32
    %swap3A_130 = arith.index_cast %swap3A_129 : i32 to index
    %swap3A_131 = arith.constant 0 : index
    %swap3A_132 = tpu.vector_load %arg15[%swap3A_130, %swap3A_131] {strides = array<i32>} : memref<128x128xf32, #tpu.memory_space<vmem>>, vector<16xf32>,
    tpu.vector_store %arg15[%swap3A_130, %swap3A_131], %broadcast_in_dim3A_1 {strides = array<i32>} : memref<128x128xf32, #tpu.memory_space<vmem>>, vector<16xf32>,
    %swap3A_133 = arith.constant 4 : i32
    %swap3A_134 = arith.index_cast %swap3A_133 : i32 to index
    %swap3A_135 = arith.constant 16 : index
    %swap3A_136 = tpu.vector_load %arg15[%swap3A_134, %swap3A_135] {strides = array<i32>} : memref<128x128xf32, #tpu.memory_space<vmem>>, vector<16xf32>,
    tpu.vector_store %arg15[%swap3A_134, %swap3A_135], %broadcast_in_dim3A_1 {strides = array<i32>} : memref<128x128xf32, #tpu.memory_space<vmem>>, vector<16xf32>,
    %swap3A_137 = arith.constant 4 : i32
    %swap3A_138 = arith.index_cast %swap3A_137 : i32 to index
    %swap3A_139 = arith.constant 32 : index
    %swap3A_140 = tpu.vector_load %arg15[%swap3A_138, %swap3A_139] {strides = array<i32>} : memref<128x128xf32, #tpu.memory_space<vmem>>, vector<16xf32>,
    tpu.vector_store %arg15[%swap3A_138, %swap3A_139], %broadcast_in_dim3A_1 {strides = array<i32>} : memref<128x128xf32, #tpu.memory_space<vmem>>, vector<16xf32>,
    %swap3A_141 = arith.constant 4 : i32
    %swap3A_142 = arith.index_cast %swap3A_141 : i32 to index
    %swap3A_143 = arith.constant 48 : index
    %swap3A_144 = tpu.vector_load %arg15[%swap3A_142, %swap3A_143] {strides = array<i32>} : memref<128x128xf32, #tpu.memory_space<vmem>>, vector<16xf32>,
    tpu.vector_store %arg15[%swap3A_142, %swap3A_143], %broadcast_in_dim3A_1 {strides = array<i32>} : memref<128x128xf32, #tpu.memory_space<vmem>>, vector<16xf32>,
    %swap3A_145 = arith.constant 4 : i32
    %swap3A_146 = arith.index_cast %swap3A_145 : i32 to index
    %swap3A_147 = arith.constant 64 : index
    %swap3A_148 = tpu.vector_load %arg15[%swap3A_146, %swap3A_147] {strides = array<i32>} : memref<128x128xf32, #tpu.memory_space<vmem>>, vector<16xf32>,
    tpu.vector_store %arg15[%swap3A_146, %swap3A_147], %broadcast_in_dim3A_1 {strides = array<i32>} : memref<128x128xf32, #tpu.memory_space<vmem>>, vector<16xf32>,
    %swap3A_149 = arith.constant 4 : i32
    %swap3A_150 = arith.index_cast %swap3A_149 : i32 to index
    %swap3A_151 = arith.constant 80 : index
    %swap3A_152 = tpu.vector_load %arg15[%swap3A_150, %swap3A_151] {strides = array<i32>} : memref<128x128xf32, #tpu.memory_space<vmem>>, vector<16xf32>,
    tpu.vector_store %arg15[%swap3A_150, %swap3A_151], %broadcast_in_dim3A_1 {strides = array<i32>} : memref<128x128xf32, #tpu.memory_space<vmem>>, vector<16xf32>,
    %swap3A_153 = arith.constant 4 : i32
    %swap3A_154 = arith.index_cast %swap3A_153 : i32 to index
    %swap3A_155 = arith.constant 96 : index
    %swap3A_156 = tpu.vector_load %arg15[%swap3A_154, %swap3A_155] {strides = array<i32>} : memref<128x128xf32, #tpu.memory_space<vmem>>, vector<16xf32>,
    tpu.vector_store %arg15[%swap3A_154, %swap3A_155], %broadcast_in_dim3A_1 {strides = array<i32>} : memref<128x128xf32, #tpu.memory_space<vmem>>, vector<16xf32>,
    %swap3A_157 = arith.constant 4 : i32
    %swap3A_158 = arith.index_cast %swap3A_157 : i32 to index
    %swap3A_159 = arith.constant 112 : index
    %swap3A_160 = tpu.vector_load %arg15[%swap3A_158, %swap3A_159] {strides = array<i32>} : memref<128x128xf32, #tpu.memory_space<vmem>>, vector<16xf32>,
    tpu.vector_store %arg15[%swap3A_158, %swap3A_159], %broadcast_in_dim3A_1 {strides = array<i32>} : memref<128x128xf32, #tpu.memory_space<vmem>>, vector<16xf32>,
    %swap3A_161 = arith.constant 5 : i32
    %swap3A_162 = arith.index_cast %swap3A_161 : i32 to index
    %swap3A_163 = arith.constant 0 : index
    %swap3A_164 = tpu.vector_load %arg15[%swap3A_162, %swap3A_163] {strides = array<i32>} : memref<128x128xf32, #tpu.memory_space<vmem>>, vector<16xf32>,
    tpu.vector_store %arg15[%swap3A_162, %swap3A_163], %broadcast_in_dim3A_1 {strides = array<i32>} : memref<128x128xf32, #tpu.memory_space<vmem>>, vector<16xf32>,
    %swap3A_165 = arith.constant 5 : i32
    %swap3A_166 = arith.index_cast %swap3A_165 : i32 to index
    %swap3A_167 = arith.constant 16 : index
    %swap3A_168 = tpu.vector_load %arg15[%swap3A_166, %swap3A_167] {strides = array<i32>} : memref<128x128xf32, #tpu.memory_space<vmem>>, vector<16xf32>,
    tpu.vector_store %arg15[%swap3A_166, %swap3A_167], %broadcast_in_dim3A_1 {strides = array<i32>} : memref<128x128xf32, #tpu.memory_space<vmem>>, vector<16xf32>,
    %swap3A_169 = arith.constant 5 : i32
    %swap3A_170 = arith.index_cast %swap3A_169 : i32 to index
    %swap3A_171 = arith.constant 32 : index
    %swap3A_172 = tpu.vector_load %arg15[%swap3A_170, %swap3A_171] {strides = array<i32>} : memref<128x128xf32, #tpu.memory_space<vmem>>, vector<16xf32>,
    tpu.vector_store %arg15[%swap3A_170, %swap3A_171], %broadcast_in_dim3A_1 {strides = array<i32>} : memref<128x128xf32, #tpu.memory_space<vmem>>, vector<16xf32>,
    %swap3A_173 = arith.constant 5 : i32
    %swap3A_174 = arith.index_cast %swap3A_173 : i32 to index
    %swap3A_175 = arith.constant 48 : index
    %swap3A_176 = tpu.vector_load %arg15[%swap3A_174, %swap3A_175] {strides = array<i32>} : memref<128x128xf32, #tpu.memory_space<vmem>>, vector<16xf32>,
    tpu.vector_store %arg15[%swap3A_174, %swap3A_175], %broadcast_in_dim3A_1 {strides = array<i32>} : memref<128x128xf32, #tpu.memory_space<vmem>>, vector<16xf32>,
    %swap3A_177 = arith.constant 5 : i32
    %swap3A_178 = arith.index_cast %swap3A_177 : i32 to index
    %swap3A_179 = arith.constant 64 : index
    %swap3A_180 = tpu.vector_load %arg15[%swap3A_178, %swap3A_179] {strides = array<i32>} : memref<128x128xf32, #tpu.memory_space<vmem>>, vector<16xf32>,
    tpu.vector_store %arg15[%swap3A_178, %swap3A_179], %broadcast_in_dim3A_1 {strides = array<i32>} : memref<128x128xf32, #tpu.memory_space<vmem>>, vector<16xf32>,
    %swap3A_181 = arith.constant 5 : i32
    %swap3A_182 = arith.index_cast %swap3A_181 : i32 to index
    %swap3A_183 = arith.constant 80 : index
    %swap3A_184 = tpu.vector_load %arg15[%swap3A_182, %swap3A_183] {strides = array<i32>} : memref<128x128xf32, #tpu.memory_space<vmem>>, vector<16xf32>,
    tpu.vector_store %arg15[%swap3A_182, %swap3A_183], %broadcast_in_dim3A_1 {strides = array<i32>} : memref<128x128xf32, #tpu.memory_space<vmem>>, vector<16xf32>,
    %swap3A_185 = arith.constant 5 : i32
    %swap3A_186 = arith.index_cast %swap3A_185 : i32 to index
    %swap3A_187 = arith.constant 96 : index
    %swap3A_188 = tpu.vector_load %arg15[%swap3A_186, %swap3A_187] {strides = array<i32>} : memref<128x128xf32, #tpu.memory_space<vmem>>, vector<16xf32>,
    tpu.vector_store %arg15[%swap3A_186, %swap3A_187], %broadcast_in_dim3A_1 {strides = array<i32>} : memref<128x128xf32, #tpu.memory_space<vmem>>, vector<16xf32>,
    %swap3A_189 = arith.constant 5 : i32
    %swap3A_190 = arith.index_cast %swap3A_189 : i32 to index
    %swap3A_191 = arith.constant 112 : index
    %swap3A_192 = tpu.vector_load %arg15[%swap3A_190, %swap3A_191] {strides = array<i32>} : memref<128x128xf32, #tpu.memory_space<vmem>>, vector<16xf32>,
    tpu.vector_store %arg15[%swap3A_190, %swap3A_191], %broadcast_in_dim3A_1 {strides = array<i32>} : memref<128x128xf32, #tpu.memory_space<vmem>>, vector<16xf32>,
    %swap3A_193 = arith.constant 6 : i32
    %swap3A_194 = arith.index_cast %swap3A_193 : i32 to index
    %swap3A_195 = arith.constant 0 : index
    %swap3A_196 = tpu.vector_load %arg15[%swap3A_194, %swap3A_195] {strides = array<i32>} : memref<128x128xf32, #tpu.memory_space<vmem>>, vector<16xf32>,
    tpu.vector_store %arg15[%swap3A_194, %swap3A_195], %broadcast_in_dim3A_1 {strides = array<i32>} : memref<128x128xf32, #tpu.memory_space<vmem>>, vector<16xf32>,
    %swap3A_197 = arith.constant 6 : i32
    %swap3A_198 = arith.index_cast %swap3A_197 : i32 to index
    %swap3A_199 = arith.constant 16 : index
    %swap3A_200 = tpu.vector_load %arg15[%swap3A_198, %swap3A_199] {strides = array<i32>} : memref<128x128xf32, #tpu.memory_space<vmem>>, vector<16xf32>,
    tpu.vector_store %arg15[%swap3A_198, %swap3A_199], %broadcast_in_dim3A_1 {strides = array<i32>} : memref<128x128xf32, #tpu.memory_space<vmem>>, vector<16xf32>,
    %swap3A_201 = arith.constant 6 : i32
    %swap3A_202 = arith.index_cast %swap3A_201 : i32 to index
    %swap3A_203 = arith.constant 32 : index
    %swap3A_204 = tpu.vector_load %arg15[%swap3A_202, %swap3A_203] {strides = array<i32>} : memref<128x128xf32, #tpu.memory_space<vmem>>, vector<16xf32>,
    tpu.vector_store %arg15[%swap3A_202, %swap3A_203], %broadcast_in_dim3A_1 {strides = array<i32>} : memref<128x128xf32, #tpu.memory_space<vmem>>, vector<16xf32>,
    %swap3A_205 = arith.constant 6 : i32
    %swap3A_206 = arith.index_cast %swap3A_205 : i32 to index
    %swap3A_207 = arith.constant 48 : index
    %swap3A_208 = tpu.vector_load %arg15[%swap3A_206, %swap3A_207] {strides = array<i32>} : memref<128x128xf32, #tpu.memory_space<vmem>>, vector<16xf32>,
    tpu.vector_store %arg15[%swap3A_206, %swap3A_207], %broadcast_in_dim3A_1 {strides = array<i32>} : memref<128x128xf32, #tpu.memory_space<vmem>>, vector<16xf32>,
    %swap3A_209 = arith.constant 6 : i32
    %swap3A_210 = arith.index_cast %swap3A_209 : i32 to index
    %swap3A_211 = arith.constant 64 : index
    %swap3A_212 = tpu.vector_load %arg15[%swap3A_210, %swap3A_211] {strides = array<i32>} : memref<128x128xf32, #tpu.memory_space<vmem>>, vector<16xf32>,
    tpu.vector_store %arg15[%swap3A_210, %swap3A_211], %broadcast_in_dim3A_1 {strides = array<i32>} : memref<128x128xf32, #tpu.memory_space<vmem>>, vector<16xf32>,
    %swap3A_213 = arith.constant 6 : i32
    %swap3A_214 = arith.index_cast %swap3A_213 : i32 to index
    %swap3A_215 = arith.constant 80 : index
    %swap3A_216 = tpu.vector_load %arg15[%swap3A_214, %swap3A_215] {strides = array<i32>} : memref<128x128xf32, #tpu.memory_space<vmem>>, vector<16xf32>,
    tpu.vector_store %arg15[%swap3A_214, %swap3A_215], %broadcast_in_dim3A_1 {strides = array<i32>} : memref<128x128xf32, #tpu.memory_space<vmem>>, vector<16xf32>,
    %swap3A_217 = arith.constant 6 : i32
    %swap3A_218 = arith.index_cast %swap3A_217 : i32 to index
    %swap3A_219 = arith.constant 96 : index
    %swap3A_220 = tpu.vector_load %arg15[%swap3A_218, %swap3A_219] {strides = array<i32>} : memref<128x128xf32, #tpu.memory_space<vmem>>, vector<16xf32>,
    tpu.vector_store %arg15[%swap3A_218, %swap3A_219], %broadcast_in_dim3A_1 {strides = array<i32>} : memref<128x128xf32, #tpu.memory_space<vmem>>, vector<16xf32>,
    %swap3A_221 = arith.constant 6 : i32
    %swap3A_222 = arith.index_cast %swap3A_221 : i32 to index
    %swap3A_223 = arith.constant 112 : index
    %swap3A_224 = tpu.vector_load %arg15[%swap3A_222, %swap3A_223] {strides = array<i32>} : memref<128x128xf32, #tpu.memory_space<vmem>>, vector<16xf32>,
    tpu.vector_store %arg15[%swap3A_222, %swap3A_223], %broadcast_in_dim3A_1 {strides = array<i32>} : memref<128x128xf32, #tpu.memory_space<vmem>>, vector<16xf32>,
    %swap3A_225 = arith.constant 7 : i32
    %swap3A_226 = arith.index_cast %swap3A_225 : i32 to index
    %swap3A_227 = arith.constant 0 : index
    %swap3A_228 = tpu.vector_load %arg15[%swap3A_226, %swap3A_227] {strides = array<i32>} : memref<128x128xf32, #tpu.memory_space<vmem>>, vector<16xf32>,
    tpu.vector_store %arg15[%swap3A_226, %swap3A_227], %broadcast_in_dim3A_1 {strides = array<i32>} : memref<128x128xf32, #tpu.memory_space<vmem>>, vector<16xf32>,
    %swap3A_229 = arith.constant 7 : i32
    %swap3A_230 = arith.index_cast %swap3A_229 : i32 to index
    %swap3A_231 = arith.constant 16 : index
    %swap3A_232 = tpu.vector_load %arg15[%swap3A_230, %swap3A_231] {strides = array<i32>} : memref<128x128xf32, #tpu.memory_space<vmem>>, vector<16xf32>,
    tpu.vector_store %arg15[%swap3A_230, %swap3A_231], %broadcast_in_dim3A_1 {strides = array<i32>} : memref<128x128xf32, #tpu.memory_space<vmem>>, vector<16xf32>,
    %swap3A_233 = arith.constant 7 : i32
    %swap3A_234 = arith.index_cast %swap3A_233 : i32 to index
    %swap3A_235 = arith.constant 32 : index
    %swap3A_236 = tpu.vector_load %arg15[%swap3A_234, %swap3A_235] {strides = array<i32>} : memref<128x128xf32, #tpu.memory_space<vmem>>, vector<16xf32>,
    tpu.vector_store %arg15[%swap3A_234, %swap3A_235], %broadcast_in_dim3A_1 {strides = array<i32>} : memref<128x128xf32, #tpu.memory_space<vmem>>, vector<16xf32>,
    %swap3A_237 = arith.constant 7 : i32
    %swap3A_238 = arith.index_cast %swap3A_237 : i32 to index
    %swap3A_239 = arith.constant 48 : index
    %swap3A_240 = tpu.vector_load %arg15[%swap3A_238, %swap3A_239] {strides = array<i32>} : memref<128x128xf32, #tpu.memory_space<vmem>>, vector<16xf32>,
    tpu.vector_store %arg15[%swap3A_238, %swap3A_239], %broadcast_in_dim3A_1 {strides = array<i32>} : memref<128x128xf32, #tpu.memory_space<vmem>>, vector<16xf32>,
    %swap3A_241 = arith.constant 7 : i32
    %swap3A_242 = arith.index_cast %swap3A_241 : i32 to index
    %swap3A_243 = arith.constant 64 : index
    %swap3A_244 = tpu.vector_load %arg15[%swap3A_242, %swap3A_243] {strides = array<i32>} : memref<128x128xf32, #tpu.memory_space<vmem>>, vector<16xf32>,
    tpu.vector_store %arg15[%swap3A_242, %swap3A_243], %broadcast_in_dim3A_1 {strides = array<i32>} : memref<128x128xf32, #tpu.memory_space<vmem>>, vector<16xf32>,
    %swap3A_245 = arith.constant 7 : i32
    %swap3A_246 = arith.index_cast %swap3A_245 : i32 to index
    %swap3A_247 = arith.constant 80 : index
    %swap3A_248 = tpu.vector_load %arg15[%swap3A_246, %swap3A_247] {strides = array<i32>} : memref<128x128xf32, #tpu.memory_space<vmem>>, vector<16xf32>,
    tpu.vector_store %arg15[%swap3A_246, %swap3A_247], %broadcast_in_dim3A_1 {strides = array<i32>} : memref<128x128xf32, #tpu.memory_space<vmem>>, vector<16xf32>,
    %swap3A_249 = arith.constant 7 : i32
    %swap3A_250 = arith.index_cast %swap3A_249 : i32 to index
    %swap3A_251 = arith.constant 96 : index
    %swap3A_252 = tpu.vector_load %arg15[%swap3A_250, %swap3A_251] {strides = array<i32>} : memref<128x128xf32, #tpu.memory_space<vmem>>, vector<16xf32>,
    tpu.vector_store %arg15[%swap3A_250, %swap3A_251], %broadcast_in_dim3A_1 {strides = array<i32>} : memref<128x128xf32, #tpu.memory_space<vmem>>, vector<16xf32>,
    %swap3A_253 = arith.constant 7 : i32
    %swap3A_254 = arith.index_cast %swap3A_253 : i32 to index
    %swap3A_255 = arith.constant 112 : index
    %swap3A_256 = tpu.vector_load %arg15[%swap3A_254, %swap3A_255] {strides = array<i32>} : memref<128x128xf32, #tpu.memory_space<vmem>>, vector<16xf32>,
    tpu.vector_store %arg15[%swap3A_254, %swap3A_255], %broadcast_in_dim3A_1 {strides = array<i32>} : memref<128x128xf32, #tpu.memory_space<vmem>>, vector<16xf32>,
    %scan3A = arith.constant 0 : i32
    %scan3A_257 = arith.constant 0 : i32
    %scan3A_258 = arith.constant 79 : i32
    %scan3A_259 = arith.addi %scan3A_257, %scan3A_258 : i32
    %scan3A_260 = arith.constant 1 : i32
    %scan3A_261 = scf.for %scan3A_309 = %scan3A_257 to %scan3A_259 step %scan3A_260 iter_args(%scan3A_310 = %scan3A) -> (i32)  : i32 {
      %mul3A_311 = arith.constant 632 : i32
      %mul3A_312 = arith.muli %arg1, %mul3A_311 : i32
      %mul3A_313 = arith.constant 8 : i32
      %mul3A_314 = arith.muli %scan3A_309, %mul3A_313 : i32
      %add3A_315 = arith.addi %mul3A_312, %mul3A_314 : i32
      "tpu.region"() ({
        %run_scoped3A = tpu.sem_alloc : memref<!tpu.dma_semaphore, #tpu.memory_space<semaphore_mem>>
        %dma_start3A = arith.constant 0 : i32
        %dma_start3A_317 = arith.constant 0 : i32
        %dma_start3A_318 = tpu.memref_slice %arg15[%dma_start3A, %dma_start3A_317] : memref<128x128xf32, #tpu.memory_space<vmem>> -> memref<8x128xf32, #tpu.memory_space<vmem>>
        %dma_start3A_319 = arith.constant 0 : i32
        %dma_start3A_320 = tpu.memref_slice %arg17[%add3A_315, %dma_start3A_319] : memref<10112x128xf32, #tpu.memory_space<vmem_shared>> -> memref<8x128xf32, #tpu.memory_space<vmem_shared>>
        %dma_start3A_321 = arith.constant 0 : i32
        %dma_start3A_322 = tpu.memref_slice %arg17[%add3A_315, %dma_start3A_321] : memref<10112x128xf32, #tpu.memory_space<vmem_shared>> -> memref<8x128xf32, #tpu.memory_space<vmem_shared>>
        %dma_start3A_323 = arith.constant 0 : i32
        %dma_start3A_324 = arith.constant 0 : i32
        %dma_start3A_325 = tpu.memref_slice %arg15[%dma_start3A_323, %dma_start3A_324] : memref<128x128xf32, #tpu.memory_space<vmem>> -> memref<8x128xf32, #tpu.memory_space<vmem>>
        tpu.enqueue_dma source(%dma_start3A_325 : memref<8x128xf32, #tpu.memory_space<vmem>>) target(%dma_start3A_322 : memref<8x128xf32, #tpu.memory_space<vmem_shared>>) target_semaphore(%run_scoped3A : memref<!tpu.dma_semaphore, #tpu.memory_space<semaphore_mem>>)
        %dma_wait3A_326 = arith.constant 0 : i32
        %dma_wait3A_327 = arith.constant 0 : i32
        %dma_wait3A_328 = tpu.memref_slice %arg15[%dma_wait3A_326, %dma_wait3A_327] : memref<128x128xf32, #tpu.memory_space<vmem>> -> memref<8x128xf32, #tpu.memory_space<vmem>>
        %dma_wait3A_329 = arith.constant 0 : i32
        %dma_wait3A_330 = tpu.memref_slice %arg17[%add3A_315, %dma_wait3A_329] : memref<10112x128xf32, #tpu.memory_space<vmem_shared>> -> memref<8x128xf32, #tpu.memory_space<vmem_shared>>
        %dma_wait3A_331 = arith.constant 0 : i32
        %dma_wait3A_332 = tpu.memref_slice %arg17[%add3A_315, %dma_wait3A_331] : memref<10112x128xf32, #tpu.memory_space<vmem_shared>> -> memref<8x128xf32, #tpu.memory_space<vmem_shared>>
        %dma_wait3A_333 = arith.constant 0 : i32
        %dma_wait3A_334 = arith.constant 0 : i32
        %dma_wait3A_335 = tpu.memref_slice %arg15[%dma_wait3A_333, %dma_wait3A_334] : memref<128x128xf32, #tpu.memory_space<vmem>> -> memref<8x128xf32, #tpu.memory_space<vmem>>
        tpu.wait_dma2 semaphore(%run_scoped3A : memref<!tpu.dma_semaphore, #tpu.memory_space<semaphore_mem>>) src(%dma_wait3A_335 : memref<8x128xf32, #tpu.memory_space<vmem>>) dst(%dma_wait3A_332 : memref<8x128xf32, #tpu.memory_space<vmem_shared>>)
        tpu.yield
      }) : () -> ()
      %scan3A_316 = arith.constant 0 : i32
      scf.yield %scan3A_316 : i32
    }
    %scan3A_262 = arith.constant 79 : i32
    %scan3A_263 = arith.constant 0 : i32
    %scan3A_264 = arith.constant 0 : i32
    %scan3A_265 = arith.constant 8 : i32
    %scan3A_266 = arith.addi %scan3A_264, %scan3A_265 : i32
    %scan3A_267 = arith.constant 1 : i32
    %scan3A_268 = scf.for %scan3A_309 = %scan3A_264 to %scan3A_266 step %scan3A_267 iter_args(%scan3A_310 = %scan3A_263) -> (i32)  : i32 {
      %mul3A_311 = arith.constant 1264 : i32
      %mul3A_312 = arith.muli %scan3A_309, %mul3A_311 : i32
      "tpu.region"() ({
        %run_scoped3A = tpu.sem_alloc : memref<!tpu.dma_semaphore, #tpu.memory_space<semaphore_mem>>
        %dma_start3A = tpu.memref_slice %arg6[%mul3A_312] : memref<20224xf32, #tpu.memory_space<hbm>> -> memref<1264xf32, #tpu.memory_space<hbm>>
        %dma_start3A_325 = tpu.memref_slice %arg6[%mul3A_312] : memref<20224xf32, #tpu.memory_space<hbm>> -> memref<1264xf32, #tpu.memory_space<hbm>>
        tpu.enqueue_dma source(%dma_start3A_325 : memref<1264xf32, #tpu.memory_space<hbm>>) target(%arg11 : memref<1264xf32, #tpu.memory_space<vmem>>) target_semaphore(%run_scoped3A : memref<!tpu.dma_semaphore, #tpu.memory_space<semaphore_mem>>)
        %dma_wait3A_326 = tpu.memref_slice %arg6[%mul3A_312] : memref<20224xf32, #tpu.memory_space<hbm>> -> memref<1264xf32, #tpu.memory_space<hbm>>
        %dma_wait3A_327 = tpu.memref_slice %arg6[%mul3A_312] : memref<20224xf32, #tpu.memory_space<hbm>> -> memref<1264xf32, #tpu.memory_space<hbm>>
        tpu.wait_dma2 semaphore(%run_scoped3A : memref<!tpu.dma_semaphore, #tpu.memory_space<semaphore_mem>>) src(%dma_wait3A_327 : memref<1264xf32, #tpu.memory_space<hbm>>) dst(%arg11 : memref<1264xf32, #tpu.memory_space<vmem>>)
        tpu.yield
      }) : () -> ()
      %mul3A_313 = arith.constant 1264 : i32
      %mul3A_314 = arith.muli %scan3A_309, %mul3A_313 : i32
      %add3A_315 = arith.constant 10112 : i32
      %add3A_316 = arith.addi %add3A_315, %mul3A_314 : i32
      "tpu.region"() ({
        %run_scoped3A = tpu.sem_alloc : memref<!tpu.dma_semaphore, #tpu.memory_space<semaphore_mem>>
        %dma_start3A = tpu.memref_slice %arg6[%add3A_316] : memref<20224xf32, #tpu.memory_space<hbm>> -> memref<1264xf32, #tpu.memory_space<hbm>>
        %dma_start3A_325 = tpu.memref_slice %arg6[%add3A_316] : memref<20224xf32, #tpu.memory_space<hbm>> -> memref<1264xf32, #tpu.memory_space<hbm>>
        tpu.enqueue_dma source(%dma_start3A_325 : memref<1264xf32, #tpu.memory_space<hbm>>) target(%arg12 : memref<1264xf32, #tpu.memory_space<vmem>>) target_semaphore(%run_scoped3A : memref<!tpu.dma_semaphore, #tpu.memory_space<semaphore_mem>>)
        %dma_wait3A_326 = tpu.memref_slice %arg6[%add3A_316] : memref<20224xf32, #tpu.memory_space<hbm>> -> memref<1264xf32, #tpu.memory_space<hbm>>
        %dma_wait3A_327 = tpu.memref_slice %arg6[%add3A_316] : memref<20224xf32, #tpu.memory_space<hbm>> -> memref<1264xf32, #tpu.memory_space<hbm>>
        tpu.wait_dma2 semaphore(%run_scoped3A : memref<!tpu.dma_semaphore, #tpu.memory_space<semaphore_mem>>) src(%dma_wait3A_327 : memref<1264xf32, #tpu.memory_space<hbm>>) dst(%arg12 : memref<1264xf32, #tpu.memory_space<vmem>>)
        tpu.yield
      }) : () -> ()
      %scan3A_317 = arith.constant 0 : i32
      %scan3A_318 = arith.constant 0 : i32
      %scan3A_319 = arith.constant 79 : i32
      %scan3A_320 = arith.addi %scan3A_318, %scan3A_319 : i32
      %scan3A_321 = arith.constant 1 : i32
      %scan3A_322 = scf.for %scan3A_325 = %scan3A_318 to %scan3A_320 step %scan3A_321 iter_args(%scan3A_326 = %scan3A_317) -> (i32)  : i32 {
        %mul3A_327 = arith.constant 16 : i32
        %mul3A_328 = arith.muli %scan3A_325, %mul3A_327 : i32
        %get3A = arith.index_cast %mul3A_328 : i32 to index
        %get3A_329 = tpu.vector_load %arg11[%get3A] {strides = array<i32>} : memref<1264xf32, #tpu.memory_space<vmem>>, vector<16xf32>,
        %mul3A_330 = arith.constant 16 : i32
        %mul3A_331 = arith.muli %scan3A_325, %mul3A_330 : i32
        %get3A_332 = arith.index_cast %mul3A_331 : i32 to index
        %get3A_333 = tpu.vector_load %arg12[%get3A_332] {strides = array<i32>} : memref<1264xf32, #tpu.memory_space<vmem>>, vector<16xf32>,
        %add3A_334 = arith.addf %get3A_329, %get3A_333 : vector<16xf32>
        %bitcast_convert_type3A = tpu.bitcast %add3A_334 : vector<16xf32> -> vector<16xi32>
        %shift_right_arithmetic3A = arith.constant 1 : i32
        %shift_right_arithmetic3A_335 = vector.broadcast %shift_right_arithmetic3A : i32 to vector<16xi32>
        %shift_right_arithmetic3A_336 = arith.shrsi %bitcast_convert_type3A, %shift_right_arithmetic3A_335 : vector<16xi32>
        %sub3A = arith.constant 1597463007 : i32
        %sub3A_337 = vector.broadcast %sub3A : i32 to vector<16xi32>
        %sub3A_338 = arith.subi %sub3A_337, %shift_right_arithmetic3A_336 : vector<16xi32>
        %bitcast_convert_type3A_339 = tpu.bitcast %sub3A_338 : vector<16xi32> -> vector<16xf32>
        %mul3A_340 = arith.constant 5.000000e-01 : f32
        %mul3A_341 = vector.broadcast %mul3A_340 : f32 to vector<16xf32>
        %mul3A_342 = arith.mulf %mul3A_341, %add3A_334 : vector<16xf32>
        %mul3A_343 = arith.mulf %mul3A_342, %bitcast_convert_type3A_339 : vector<16xf32>
        %mul3A_344 = arith.mulf %mul3A_343, %bitcast_convert_type3A_339 : vector<16xf32>
        %sub3A_345 = arith.constant 1.500000e+00 : f32
        %sub3A_346 = vector.broadcast %sub3A_345 : f32 to vector<16xf32>
        %sub3A_347 = arith.subf %sub3A_346, %mul3A_344 : vector<16xf32>
        %mul3A_348 = arith.mulf %bitcast_convert_type3A_339, %sub3A_347 : vector<16xf32>
        %mul3A_349 = arith.constant 5.000000e-01 : f32
        %mul3A_350 = vector.broadcast %mul3A_349 : f32 to vector<16xf32>
        %mul3A_351 = arith.mulf %mul3A_350, %add3A_334 : vector<16xf32>
        %mul3A_352 = arith.mulf %mul3A_351, %mul3A_348 : vector<16xf32>
        %mul3A_353 = arith.mulf %mul3A_352, %mul3A_348 : vector<16xf32>
        %sub3A_354 = arith.constant 1.500000e+00 : f32
        %sub3A_355 = vector.broadcast %sub3A_354 : f32 to vector<16xf32>
        %sub3A_356 = arith.subf %sub3A_355, %mul3A_353 : vector<16xf32>
        %mul3A_357 = arith.mulf %mul3A_348, %sub3A_356 : vector<16xf32>
        %mul3A_358 = arith.constant 5.000000e-01 : f32
        %mul3A_359 = vector.broadcast %mul3A_358 : f32 to vector<16xf32>
        %mul3A_360 = arith.mulf %mul3A_359, %add3A_334 : vector<16xf32>
        %mul3A_361 = arith.mulf %mul3A_360, %mul3A_357 : vector<16xf32>
        %mul3A_362 = arith.mulf %mul3A_361, %mul3A_357 : vector<16xf32>
        %sub3A_363 = arith.constant 1.500000e+00 : f32
        %sub3A_364 = vector.broadcast %sub3A_363 : f32 to vector<16xf32>
        %sub3A_365 = arith.subf %sub3A_364, %mul3A_362 : vector<16xf32>
        %mul3A_366 = arith.mulf %mul3A_357, %sub3A_365 : vector<16xf32>
        %gt3A = arith.constant 5.000000e-01 : f32
        %gt3A_367 = vector.broadcast %gt3A : f32 to vector<16xf32>
        %gt3A_368 = arith.cmpf ogt, %add3A_334, %gt3A_367 : vector<16xf32>
        %jit3A = arith.constant 0.000000e+00 : f32
        %broadcast_in_dim3A_369 = vector.broadcast %jit3A : f32 to vector<16xf32>
        %select_n3A = arith.select %gt3A_368, %mul3A_366, %broadcast_in_dim3A_369 : vector<16xi1>, vector<16xf32>
        %mul3A_370 = arith.constant 1264 : i32
        %mul3A_371 = arith.muli %scan3A_309, %mul3A_370 : i32
        %mul3A_372 = arith.constant 16 : i32
        %mul3A_373 = arith.muli %scan3A_325, %mul3A_372 : i32
        %add3A_374 = arith.addi %mul3A_371, %mul3A_373 : i32
        %swap3A_375 = arith.index_cast %add3A_374 : i32 to index
        %swap3A_376 = tpu.vector_load %arg13[%swap3A_375] {strides = array<i32>} : memref<10112xf32, #tpu.memory_space<vmem>>, vector<16xf32>,
        tpu.vector_store %arg13[%swap3A_375], %select_n3A {strides = array<i32>} : memref<10112xf32, #tpu.memory_space<vmem>>, vector<16xf32>,
        %scan3A_377 = arith.constant 0 : i32
        scf.yield %scan3A_377 : i32
      }
      %scan3A_323 = arith.constant 79 : i32
      %scan3A_324 = arith.constant 0 : i32
      scf.yield %scan3A_324 : i32
    }
    %scan3A_269 = arith.constant 8 : i32
    %scan3A_270 = arith.constant 0 : i32
    %scan3A_271 = arith.constant 0 : i32
    %scan3A_272 = arith.constant 7 : i32
    %scan3A_273 = arith.addi %scan3A_271, %scan3A_272 : i32
    %scan3A_274 = arith.constant 1 : i32
    %scan3A_275 = scf.for %scan3A_309 = %scan3A_271 to %scan3A_273 step %scan3A_274 iter_args(%scan3A_310 = %scan3A_270) -> (i32)  : i32 {
      %mul3A_311 = arith.constant 16 : i32
      %mul3A_312 = arith.muli %scan3A_309, %mul3A_311 : i32
      %add3A_313 = arith.constant 10000 : i32
      %add3A_314 = arith.addi %add3A_313, %mul3A_312 : i32
      %swap3A_315 = arith.index_cast %add3A_314 : i32 to index
      %swap3A_316 = tpu.vector_load %arg13[%swap3A_315] {strides = array<i32>} : memref<10112xf32, #tpu.memory_space<vmem>>, vector<16xf32>,
      tpu.vector_store %arg13[%swap3A_315], %broadcast_in_dim3A_1 {strides = array<i32>} : memref<10112xf32, #tpu.memory_space<vmem>>, vector<16xf32>,
      %scan3A_317 = arith.constant 0 : i32
      scf.yield %scan3A_317 : i32
    }
    %scan3A_276 = arith.constant 7 : i32
    %barrier3A = arith.constant 0 : index
    tpu.barrier barrier_id(%barrier3A)
    %scan3A_277 = arith.constant 0 : i32
    %scan3A_278 = arith.constant 0 : i32
    %scan3A_279 = arith.constant 10 : i32
    %scan3A_280 = arith.addi %scan3A_278, %scan3A_279 : i32
    %scan3A_281 = arith.constant 1 : i32
    %scan3A_282 = scf.for %scan3A_309 = %scan3A_278 to %scan3A_280 step %scan3A_281 iter_args(%scan3A_310 = %scan3A_277) -> (i32)  : i32 {
      %gt3A = arith.constant 0 : i32
      %gt3A_311 = arith.cmpi sgt, %scan3A_309, %gt3A : i32
      %convert_element_type3A = arith.extui %gt3A_311 : i1 to i32
      %cond3A = arith.constant 0 : i32
      %cond3A_312 = arith.cmpi ne, %convert_element_type3A, %cond3A : i32
      scf.if %cond3A_312 {
        %dma_wait3A_327 = arith.constant 0 : i32
        %dma_wait3A_328 = arith.constant 0 : i32
        %dma_wait3A_329 = tpu.memref_slice %arg9[%dma_wait3A_327, %dma_wait3A_328] : memref<8x128xi32, #tpu.memory_space<vmem>> -> memref<1x128xi32, #tpu.memory_space<vmem>>
        %dma_wait3A_330 = tpu.memref_squeeze %dma_wait3A_329 : memref<1x128xi32, #tpu.memory_space<vmem>> -> memref<128xi32, #tpu.memory_space<vmem>>
        %dma_wait3A_331 = arith.constant 0 : i32
        %dma_wait3A_332 = arith.constant 0 : i32
        %dma_wait3A_333 = tpu.memref_slice %arg17[%dma_wait3A_331, %dma_wait3A_332] : memref<10112x128xf32, #tpu.memory_space<vmem_shared>> -> memref<10112x128xf32, #tpu.memory_space<vmem_shared>>
        tpu.wait_indirect_dma semaphore(%arg20 : memref<!tpu.dma_semaphore, #tpu.memory_space<semaphore_mem>>) src(%arg15 : memref<128x128xf32, #tpu.memory_space<vmem>>) dst(%dma_wait3A_333 : memref<10112x128xf32, #tpu.memory_space<vmem_shared>>)
        %dma_wait3A_334 = arith.constant 0 : i32
        %dma_wait3A_335 = arith.constant 0 : i32
        %dma_wait3A_336 = tpu.memref_slice %arg9[%dma_wait3A_334, %dma_wait3A_335] : memref<8x128xi32, #tpu.memory_space<vmem>> -> memref<1x128xi32, #tpu.memory_space<vmem>>
        %dma_wait3A_337 = tpu.memref_squeeze %dma_wait3A_336 : memref<1x128xi32, #tpu.memory_space<vmem>> -> memref<128xi32, #tpu.memory_space<vmem>>
        %dma_wait3A_338 = arith.constant 0 : i32
        %dma_wait3A_339 = arith.constant 0 : i32
        %dma_wait3A_340 = tpu.memref_slice %arg17[%dma_wait3A_338, %dma_wait3A_339] : memref<10112x128xf32, #tpu.memory_space<vmem_shared>> -> memref<10112x128xf32, #tpu.memory_space<vmem_shared>>
        tpu.wait_indirect_dma semaphore(%arg21 : memref<!tpu.dma_semaphore, #tpu.memory_space<semaphore_mem>>) src(%arg15 : memref<128x128xf32, #tpu.memory_space<vmem>>) dst(%dma_wait3A_340 : memref<10112x128xf32, #tpu.memory_space<vmem_shared>>)
      } else {
      }
      %mul3A_313 = arith.constant 8 : i32
      %mul3A_314 = arith.muli %scan3A_309, %mul3A_313 : i32
      "tpu.region"() ({
        %run_scoped3A = tpu.sem_alloc : memref<!tpu.dma_semaphore, #tpu.memory_space<semaphore_mem>>
        %dma_start3A = arith.constant 0 : i32
        %dma_start3A_327 = tpu.memref_slice %arg3[%add3A, %mul3A_314, %dma_start3A] : memref<32x80x128xi32, #tpu.memory_space<hbm>> -> memref<1x8x128xi32, #tpu.memory_space<hbm>>
        %dma_start3A_328 = tpu.memref_squeeze %dma_start3A_327 : memref<1x8x128xi32, #tpu.memory_space<hbm>> -> memref<8x128xi32, #tpu.memory_space<hbm>>
        %dma_start3A_329 = arith.constant 0 : i32
        %dma_start3A_330 = tpu.memref_slice %arg3[%add3A, %mul3A_314, %dma_start3A_329] : memref<32x80x128xi32, #tpu.memory_space<hbm>> -> memref<1x8x128xi32, #tpu.memory_space<hbm>>
        %dma_start3A_331 = tpu.memref_squeeze %dma_start3A_330 : memref<1x8x128xi32, #tpu.memory_space<hbm>> -> memref<8x128xi32, #tpu.memory_space<hbm>>
        tpu.enqueue_dma source(%dma_start3A_331 : memref<8x128xi32, #tpu.memory_space<hbm>>) target(%arg8 : memref<8x128xi32, #tpu.memory_space<vmem>>) target_semaphore(%run_scoped3A : memref<!tpu.dma_semaphore, #tpu.memory_space<semaphore_mem>>)
        %dma_wait3A_332 = arith.constant 0 : i32
        %dma_wait3A_333 = tpu.memref_slice %arg3[%add3A, %mul3A_314, %dma_wait3A_332] : memref<32x80x128xi32, #tpu.memory_space<hbm>> -> memref<1x8x128xi32, #tpu.memory_space<hbm>>
        %dma_wait3A_334 = tpu.memref_squeeze %dma_wait3A_333 : memref<1x8x128xi32, #tpu.memory_space<hbm>> -> memref<8x128xi32, #tpu.memory_space<hbm>>
        %dma_wait3A_335 = arith.constant 0 : i32
        %dma_wait3A_336 = tpu.memref_slice %arg3[%add3A, %mul3A_314, %dma_wait3A_335] : memref<32x80x128xi32, #tpu.memory_space<hbm>> -> memref<1x8x128xi32, #tpu.memory_space<hbm>>
        %dma_wait3A_337 = tpu.memref_squeeze %dma_wait3A_336 : memref<1x8x128xi32, #tpu.memory_space<hbm>> -> memref<8x128xi32, #tpu.memory_space<hbm>>
        tpu.wait_dma2 semaphore(%run_scoped3A : memref<!tpu.dma_semaphore, #tpu.memory_space<semaphore_mem>>) src(%dma_wait3A_337 : memref<8x128xi32, #tpu.memory_space<hbm>>) dst(%arg8 : memref<8x128xi32, #tpu.memory_space<vmem>>)
        tpu.yield
      }) : () -> ()
      %mul3A_315 = arith.constant 8 : i32
      %mul3A_316 = arith.muli %scan3A_309, %mul3A_315 : i32
      "tpu.region"() ({
        %run_scoped3A = tpu.sem_alloc : memref<!tpu.dma_semaphore, #tpu.memory_space<semaphore_mem>>
        %dma_start3A = arith.constant 0 : i32
        %dma_start3A_327 = tpu.memref_slice %arg4[%add3A, %mul3A_316, %dma_start3A] : memref<32x80x128xi32, #tpu.memory_space<hbm>> -> memref<1x8x128xi32, #tpu.memory_space<hbm>>
        %dma_start3A_328 = tpu.memref_squeeze %dma_start3A_327 : memref<1x8x128xi32, #tpu.memory_space<hbm>> -> memref<8x128xi32, #tpu.memory_space<hbm>>
        %dma_start3A_329 = arith.constant 0 : i32
        %dma_start3A_330 = tpu.memref_slice %arg4[%add3A, %mul3A_316, %dma_start3A_329] : memref<32x80x128xi32, #tpu.memory_space<hbm>> -> memref<1x8x128xi32, #tpu.memory_space<hbm>>
        %dma_start3A_331 = tpu.memref_squeeze %dma_start3A_330 : memref<1x8x128xi32, #tpu.memory_space<hbm>> -> memref<8x128xi32, #tpu.memory_space<hbm>>
        tpu.enqueue_dma source(%dma_start3A_331 : memref<8x128xi32, #tpu.memory_space<hbm>>) target(%arg9 : memref<8x128xi32, #tpu.memory_space<vmem>>) target_semaphore(%run_scoped3A : memref<!tpu.dma_semaphore, #tpu.memory_space<semaphore_mem>>)
        %dma_wait3A_332 = arith.constant 0 : i32
        %dma_wait3A_333 = tpu.memref_slice %arg4[%add3A, %mul3A_316, %dma_wait3A_332] : memref<32x80x128xi32, #tpu.memory_space<hbm>> -> memref<1x8x128xi32, #tpu.memory_space<hbm>>
        %dma_wait3A_334 = tpu.memref_squeeze %dma_wait3A_333 : memref<1x8x128xi32, #tpu.memory_space<hbm>> -> memref<8x128xi32, #tpu.memory_space<hbm>>
        %dma_wait3A_335 = arith.constant 0 : i32
        %dma_wait3A_336 = tpu.memref_slice %arg4[%add3A, %mul3A_316, %dma_wait3A_335] : memref<32x80x128xi32, #tpu.memory_space<hbm>> -> memref<1x8x128xi32, #tpu.memory_space<hbm>>
        %dma_wait3A_337 = tpu.memref_squeeze %dma_wait3A_336 : memref<1x8x128xi32, #tpu.memory_space<hbm>> -> memref<8x128xi32, #tpu.memory_space<hbm>>
        tpu.wait_dma2 semaphore(%run_scoped3A : memref<!tpu.dma_semaphore, #tpu.memory_space<semaphore_mem>>) src(%dma_wait3A_337 : memref<8x128xi32, #tpu.memory_space<hbm>>) dst(%arg9 : memref<8x128xi32, #tpu.memory_space<vmem>>)
        tpu.yield
      }) : () -> ()
      %mul3A_317 = arith.constant 8 : i32
      %mul3A_318 = arith.muli %scan3A_309, %mul3A_317 : i32
      "tpu.region"() ({
        %run_scoped3A = tpu.sem_alloc : memref<!tpu.dma_semaphore, #tpu.memory_space<semaphore_mem>>
        %dma_start3A = arith.constant 0 : i32
        %dma_start3A_327 = tpu.memref_slice %arg5[%add3A, %mul3A_318, %dma_start3A] : memref<32x80x128xf32, #tpu.memory_space<hbm>> -> memref<1x8x128xf32, #tpu.memory_space<hbm>>
        %dma_start3A_328 = tpu.memref_squeeze %dma_start3A_327 : memref<1x8x128xf32, #tpu.memory_space<hbm>> -> memref<8x128xf32, #tpu.memory_space<hbm>>
        %dma_start3A_329 = arith.constant 0 : i32
        %dma_start3A_330 = tpu.memref_slice %arg5[%add3A, %mul3A_318, %dma_start3A_329] : memref<32x80x128xf32, #tpu.memory_space<hbm>> -> memref<1x8x128xf32, #tpu.memory_space<hbm>>
        %dma_start3A_331 = tpu.memref_squeeze %dma_start3A_330 : memref<1x8x128xf32, #tpu.memory_space<hbm>> -> memref<8x128xf32, #tpu.memory_space<hbm>>
        tpu.enqueue_dma source(%dma_start3A_331 : memref<8x128xf32, #tpu.memory_space<hbm>>) target(%arg10 : memref<8x128xf32, #tpu.memory_space<vmem>>) target_semaphore(%run_scoped3A : memref<!tpu.dma_semaphore, #tpu.memory_space<semaphore_mem>>)
        %dma_wait3A_332 = arith.constant 0 : i32
        %dma_wait3A_333 = tpu.memref_slice %arg5[%add3A, %mul3A_318, %dma_wait3A_332] : memref<32x80x128xf32, #tpu.memory_space<hbm>> -> memref<1x8x128xf32, #tpu.memory_space<hbm>>
        %dma_wait3A_334 = tpu.memref_squeeze %dma_wait3A_333 : memref<1x8x128xf32, #tpu.memory_space<hbm>> -> memref<8x128xf32, #tpu.memory_space<hbm>>
        %dma_wait3A_335 = arith.constant 0 : i32
        %dma_wait3A_336 = tpu.memref_slice %arg5[%add3A, %mul3A_318, %dma_wait3A_335] : memref<32x80x128xf32, #tpu.memory_space<hbm>> -> memref<1x8x128xf32, #tpu.memory_space<hbm>>
        %dma_wait3A_337 = tpu.memref_squeeze %dma_wait3A_336 : memref<1x8x128xf32, #tpu.memory_space<hbm>> -> memref<8x128xf32, #tpu.memory_space<hbm>>
        tpu.wait_dma2 semaphore(%run_scoped3A : memref<!tpu.dma_semaphore, #tpu.memory_space<semaphore_mem>>) src(%dma_wait3A_337 : memref<8x128xf32, #tpu.memory_space<hbm>>) dst(%arg10 : memref<8x128xf32, #tpu.memory_space<vmem>>)
        tpu.yield
      }) : () -> ()
      %scan3A_319 = arith.constant 0 : i32
      %scan3A_320 = arith.constant 0 : i32
      %scan3A_321 = arith.constant 4 : i32
      %scan3A_322 = arith.addi %scan3A_320, %scan3A_321 : i32
      %scan3A_323 = arith.constant 1 : i32
      %scan3A_324 = scf.for %scan3A_327 = %scan3A_320 to %scan3A_322 step %scan3A_323 iter_args(%scan3A_328 = %scan3A_319) -> (i32)  : i32 {
        %mul3A_329 = arith.constant 2 : i32
        %mul3A_330 = arith.muli %mul3A_329, %scan3A_327 : i32
        %gt3A_331 = arith.constant 0 : i32
        %gt3A_332 = arith.cmpi sgt, %scan3A_327, %gt3A_331 : i32
        %convert_element_type3A_333 = arith.extui %gt3A_332 : i1 to i32
        %cond3A_334 = arith.constant 0 : i32
        %cond3A_335 = arith.cmpi ne, %convert_element_type3A_333, %cond3A_334 : i32
        scf.if %cond3A_335 {
          %dma_wait3A_608 = arith.constant 0 : i32
          %dma_wait3A_609 = arith.constant 0 : i32
          %dma_wait3A_610 = tpu.memref_slice %arg9[%dma_wait3A_608, %dma_wait3A_609] : memref<8x128xi32, #tpu.memory_space<vmem>> -> memref<1x128xi32, #tpu.memory_space<vmem>>
          %dma_wait3A_611 = tpu.memref_squeeze %dma_wait3A_610 : memref<1x128xi32, #tpu.memory_space<vmem>> -> memref<128xi32, #tpu.memory_space<vmem>>
          %dma_wait3A_612 = arith.constant 0 : i32
          %dma_wait3A_613 = arith.constant 0 : i32
          %dma_wait3A_614 = tpu.memref_slice %arg17[%dma_wait3A_612, %dma_wait3A_613] : memref<10112x128xf32, #tpu.memory_space<vmem_shared>> -> memref<10112x128xf32, #tpu.memory_space<vmem_shared>>
          tpu.wait_indirect_dma semaphore(%arg21 : memref<!tpu.dma_semaphore, #tpu.memory_space<semaphore_mem>>) src(%arg15 : memref<128x128xf32, #tpu.memory_space<vmem>>) dst(%dma_wait3A_614 : memref<10112x128xf32, #tpu.memory_space<vmem_shared>>)
        } else {
        }
        %get3A = arith.index_cast %mul3A_330 : i32 to index
        %get3A_336 = arith.constant 0 : index
        %get3A_337 = tpu.vector_load %arg8[%get3A, %get3A_336] {strides = array<i32>} : memref<8x128xi32, #tpu.memory_space<vmem>>, vector<16xi32>,
        %get3A_338 = arith.index_cast %mul3A_330 : i32 to index
        %get3A_339 = arith.constant 0 : index
        %get3A_340 = tpu.vector_load %arg10[%get3A_338, %get3A_339] {strides = array<i32>} : memref<8x128xf32, #tpu.memory_space<vmem>>, vector<16xf32>,
        %gather3A = tpu.vector_load_idx %arg13[%get3A_337] : memref<10112xf32, #tpu.memory_space<vmem>>[vector<16xi32>], vector<16xf32>,
        %mul3A_341 = arith.mulf %get3A_340, %get3A_340 : vector<16xf32>
        %neg3A = arith.constant 0.000000e+00 : f32
        %neg3A_342 = vector.broadcast %neg3A : f32 to vector<16xf32>
        %neg3A_343 = arith.subf %neg3A_342, %mul3A_341 : vector<16xf32>
        %exp3A = math.exp %neg3A_343 : vector<16xf32>
        %mul3A_344 = arith.mulf %exp3A, %gather3A : vector<16xf32>
        %swap3A_345 = arith.constant 0 : index
        %swap3A_346 = tpu.vector_load %arg14[%swap3A_345] {strides = array<i32>} : memref<128xf32, #tpu.memory_space<vmem>>, vector<16xf32>,
        tpu.vector_store %arg14[%swap3A_345], %mul3A_344 {strides = array<i32>} : memref<128xf32, #tpu.memory_space<vmem>>, vector<16xf32>,
        %get3A_347 = arith.index_cast %mul3A_330 : i32 to index
        %get3A_348 = arith.constant 16 : index
        %get3A_349 = tpu.vector_load %arg8[%get3A_347, %get3A_348] {strides = array<i32>} : memref<8x128xi32, #tpu.memory_space<vmem>>, vector<16xi32>,
        %get3A_350 = arith.index_cast %mul3A_330 : i32 to index
        %get3A_351 = arith.constant 16 : index
        %get3A_352 = tpu.vector_load %arg10[%get3A_350, %get3A_351] {strides = array<i32>} : memref<8x128xf32, #tpu.memory_space<vmem>>, vector<16xf32>,
        %gather3A_353 = tpu.vector_load_idx %arg13[%get3A_349] : memref<10112xf32, #tpu.memory_space<vmem>>[vector<16xi32>], vector<16xf32>,
        %mul3A_354 = arith.mulf %get3A_352, %get3A_352 : vector<16xf32>
        %neg3A_355 = arith.constant 0.000000e+00 : f32
        %neg3A_356 = vector.broadcast %neg3A_355 : f32 to vector<16xf32>
        %neg3A_357 = arith.subf %neg3A_356, %mul3A_354 : vector<16xf32>
        %exp3A_358 = math.exp %neg3A_357 : vector<16xf32>
        %mul3A_359 = arith.mulf %exp3A_358, %gather3A_353 : vector<16xf32>
        %swap3A_360 = arith.constant 16 : index
        %swap3A_361 = tpu.vector_load %arg14[%swap3A_360] {strides = array<i32>} : memref<128xf32, #tpu.memory_space<vmem>>, vector<16xf32>,
        tpu.vector_store %arg14[%swap3A_360], %mul3A_359 {strides = array<i32>} : memref<128xf32, #tpu.memory_space<vmem>>, vector<16xf32>,
        %get3A_362 = arith.index_cast %mul3A_330 : i32 to index
        %get3A_363 = arith.constant 32 : index
        %get3A_364 = tpu.vector_load %arg8[%get3A_362, %get3A_363] {strides = array<i32>} : memref<8x128xi32, #tpu.memory_space<vmem>>, vector<16xi32>,
        %get3A_365 = arith.index_cast %mul3A_330 : i32 to index
        %get3A_366 = arith.constant 32 : index
        %get3A_367 = tpu.vector_load %arg10[%get3A_365, %get3A_366] {strides = array<i32>} : memref<8x128xf32, #tpu.memory_space<vmem>>, vector<16xf32>,
        %gather3A_368 = tpu.vector_load_idx %arg13[%get3A_364] : memref<10112xf32, #tpu.memory_space<vmem>>[vector<16xi32>], vector<16xf32>,
        %mul3A_369 = arith.mulf %get3A_367, %get3A_367 : vector<16xf32>
        %neg3A_370 = arith.constant 0.000000e+00 : f32
        %neg3A_371 = vector.broadcast %neg3A_370 : f32 to vector<16xf32>
        %neg3A_372 = arith.subf %neg3A_371, %mul3A_369 : vector<16xf32>
        %exp3A_373 = math.exp %neg3A_372 : vector<16xf32>
        %mul3A_374 = arith.mulf %exp3A_373, %gather3A_368 : vector<16xf32>
        %swap3A_375 = arith.constant 32 : index
        %swap3A_376 = tpu.vector_load %arg14[%swap3A_375] {strides = array<i32>} : memref<128xf32, #tpu.memory_space<vmem>>, vector<16xf32>,
        tpu.vector_store %arg14[%swap3A_375], %mul3A_374 {strides = array<i32>} : memref<128xf32, #tpu.memory_space<vmem>>, vector<16xf32>,
        %get3A_377 = arith.index_cast %mul3A_330 : i32 to index
        %get3A_378 = arith.constant 48 : index
        %get3A_379 = tpu.vector_load %arg8[%get3A_377, %get3A_378] {strides = array<i32>} : memref<8x128xi32, #tpu.memory_space<vmem>>, vector<16xi32>,
        %get3A_380 = arith.index_cast %mul3A_330 : i32 to index
        %get3A_381 = arith.constant 48 : index
        %get3A_382 = tpu.vector_load %arg10[%get3A_380, %get3A_381] {strides = array<i32>} : memref<8x128xf32, #tpu.memory_space<vmem>>, vector<16xf32>,
        %gather3A_383 = tpu.vector_load_idx %arg13[%get3A_379] : memref<10112xf32, #tpu.memory_space<vmem>>[vector<16xi32>], vector<16xf32>,
        %mul3A_384 = arith.mulf %get3A_382, %get3A_382 : vector<16xf32>
        %neg3A_385 = arith.constant 0.000000e+00 : f32
        %neg3A_386 = vector.broadcast %neg3A_385 : f32 to vector<16xf32>
        %neg3A_387 = arith.subf %neg3A_386, %mul3A_384 : vector<16xf32>
        %exp3A_388 = math.exp %neg3A_387 : vector<16xf32>
        %mul3A_389 = arith.mulf %exp3A_388, %gather3A_383 : vector<16xf32>
        %swap3A_390 = arith.constant 48 : index
        %swap3A_391 = tpu.vector_load %arg14[%swap3A_390] {strides = array<i32>} : memref<128xf32, #tpu.memory_space<vmem>>, vector<16xf32>,
        tpu.vector_store %arg14[%swap3A_390], %mul3A_389 {strides = array<i32>} : memref<128xf32, #tpu.memory_space<vmem>>, vector<16xf32>,
        %get3A_392 = arith.index_cast %mul3A_330 : i32 to index
        %get3A_393 = arith.constant 64 : index
        %get3A_394 = tpu.vector_load %arg8[%get3A_392, %get3A_393] {strides = array<i32>} : memref<8x128xi32, #tpu.memory_space<vmem>>, vector<16xi32>,
        %get3A_395 = arith.index_cast %mul3A_330 : i32 to index
        %get3A_396 = arith.constant 64 : index
        %get3A_397 = tpu.vector_load %arg10[%get3A_395, %get3A_396] {strides = array<i32>} : memref<8x128xf32, #tpu.memory_space<vmem>>, vector<16xf32>,
        %gather3A_398 = tpu.vector_load_idx %arg13[%get3A_394] : memref<10112xf32, #tpu.memory_space<vmem>>[vector<16xi32>], vector<16xf32>,
        %mul3A_399 = arith.mulf %get3A_397, %get3A_397 : vector<16xf32>
        %neg3A_400 = arith.constant 0.000000e+00 : f32
        %neg3A_401 = vector.broadcast %neg3A_400 : f32 to vector<16xf32>
        %neg3A_402 = arith.subf %neg3A_401, %mul3A_399 : vector<16xf32>
        %exp3A_403 = math.exp %neg3A_402 : vector<16xf32>
        %mul3A_404 = arith.mulf %exp3A_403, %gather3A_398 : vector<16xf32>
        %swap3A_405 = arith.constant 64 : index
        %swap3A_406 = tpu.vector_load %arg14[%swap3A_405] {strides = array<i32>} : memref<128xf32, #tpu.memory_space<vmem>>, vector<16xf32>,
        tpu.vector_store %arg14[%swap3A_405], %mul3A_404 {strides = array<i32>} : memref<128xf32, #tpu.memory_space<vmem>>, vector<16xf32>,
        %get3A_407 = arith.index_cast %mul3A_330 : i32 to index
        %get3A_408 = arith.constant 80 : index
        %get3A_409 = tpu.vector_load %arg8[%get3A_407, %get3A_408] {strides = array<i32>} : memref<8x128xi32, #tpu.memory_space<vmem>>, vector<16xi32>,
        %get3A_410 = arith.index_cast %mul3A_330 : i32 to index
        %get3A_411 = arith.constant 80 : index
        %get3A_412 = tpu.vector_load %arg10[%get3A_410, %get3A_411] {strides = array<i32>} : memref<8x128xf32, #tpu.memory_space<vmem>>, vector<16xf32>,
        %gather3A_413 = tpu.vector_load_idx %arg13[%get3A_409] : memref<10112xf32, #tpu.memory_space<vmem>>[vector<16xi32>], vector<16xf32>,
        %mul3A_414 = arith.mulf %get3A_412, %get3A_412 : vector<16xf32>
        %neg3A_415 = arith.constant 0.000000e+00 : f32
        %neg3A_416 = vector.broadcast %neg3A_415 : f32 to vector<16xf32>
        %neg3A_417 = arith.subf %neg3A_416, %mul3A_414 : vector<16xf32>
        %exp3A_418 = math.exp %neg3A_417 : vector<16xf32>
        %mul3A_419 = arith.mulf %exp3A_418, %gather3A_413 : vector<16xf32>
        %swap3A_420 = arith.constant 80 : index
        %swap3A_421 = tpu.vector_load %arg14[%swap3A_420] {strides = array<i32>} : memref<128xf32, #tpu.memory_space<vmem>>, vector<16xf32>,
        tpu.vector_store %arg14[%swap3A_420], %mul3A_419 {strides = array<i32>} : memref<128xf32, #tpu.memory_space<vmem>>, vector<16xf32>,
        %get3A_422 = arith.index_cast %mul3A_330 : i32 to index
        %get3A_423 = arith.constant 96 : index
        %get3A_424 = tpu.vector_load %arg8[%get3A_422, %get3A_423] {strides = array<i32>} : memref<8x128xi32, #tpu.memory_space<vmem>>, vector<16xi32>,
        %get3A_425 = arith.index_cast %mul3A_330 : i32 to index
        %get3A_426 = arith.constant 96 : index
        %get3A_427 = tpu.vector_load %arg10[%get3A_425, %get3A_426] {strides = array<i32>} : memref<8x128xf32, #tpu.memory_space<vmem>>, vector<16xf32>,
        %gather3A_428 = tpu.vector_load_idx %arg13[%get3A_424] : memref<10112xf32, #tpu.memory_space<vmem>>[vector<16xi32>], vector<16xf32>,
        %mul3A_429 = arith.mulf %get3A_427, %get3A_427 : vector<16xf32>
        %neg3A_430 = arith.constant 0.000000e+00 : f32
        %neg3A_431 = vector.broadcast %neg3A_430 : f32 to vector<16xf32>
        %neg3A_432 = arith.subf %neg3A_431, %mul3A_429 : vector<16xf32>
        %exp3A_433 = math.exp %neg3A_432 : vector<16xf32>
        %mul3A_434 = arith.mulf %exp3A_433, %gather3A_428 : vector<16xf32>
        %swap3A_435 = arith.constant 96 : index
        %swap3A_436 = tpu.vector_load %arg14[%swap3A_435] {strides = array<i32>} : memref<128xf32, #tpu.memory_space<vmem>>, vector<16xf32>,
        tpu.vector_store %arg14[%swap3A_435], %mul3A_434 {strides = array<i32>} : memref<128xf32, #tpu.memory_space<vmem>>, vector<16xf32>,
        %get3A_437 = arith.index_cast %mul3A_330 : i32 to index
        %get3A_438 = arith.constant 112 : index
        %get3A_439 = tpu.vector_load %arg8[%get3A_437, %get3A_438] {strides = array<i32>} : memref<8x128xi32, #tpu.memory_space<vmem>>, vector<16xi32>,
        %get3A_440 = arith.index_cast %mul3A_330 : i32 to index
        %get3A_441 = arith.constant 112 : index
        %get3A_442 = tpu.vector_load %arg10[%get3A_440, %get3A_441] {strides = array<i32>} : memref<8x128xf32, #tpu.memory_space<vmem>>, vector<16xf32>,
        %gather3A_443 = tpu.vector_load_idx %arg13[%get3A_439] : memref<10112xf32, #tpu.memory_space<vmem>>[vector<16xi32>], vector<16xf32>,
        %mul3A_444 = arith.mulf %get3A_442, %get3A_442 : vector<16xf32>
        %neg3A_445 = arith.constant 0.000000e+00 : f32
        %neg3A_446 = vector.broadcast %neg3A_445 : f32 to vector<16xf32>
        %neg3A_447 = arith.subf %neg3A_446, %mul3A_444 : vector<16xf32>
        %exp3A_448 = math.exp %neg3A_447 : vector<16xf32>
        %mul3A_449 = arith.mulf %exp3A_448, %gather3A_443 : vector<16xf32>
        %swap3A_450 = arith.constant 112 : index
        %swap3A_451 = tpu.vector_load %arg14[%swap3A_450] {strides = array<i32>} : memref<128xf32, #tpu.memory_space<vmem>>, vector<16xf32>,
        tpu.vector_store %arg14[%swap3A_450], %mul3A_449 {strides = array<i32>} : memref<128xf32, #tpu.memory_space<vmem>>, vector<16xf32>,
        %scan3A_452 = arith.constant 0 : i32
        %scan3A_453 = arith.constant 0 : i32
        %scan3A_454 = arith.constant 32 : i32
        %scan3A_455 = arith.addi %scan3A_453, %scan3A_454 : i32
        %scan3A_456 = arith.constant 1 : i32
        %scan3A_457 = scf.for %scan3A_608 = %scan3A_453 to %scan3A_455 step %scan3A_456 iter_args(%scan3A_609 = %scan3A_452) -> (i32)  : i32 {
          %mul3A_610 = arith.constant 4 : i32
          %mul3A_611 = arith.muli %scan3A_608, %mul3A_610 : i32
          %add3A_612 = arith.constant 0 : i32
          %add3A_613 = arith.addi %mul3A_611, %add3A_612 : i32
          %broadcast_in_dim3A_614 = vector.broadcast %add3A_613 : i32 to vector<16xi32>
          %gather3A_615 = tpu.vector_load_idx %arg14[%broadcast_in_dim3A_614] : memref<128xf32, #tpu.memory_space<vmem>>[vector<16xi32>], vector<16xf32>,
          %mul3A_616 = arith.constant 4 : i32
          %mul3A_617 = arith.muli %scan3A_608, %mul3A_616 : i32
          %add3A_618 = arith.constant 1 : i32
          %add3A_619 = arith.addi %mul3A_617, %add3A_618 : i32
          %broadcast_in_dim3A_620 = vector.broadcast %add3A_619 : i32 to vector<16xi32>
          %gather3A_621 = tpu.vector_load_idx %arg14[%broadcast_in_dim3A_620] : memref<128xf32, #tpu.memory_space<vmem>>[vector<16xi32>], vector<16xf32>,
          %mul3A_622 = arith.constant 4 : i32
          %mul3A_623 = arith.muli %scan3A_608, %mul3A_622 : i32
          %add3A_624 = arith.constant 2 : i32
          %add3A_625 = arith.addi %mul3A_623, %add3A_624 : i32
          %broadcast_in_dim3A_626 = vector.broadcast %add3A_625 : i32 to vector<16xi32>
          %gather3A_627 = tpu.vector_load_idx %arg14[%broadcast_in_dim3A_626] : memref<128xf32, #tpu.memory_space<vmem>>[vector<16xi32>], vector<16xf32>,
          %mul3A_628 = arith.constant 4 : i32
          %mul3A_629 = arith.muli %scan3A_608, %mul3A_628 : i32
          %add3A_630 = arith.constant 3 : i32
          %add3A_631 = arith.addi %mul3A_629, %add3A_630 : i32
          %broadcast_in_dim3A_632 = vector.broadcast %add3A_631 : i32 to vector<16xi32>
          %gather3A_633 = tpu.vector_load_idx %arg14[%broadcast_in_dim3A_632] : memref<128xf32, #tpu.memory_space<vmem>>[vector<16xi32>], vector<16xf32>,
          %mul3A_634 = arith.constant 4 : i32
          %mul3A_635 = arith.muli %scan3A_608, %mul3A_634 : i32
          %add3A_636 = arith.constant 0 : i32
          %add3A_637 = arith.addi %mul3A_635, %add3A_636 : i32
          %get3A_638 = arith.index_cast %add3A_637 : i32 to index
          %get3A_639 = arith.constant 0 : index
          %get3A_640 = tpu.vector_load %arg15[%get3A_638, %get3A_639] {strides = array<i32>} : memref<128x128xf32, #tpu.memory_space<vmem>>, vector<16xf32>,
          %mul3A_641 = arith.mulf %get3A_640, %gather3A_615 : vector<16xf32>
          %swap3A_642 = arith.index_cast %add3A_637 : i32 to index
          %swap3A_643 = arith.constant 0 : index
          %swap3A_644 = tpu.vector_load %arg15[%swap3A_642, %swap3A_643] {strides = array<i32>} : memref<128x128xf32, #tpu.memory_space<vmem>>, vector<16xf32>,
          tpu.vector_store %arg15[%swap3A_642, %swap3A_643], %mul3A_641 {strides = array<i32>} : memref<128x128xf32, #tpu.memory_space<vmem>>, vector<16xf32>,
          %get3A_645 = arith.index_cast %add3A_637 : i32 to index
          %get3A_646 = arith.constant 16 : index
          %get3A_647 = tpu.vector_load %arg15[%get3A_645, %get3A_646] {strides = array<i32>} : memref<128x128xf32, #tpu.memory_space<vmem>>, vector<16xf32>,
          %mul3A_648 = arith.mulf %get3A_647, %gather3A_615 : vector<16xf32>
          %swap3A_649 = arith.index_cast %add3A_637 : i32 to index
          %swap3A_650 = arith.constant 16 : index
          %swap3A_651 = tpu.vector_load %arg15[%swap3A_649, %swap3A_650] {strides = array<i32>} : memref<128x128xf32, #tpu.memory_space<vmem>>, vector<16xf32>,
          tpu.vector_store %arg15[%swap3A_649, %swap3A_650], %mul3A_648 {strides = array<i32>} : memref<128x128xf32, #tpu.memory_space<vmem>>, vector<16xf32>,
          %get3A_652 = arith.index_cast %add3A_637 : i32 to index
          %get3A_653 = arith.constant 32 : index
          %get3A_654 = tpu.vector_load %arg15[%get3A_652, %get3A_653] {strides = array<i32>} : memref<128x128xf32, #tpu.memory_space<vmem>>, vector<16xf32>,
          %mul3A_655 = arith.mulf %get3A_654, %gather3A_615 : vector<16xf32>
          %swap3A_656 = arith.index_cast %add3A_637 : i32 to index
          %swap3A_657 = arith.constant 32 : index
          %swap3A_658 = tpu.vector_load %arg15[%swap3A_656, %swap3A_657] {strides = array<i32>} : memref<128x128xf32, #tpu.memory_space<vmem>>, vector<16xf32>,
          tpu.vector_store %arg15[%swap3A_656, %swap3A_657], %mul3A_655 {strides = array<i32>} : memref<128x128xf32, #tpu.memory_space<vmem>>, vector<16xf32>,
          %get3A_659 = arith.index_cast %add3A_637 : i32 to index
          %get3A_660 = arith.constant 48 : index
          %get3A_661 = tpu.vector_load %arg15[%get3A_659, %get3A_660] {strides = array<i32>} : memref<128x128xf32, #tpu.memory_space<vmem>>, vector<16xf32>,
          %mul3A_662 = arith.mulf %get3A_661, %gather3A_615 : vector<16xf32>
          %swap3A_663 = arith.index_cast %add3A_637 : i32 to index
          %swap3A_664 = arith.constant 48 : index
          %swap3A_665 = tpu.vector_load %arg15[%swap3A_663, %swap3A_664] {strides = array<i32>} : memref<128x128xf32, #tpu.memory_space<vmem>>, vector<16xf32>,
          tpu.vector_store %arg15[%swap3A_663, %swap3A_664], %mul3A_662 {strides = array<i32>} : memref<128x128xf32, #tpu.memory_space<vmem>>, vector<16xf32>,
          %get3A_666 = arith.index_cast %add3A_637 : i32 to index
          %get3A_667 = arith.constant 64 : index
          %get3A_668 = tpu.vector_load %arg15[%get3A_666, %get3A_667] {strides = array<i32>} : memref<128x128xf32, #tpu.memory_space<vmem>>, vector<16xf32>,
          %mul3A_669 = arith.mulf %get3A_668, %gather3A_615 : vector<16xf32>
          %swap3A_670 = arith.index_cast %add3A_637 : i32 to index
          %swap3A_671 = arith.constant 64 : index
          %swap3A_672 = tpu.vector_load %arg15[%swap3A_670, %swap3A_671] {strides = array<i32>} : memref<128x128xf32, #tpu.memory_space<vmem>>, vector<16xf32>,
          tpu.vector_store %arg15[%swap3A_670, %swap3A_671], %mul3A_669 {strides = array<i32>} : memref<128x128xf32, #tpu.memory_space<vmem>>, vector<16xf32>,
          %get3A_673 = arith.index_cast %add3A_637 : i32 to index
          %get3A_674 = arith.constant 80 : index
          %get3A_675 = tpu.vector_load %arg15[%get3A_673, %get3A_674] {strides = array<i32>} : memref<128x128xf32, #tpu.memory_space<vmem>>, vector<16xf32>,
          %mul3A_676 = arith.mulf %get3A_675, %gather3A_615 : vector<16xf32>
          %swap3A_677 = arith.index_cast %add3A_637 : i32 to index
          %swap3A_678 = arith.constant 80 : index
          %swap3A_679 = tpu.vector_load %arg15[%swap3A_677, %swap3A_678] {strides = array<i32>} : memref<128x128xf32, #tpu.memory_space<vmem>>, vector<16xf32>,
          tpu.vector_store %arg15[%swap3A_677, %swap3A_678], %mul3A_676 {strides = array<i32>} : memref<128x128xf32, #tpu.memory_space<vmem>>, vector<16xf32>,
          %get3A_680 = arith.index_cast %add3A_637 : i32 to index
          %get3A_681 = arith.constant 96 : index
          %get3A_682 = tpu.vector_load %arg15[%get3A_680, %get3A_681] {strides = array<i32>} : memref<128x128xf32, #tpu.memory_space<vmem>>, vector<16xf32>,
          %mul3A_683 = arith.mulf %get3A_682, %gather3A_615 : vector<16xf32>
          %swap3A_684 = arith.index_cast %add3A_637 : i32 to index
          %swap3A_685 = arith.constant 96 : index
          %swap3A_686 = tpu.vector_load %arg15[%swap3A_684, %swap3A_685] {strides = array<i32>} : memref<128x128xf32, #tpu.memory_space<vmem>>, vector<16xf32>,
          tpu.vector_store %arg15[%swap3A_684, %swap3A_685], %mul3A_683 {strides = array<i32>} : memref<128x128xf32, #tpu.memory_space<vmem>>, vector<16xf32>,
          %get3A_687 = arith.index_cast %add3A_637 : i32 to index
          %get3A_688 = arith.constant 112 : index
          %get3A_689 = tpu.vector_load %arg15[%get3A_687, %get3A_688] {strides = array<i32>} : memref<128x128xf32, #tpu.memory_space<vmem>>, vector<16xf32>,
          %mul3A_690 = arith.mulf %get3A_689, %gather3A_615 : vector<16xf32>
          %swap3A_691 = arith.index_cast %add3A_637 : i32 to index
          %swap3A_692 = arith.constant 112 : index
          %swap3A_693 = tpu.vector_load %arg15[%swap3A_691, %swap3A_692] {strides = array<i32>} : memref<128x128xf32, #tpu.memory_space<vmem>>, vector<16xf32>,
          tpu.vector_store %arg15[%swap3A_691, %swap3A_692], %mul3A_690 {strides = array<i32>} : memref<128x128xf32, #tpu.memory_space<vmem>>, vector<16xf32>,
          %mul3A_694 = arith.constant 4 : i32
          %mul3A_695 = arith.muli %scan3A_608, %mul3A_694 : i32
          %add3A_696 = arith.constant 1 : i32
          %add3A_697 = arith.addi %mul3A_695, %add3A_696 : i32
          %get3A_698 = arith.index_cast %add3A_697 : i32 to index
          %get3A_699 = arith.constant 0 : index
          %get3A_700 = tpu.vector_load %arg15[%get3A_698, %get3A_699] {strides = array<i32>} : memref<128x128xf32, #tpu.memory_space<vmem>>, vector<16xf32>,
          %mul3A_701 = arith.mulf %get3A_700, %gather3A_621 : vector<16xf32>
          %swap3A_702 = arith.index_cast %add3A_697 : i32 to index
          %swap3A_703 = arith.constant 0 : index
          %swap3A_704 = tpu.vector_load %arg15[%swap3A_702, %swap3A_703] {strides = array<i32>} : memref<128x128xf32, #tpu.memory_space<vmem>>, vector<16xf32>,
          tpu.vector_store %arg15[%swap3A_702, %swap3A_703], %mul3A_701 {strides = array<i32>} : memref<128x128xf32, #tpu.memory_space<vmem>>, vector<16xf32>,
          %get3A_705 = arith.index_cast %add3A_697 : i32 to index
          %get3A_706 = arith.constant 16 : index
          %get3A_707 = tpu.vector_load %arg15[%get3A_705, %get3A_706] {strides = array<i32>} : memref<128x128xf32, #tpu.memory_space<vmem>>, vector<16xf32>,
          %mul3A_708 = arith.mulf %get3A_707, %gather3A_621 : vector<16xf32>
          %swap3A_709 = arith.index_cast %add3A_697 : i32 to index
          %swap3A_710 = arith.constant 16 : index
          %swap3A_711 = tpu.vector_load %arg15[%swap3A_709, %swap3A_710] {strides = array<i32>} : memref<128x128xf32, #tpu.memory_space<vmem>>, vector<16xf32>,
          tpu.vector_store %arg15[%swap3A_709, %swap3A_710], %mul3A_708 {strides = array<i32>} : memref<128x128xf32, #tpu.memory_space<vmem>>, vector<16xf32>,
          %get3A_712 = arith.index_cast %add3A_697 : i32 to index
          %get3A_713 = arith.constant 32 : index
          %get3A_714 = tpu.vector_load %arg15[%get3A_712, %get3A_713] {strides = array<i32>} : memref<128x128xf32, #tpu.memory_space<vmem>>, vector<16xf32>,
          %mul3A_715 = arith.mulf %get3A_714, %gather3A_621 : vector<16xf32>
          %swap3A_716 = arith.index_cast %add3A_697 : i32 to index
          %swap3A_717 = arith.constant 32 : index
          %swap3A_718 = tpu.vector_load %arg15[%swap3A_716, %swap3A_717] {strides = array<i32>} : memref<128x128xf32, #tpu.memory_space<vmem>>, vector<16xf32>,
          tpu.vector_store %arg15[%swap3A_716, %swap3A_717], %mul3A_715 {strides = array<i32>} : memref<128x128xf32, #tpu.memory_space<vmem>>, vector<16xf32>,
          %get3A_719 = arith.index_cast %add3A_697 : i32 to index
          %get3A_720 = arith.constant 48 : index
          %get3A_721 = tpu.vector_load %arg15[%get3A_719, %get3A_720] {strides = array<i32>} : memref<128x128xf32, #tpu.memory_space<vmem>>, vector<16xf32>,
          %mul3A_722 = arith.mulf %get3A_721, %gather3A_621 : vector<16xf32>
          %swap3A_723 = arith.index_cast %add3A_697 : i32 to index
          %swap3A_724 = arith.constant 48 : index
          %swap3A_725 = tpu.vector_load %arg15[%swap3A_723, %swap3A_724] {strides = array<i32>} : memref<128x128xf32, #tpu.memory_space<vmem>>, vector<16xf32>,
          tpu.vector_store %arg15[%swap3A_723, %swap3A_724], %mul3A_722 {strides = array<i32>} : memref<128x128xf32, #tpu.memory_space<vmem>>, vector<16xf32>,
          %get3A_726 = arith.index_cast %add3A_697 : i32 to index
          %get3A_727 = arith.constant 64 : index
          %get3A_728 = tpu.vector_load %arg15[%get3A_726, %get3A_727] {strides = array<i32>} : memref<128x128xf32, #tpu.memory_space<vmem>>, vector<16xf32>,
          %mul3A_729 = arith.mulf %get3A_728, %gather3A_621 : vector<16xf32>
          %swap3A_730 = arith.index_cast %add3A_697 : i32 to index
          %swap3A_731 = arith.constant 64 : index
          %swap3A_732 = tpu.vector_load %arg15[%swap3A_730, %swap3A_731] {strides = array<i32>} : memref<128x128xf32, #tpu.memory_space<vmem>>, vector<16xf32>,
          tpu.vector_store %arg15[%swap3A_730, %swap3A_731], %mul3A_729 {strides = array<i32>} : memref<128x128xf32, #tpu.memory_space<vmem>>, vector<16xf32>,
          %get3A_733 = arith.index_cast %add3A_697 : i32 to index
          %get3A_734 = arith.constant 80 : index
          %get3A_735 = tpu.vector_load %arg15[%get3A_733, %get3A_734] {strides = array<i32>} : memref<128x128xf32, #tpu.memory_space<vmem>>, vector<16xf32>,
          %mul3A_736 = arith.mulf %get3A_735, %gather3A_621 : vector<16xf32>
          %swap3A_737 = arith.index_cast %add3A_697 : i32 to index
          %swap3A_738 = arith.constant 80 : index
          %swap3A_739 = tpu.vector_load %arg15[%swap3A_737, %swap3A_738] {strides = array<i32>} : memref<128x128xf32, #tpu.memory_space<vmem>>, vector<16xf32>,
          tpu.vector_store %arg15[%swap3A_737, %swap3A_738], %mul3A_736 {strides = array<i32>} : memref<128x128xf32, #tpu.memory_space<vmem>>, vector<16xf32>,
          %get3A_740 = arith.index_cast %add3A_697 : i32 to index
          %get3A_741 = arith.constant 96 : index
          %get3A_742 = tpu.vector_load %arg15[%get3A_740, %get3A_741] {strides = array<i32>} : memref<128x128xf32, #tpu.memory_space<vmem>>, vector<16xf32>,
          %mul3A_743 = arith.mulf %get3A_742, %gather3A_621 : vector<16xf32>
          %swap3A_744 = arith.index_cast %add3A_697 : i32 to index
          %swap3A_745 = arith.constant 96 : index
          %swap3A_746 = tpu.vector_load %arg15[%swap3A_744, %swap3A_745] {strides = array<i32>} : memref<128x128xf32, #tpu.memory_space<vmem>>, vector<16xf32>,
          tpu.vector_store %arg15[%swap3A_744, %swap3A_745], %mul3A_743 {strides = array<i32>} : memref<128x128xf32, #tpu.memory_space<vmem>>, vector<16xf32>,
          %get3A_747 = arith.index_cast %add3A_697 : i32 to index
          %get3A_748 = arith.constant 112 : index
          %get3A_749 = tpu.vector_load %arg15[%get3A_747, %get3A_748] {strides = array<i32>} : memref<128x128xf32, #tpu.memory_space<vmem>>, vector<16xf32>,
          %mul3A_750 = arith.mulf %get3A_749, %gather3A_621 : vector<16xf32>
          %swap3A_751 = arith.index_cast %add3A_697 : i32 to index
          %swap3A_752 = arith.constant 112 : index
          %swap3A_753 = tpu.vector_load %arg15[%swap3A_751, %swap3A_752] {strides = array<i32>} : memref<128x128xf32, #tpu.memory_space<vmem>>, vector<16xf32>,
          tpu.vector_store %arg15[%swap3A_751, %swap3A_752], %mul3A_750 {strides = array<i32>} : memref<128x128xf32, #tpu.memory_space<vmem>>, vector<16xf32>,
          %mul3A_754 = arith.constant 4 : i32
          %mul3A_755 = arith.muli %scan3A_608, %mul3A_754 : i32
          %add3A_756 = arith.constant 2 : i32
          %add3A_757 = arith.addi %mul3A_755, %add3A_756 : i32
          %get3A_758 = arith.index_cast %add3A_757 : i32 to index
          %get3A_759 = arith.constant 0 : index
          %get3A_760 = tpu.vector_load %arg15[%get3A_758, %get3A_759] {strides = array<i32>} : memref<128x128xf32, #tpu.memory_space<vmem>>, vector<16xf32>,
          %mul3A_761 = arith.mulf %get3A_760, %gather3A_627 : vector<16xf32>
          %swap3A_762 = arith.index_cast %add3A_757 : i32 to index
          %swap3A_763 = arith.constant 0 : index
          %swap3A_764 = tpu.vector_load %arg15[%swap3A_762, %swap3A_763] {strides = array<i32>} : memref<128x128xf32, #tpu.memory_space<vmem>>, vector<16xf32>,
          tpu.vector_store %arg15[%swap3A_762, %swap3A_763], %mul3A_761 {strides = array<i32>} : memref<128x128xf32, #tpu.memory_space<vmem>>, vector<16xf32>,
          %get3A_765 = arith.index_cast %add3A_757 : i32 to index
          %get3A_766 = arith.constant 16 : index
          %get3A_767 = tpu.vector_load %arg15[%get3A_765, %get3A_766] {strides = array<i32>} : memref<128x128xf32, #tpu.memory_space<vmem>>, vector<16xf32>,
          %mul3A_768 = arith.mulf %get3A_767, %gather3A_627 : vector<16xf32>
          %swap3A_769 = arith.index_cast %add3A_757 : i32 to index
          %swap3A_770 = arith.constant 16 : index
          %swap3A_771 = tpu.vector_load %arg15[%swap3A_769, %swap3A_770] {strides = array<i32>} : memref<128x128xf32, #tpu.memory_space<vmem>>, vector<16xf32>,
          tpu.vector_store %arg15[%swap3A_769, %swap3A_770], %mul3A_768 {strides = array<i32>} : memref<128x128xf32, #tpu.memory_space<vmem>>, vector<16xf32>,
          %get3A_772 = arith.index_cast %add3A_757 : i32 to index
          %get3A_773 = arith.constant 32 : index
          %get3A_774 = tpu.vector_load %arg15[%get3A_772, %get3A_773] {strides = array<i32>} : memref<128x128xf32, #tpu.memory_space<vmem>>, vector<16xf32>,
          %mul3A_775 = arith.mulf %get3A_774, %gather3A_627 : vector<16xf32>
          %swap3A_776 = arith.index_cast %add3A_757 : i32 to index
          %swap3A_777 = arith.constant 32 : index
          %swap3A_778 = tpu.vector_load %arg15[%swap3A_776, %swap3A_777] {strides = array<i32>} : memref<128x128xf32, #tpu.memory_space<vmem>>, vector<16xf32>,
          tpu.vector_store %arg15[%swap3A_776, %swap3A_777], %mul3A_775 {strides = array<i32>} : memref<128x128xf32, #tpu.memory_space<vmem>>, vector<16xf32>,
          %get3A_779 = arith.index_cast %add3A_757 : i32 to index
          %get3A_780 = arith.constant 48 : index
          %get3A_781 = tpu.vector_load %arg15[%get3A_779, %get3A_780] {strides = array<i32>} : memref<128x128xf32, #tpu.memory_space<vmem>>, vector<16xf32>,
          %mul3A_782 = arith.mulf %get3A_781, %gather3A_627 : vector<16xf32>
          %swap3A_783 = arith.index_cast %add3A_757 : i32 to index
          %swap3A_784 = arith.constant 48 : index
          %swap3A_785 = tpu.vector_load %arg15[%swap3A_783, %swap3A_784] {strides = array<i32>} : memref<128x128xf32, #tpu.memory_space<vmem>>, vector<16xf32>,
          tpu.vector_store %arg15[%swap3A_783, %swap3A_784], %mul3A_782 {strides = array<i32>} : memref<128x128xf32, #tpu.memory_space<vmem>>, vector<16xf32>,
          %get3A_786 = arith.index_cast %add3A_757 : i32 to index
          %get3A_787 = arith.constant 64 : index
          %get3A_788 = tpu.vector_load %arg15[%get3A_786, %get3A_787] {strides = array<i32>} : memref<128x128xf32, #tpu.memory_space<vmem>>, vector<16xf32>,
          %mul3A_789 = arith.mulf %get3A_788, %gather3A_627 : vector<16xf32>
          %swap3A_790 = arith.index_cast %add3A_757 : i32 to index
          %swap3A_791 = arith.constant 64 : index
          %swap3A_792 = tpu.vector_load %arg15[%swap3A_790, %swap3A_791] {strides = array<i32>} : memref<128x128xf32, #tpu.memory_space<vmem>>, vector<16xf32>,
          tpu.vector_store %arg15[%swap3A_790, %swap3A_791], %mul3A_789 {strides = array<i32>} : memref<128x128xf32, #tpu.memory_space<vmem>>, vector<16xf32>,
          %get3A_793 = arith.index_cast %add3A_757 : i32 to index
          %get3A_794 = arith.constant 80 : index
          %get3A_795 = tpu.vector_load %arg15[%get3A_793, %get3A_794] {strides = array<i32>} : memref<128x128xf32, #tpu.memory_space<vmem>>, vector<16xf32>,
          %mul3A_796 = arith.mulf %get3A_795, %gather3A_627 : vector<16xf32>
          %swap3A_797 = arith.index_cast %add3A_757 : i32 to index
          %swap3A_798 = arith.constant 80 : index
          %swap3A_799 = tpu.vector_load %arg15[%swap3A_797, %swap3A_798] {strides = array<i32>} : memref<128x128xf32, #tpu.memory_space<vmem>>, vector<16xf32>,
          tpu.vector_store %arg15[%swap3A_797, %swap3A_798], %mul3A_796 {strides = array<i32>} : memref<128x128xf32, #tpu.memory_space<vmem>>, vector<16xf32>,
          %get3A_800 = arith.index_cast %add3A_757 : i32 to index
          %get3A_801 = arith.constant 96 : index
          %get3A_802 = tpu.vector_load %arg15[%get3A_800, %get3A_801] {strides = array<i32>} : memref<128x128xf32, #tpu.memory_space<vmem>>, vector<16xf32>,
          %mul3A_803 = arith.mulf %get3A_802, %gather3A_627 : vector<16xf32>
          %swap3A_804 = arith.index_cast %add3A_757 : i32 to index
          %swap3A_805 = arith.constant 96 : index
          %swap3A_806 = tpu.vector_load %arg15[%swap3A_804, %swap3A_805] {strides = array<i32>} : memref<128x128xf32, #tpu.memory_space<vmem>>, vector<16xf32>,
          tpu.vector_store %arg15[%swap3A_804, %swap3A_805], %mul3A_803 {strides = array<i32>} : memref<128x128xf32, #tpu.memory_space<vmem>>, vector<16xf32>,
          %get3A_807 = arith.index_cast %add3A_757 : i32 to index
          %get3A_808 = arith.constant 112 : index
          %get3A_809 = tpu.vector_load %arg15[%get3A_807, %get3A_808] {strides = array<i32>} : memref<128x128xf32, #tpu.memory_space<vmem>>, vector<16xf32>,
          %mul3A_810 = arith.mulf %get3A_809, %gather3A_627 : vector<16xf32>
          %swap3A_811 = arith.index_cast %add3A_757 : i32 to index
          %swap3A_812 = arith.constant 112 : index
          %swap3A_813 = tpu.vector_load %arg15[%swap3A_811, %swap3A_812] {strides = array<i32>} : memref<128x128xf32, #tpu.memory_space<vmem>>, vector<16xf32>,
          tpu.vector_store %arg15[%swap3A_811, %swap3A_812], %mul3A_810 {strides = array<i32>} : memref<128x128xf32, #tpu.memory_space<vmem>>, vector<16xf32>,
          %mul3A_814 = arith.constant 4 : i32
          %mul3A_815 = arith.muli %scan3A_608, %mul3A_814 : i32
          %add3A_816 = arith.constant 3 : i32
          %add3A_817 = arith.addi %mul3A_815, %add3A_816 : i32
          %get3A_818 = arith.index_cast %add3A_817 : i32 to index
          %get3A_819 = arith.constant 0 : index
          %get3A_820 = tpu.vector_load %arg15[%get3A_818, %get3A_819] {strides = array<i32>} : memref<128x128xf32, #tpu.memory_space<vmem>>, vector<16xf32>,
          %mul3A_821 = arith.mulf %get3A_820, %gather3A_633 : vector<16xf32>
          %swap3A_822 = arith.index_cast %add3A_817 : i32 to index
          %swap3A_823 = arith.constant 0 : index
          %swap3A_824 = tpu.vector_load %arg15[%swap3A_822, %swap3A_823] {strides = array<i32>} : memref<128x128xf32, #tpu.memory_space<vmem>>, vector<16xf32>,
          tpu.vector_store %arg15[%swap3A_822, %swap3A_823], %mul3A_821 {strides = array<i32>} : memref<128x128xf32, #tpu.memory_space<vmem>>, vector<16xf32>,
          %get3A_825 = arith.index_cast %add3A_817 : i32 to index
          %get3A_826 = arith.constant 16 : index
          %get3A_827 = tpu.vector_load %arg15[%get3A_825, %get3A_826] {strides = array<i32>} : memref<128x128xf32, #tpu.memory_space<vmem>>, vector<16xf32>,
          %mul3A_828 = arith.mulf %get3A_827, %gather3A_633 : vector<16xf32>
          %swap3A_829 = arith.index_cast %add3A_817 : i32 to index
          %swap3A_830 = arith.constant 16 : index
          %swap3A_831 = tpu.vector_load %arg15[%swap3A_829, %swap3A_830] {strides = array<i32>} : memref<128x128xf32, #tpu.memory_space<vmem>>, vector<16xf32>,
          tpu.vector_store %arg15[%swap3A_829, %swap3A_830], %mul3A_828 {strides = array<i32>} : memref<128x128xf32, #tpu.memory_space<vmem>>, vector<16xf32>,
          %get3A_832 = arith.index_cast %add3A_817 : i32 to index
          %get3A_833 = arith.constant 32 : index
          %get3A_834 = tpu.vector_load %arg15[%get3A_832, %get3A_833] {strides = array<i32>} : memref<128x128xf32, #tpu.memory_space<vmem>>, vector<16xf32>,
          %mul3A_835 = arith.mulf %get3A_834, %gather3A_633 : vector<16xf32>
          %swap3A_836 = arith.index_cast %add3A_817 : i32 to index
          %swap3A_837 = arith.constant 32 : index
          %swap3A_838 = tpu.vector_load %arg15[%swap3A_836, %swap3A_837] {strides = array<i32>} : memref<128x128xf32, #tpu.memory_space<vmem>>, vector<16xf32>,
          tpu.vector_store %arg15[%swap3A_836, %swap3A_837], %mul3A_835 {strides = array<i32>} : memref<128x128xf32, #tpu.memory_space<vmem>>, vector<16xf32>,
          %get3A_839 = arith.index_cast %add3A_817 : i32 to index
          %get3A_840 = arith.constant 48 : index
          %get3A_841 = tpu.vector_load %arg15[%get3A_839, %get3A_840] {strides = array<i32>} : memref<128x128xf32, #tpu.memory_space<vmem>>, vector<16xf32>,
          %mul3A_842 = arith.mulf %get3A_841, %gather3A_633 : vector<16xf32>
          %swap3A_843 = arith.index_cast %add3A_817 : i32 to index
          %swap3A_844 = arith.constant 48 : index
          %swap3A_845 = tpu.vector_load %arg15[%swap3A_843, %swap3A_844] {strides = array<i32>} : memref<128x128xf32, #tpu.memory_space<vmem>>, vector<16xf32>,
          tpu.vector_store %arg15[%swap3A_843, %swap3A_844], %mul3A_842 {strides = array<i32>} : memref<128x128xf32, #tpu.memory_space<vmem>>, vector<16xf32>,
          %get3A_846 = arith.index_cast %add3A_817 : i32 to index
          %get3A_847 = arith.constant 64 : index
          %get3A_848 = tpu.vector_load %arg15[%get3A_846, %get3A_847] {strides = array<i32>} : memref<128x128xf32, #tpu.memory_space<vmem>>, vector<16xf32>,
          %mul3A_849 = arith.mulf %get3A_848, %gather3A_633 : vector<16xf32>
          %swap3A_850 = arith.index_cast %add3A_817 : i32 to index
          %swap3A_851 = arith.constant 64 : index
          %swap3A_852 = tpu.vector_load %arg15[%swap3A_850, %swap3A_851] {strides = array<i32>} : memref<128x128xf32, #tpu.memory_space<vmem>>, vector<16xf32>,
          tpu.vector_store %arg15[%swap3A_850, %swap3A_851], %mul3A_849 {strides = array<i32>} : memref<128x128xf32, #tpu.memory_space<vmem>>, vector<16xf32>,
          %get3A_853 = arith.index_cast %add3A_817 : i32 to index
          %get3A_854 = arith.constant 80 : index
          %get3A_855 = tpu.vector_load %arg15[%get3A_853, %get3A_854] {strides = array<i32>} : memref<128x128xf32, #tpu.memory_space<vmem>>, vector<16xf32>,
          %mul3A_856 = arith.mulf %get3A_855, %gather3A_633 : vector<16xf32>
          %swap3A_857 = arith.index_cast %add3A_817 : i32 to index
          %swap3A_858 = arith.constant 80 : index
          %swap3A_859 = tpu.vector_load %arg15[%swap3A_857, %swap3A_858] {strides = array<i32>} : memref<128x128xf32, #tpu.memory_space<vmem>>, vector<16xf32>,
          tpu.vector_store %arg15[%swap3A_857, %swap3A_858], %mul3A_856 {strides = array<i32>} : memref<128x128xf32, #tpu.memory_space<vmem>>, vector<16xf32>,
          %get3A_860 = arith.index_cast %add3A_817 : i32 to index
          %get3A_861 = arith.constant 96 : index
          %get3A_862 = tpu.vector_load %arg15[%get3A_860, %get3A_861] {strides = array<i32>} : memref<128x128xf32, #tpu.memory_space<vmem>>, vector<16xf32>,
          %mul3A_863 = arith.mulf %get3A_862, %gather3A_633 : vector<16xf32>
          %swap3A_864 = arith.index_cast %add3A_817 : i32 to index
          %swap3A_865 = arith.constant 96 : index
          %swap3A_866 = tpu.vector_load %arg15[%swap3A_864, %swap3A_865] {strides = array<i32>} : memref<128x128xf32, #tpu.memory_space<vmem>>, vector<16xf32>,
          tpu.vector_store %arg15[%swap3A_864, %swap3A_865], %mul3A_863 {strides = array<i32>} : memref<128x128xf32, #tpu.memory_space<vmem>>, vector<16xf32>,
          %get3A_867 = arith.index_cast %add3A_817 : i32 to index
          %get3A_868 = arith.constant 112 : index
          %get3A_869 = tpu.vector_load %arg15[%get3A_867, %get3A_868] {strides = array<i32>} : memref<128x128xf32, #tpu.memory_space<vmem>>, vector<16xf32>,
          %mul3A_870 = arith.mulf %get3A_869, %gather3A_633 : vector<16xf32>
          %swap3A_871 = arith.index_cast %add3A_817 : i32 to index
          %swap3A_872 = arith.constant 112 : index
          %swap3A_873 = tpu.vector_load %arg15[%swap3A_871, %swap3A_872] {strides = array<i32>} : memref<128x128xf32, #tpu.memory_space<vmem>>, vector<16xf32>,
          tpu.vector_store %arg15[%swap3A_871, %swap3A_872], %mul3A_870 {strides = array<i32>} : memref<128x128xf32, #tpu.memory_space<vmem>>, vector<16xf32>,
          %scan3A_874 = arith.constant 0 : i32
          scf.yield %scan3A_874 : i32
        }
        %scan3A_458 = arith.constant 32 : i32
        %dma_start3A = arith.constant 0 : i32
        %dma_start3A_459 = tpu.memref_slice %arg9[%mul3A_330, %dma_start3A] : memref<8x128xi32, #tpu.memory_space<vmem>> -> memref<1x128xi32, #tpu.memory_space<vmem>>
        %dma_start3A_460 = tpu.memref_squeeze %dma_start3A_459 : memref<1x128xi32, #tpu.memory_space<vmem>> -> memref<128xi32, #tpu.memory_space<vmem>>
        %dma_start3A_461 = arith.constant 0 : i32
        %dma_start3A_462 = arith.constant 0 : i32
        %dma_start3A_463 = tpu.memref_slice %arg17[%dma_start3A_461, %dma_start3A_462] : memref<10112x128xf32, #tpu.memory_space<vmem_shared>> -> memref<10112x128xf32, #tpu.memory_space<vmem_shared>>
        tpu.enqueue_indirect_dma source(%arg15 : memref<128x128xf32, #tpu.memory_space<vmem>>) target(%dma_start3A_463 : memref<10112x128xf32, #tpu.memory_space<vmem_shared>>) offsets(%dma_start3A_460 : memref<128xi32, #tpu.memory_space<vmem>>) semaphore(%arg20 : memref<!tpu.dma_semaphore, #tpu.memory_space<semaphore_mem>>) {add = true}
        %add3A_464 = arith.constant 1 : i32
        %add3A_465 = arith.addi %mul3A_330, %add3A_464 : i32
        %get3A_466 = arith.index_cast %add3A_465 : i32 to index
        %get3A_467 = arith.constant 0 : index
        %get3A_468 = tpu.vector_load %arg8[%get3A_466, %get3A_467] {strides = array<i32>} : memref<8x128xi32, #tpu.memory_space<vmem>>, vector<16xi32>,
        %get3A_469 = arith.index_cast %add3A_465 : i32 to index
        %get3A_470 = arith.constant 0 : index
        %get3A_471 = tpu.vector_load %arg10[%get3A_469, %get3A_470] {strides = array<i32>} : memref<8x128xf32, #tpu.memory_space<vmem>>, vector<16xf32>,
        %gather3A_472 = tpu.vector_load_idx %arg13[%get3A_468] : memref<10112xf32, #tpu.memory_space<vmem>>[vector<16xi32>], vector<16xf32>,
        %mul3A_473 = arith.mulf %get3A_471, %get3A_471 : vector<16xf32>
        %neg3A_474 = arith.constant 0.000000e+00 : f32
        %neg3A_475 = vector.broadcast %neg3A_474 : f32 to vector<16xf32>
        %neg3A_476 = arith.subf %neg3A_475, %mul3A_473 : vector<16xf32>
        %exp3A_477 = math.exp %neg3A_476 : vector<16xf32>
        %mul3A_478 = arith.mulf %exp3A_477, %gather3A_472 : vector<16xf32>
        %swap3A_479 = arith.constant 0 : index
        %swap3A_480 = tpu.vector_load %arg14[%swap3A_479] {strides = array<i32>} : memref<128xf32, #tpu.memory_space<vmem>>, vector<16xf32>,
        tpu.vector_store %arg14[%swap3A_479], %mul3A_478 {strides = array<i32>} : memref<128xf32, #tpu.memory_space<vmem>>, vector<16xf32>,
        %get3A_481 = arith.index_cast %add3A_465 : i32 to index
        %get3A_482 = arith.constant 16 : index
        %get3A_483 = tpu.vector_load %arg8[%get3A_481, %get3A_482] {strides = array<i32>} : memref<8x128xi32, #tpu.memory_space<vmem>>, vector<16xi32>,
        %get3A_484 = arith.index_cast %add3A_465 : i32 to index
        %get3A_485 = arith.constant 16 : index
        %get3A_486 = tpu.vector_load %arg10[%get3A_484, %get3A_485] {strides = array<i32>} : memref<8x128xf32, #tpu.memory_space<vmem>>, vector<16xf32>,
        %gather3A_487 = tpu.vector_load_idx %arg13[%get3A_483] : memref<10112xf32, #tpu.memory_space<vmem>>[vector<16xi32>], vector<16xf32>,
        %mul3A_488 = arith.mulf %get3A_486, %get3A_486 : vector<16xf32>
        %neg3A_489 = arith.constant 0.000000e+00 : f32
        %neg3A_490 = vector.broadcast %neg3A_489 : f32 to vector<16xf32>
        %neg3A_491 = arith.subf %neg3A_490, %mul3A_488 : vector<16xf32>
        %exp3A_492 = math.exp %neg3A_491 : vector<16xf32>
        %mul3A_493 = arith.mulf %exp3A_492, %gather3A_487 : vector<16xf32>
        %swap3A_494 = arith.constant 16 : index
        %swap3A_495 = tpu.vector_load %arg14[%swap3A_494] {strides = array<i32>} : memref<128xf32, #tpu.memory_space<vmem>>, vector<16xf32>,
        tpu.vector_store %arg14[%swap3A_494], %mul3A_493 {strides = array<i32>} : memref<128xf32, #tpu.memory_space<vmem>>, vector<16xf32>,
        %get3A_496 = arith.index_cast %add3A_465 : i32 to index
        %get3A_497 = arith.constant 32 : index
        %get3A_498 = tpu.vector_load %arg8[%get3A_496, %get3A_497] {strides = array<i32>} : memref<8x128xi32, #tpu.memory_space<vmem>>, vector<16xi32>,
        %get3A_499 = arith.index_cast %add3A_465 : i32 to index
        %get3A_500 = arith.constant 32 : index
        %get3A_501 = tpu.vector_load %arg10[%get3A_499, %get3A_500] {strides = array<i32>} : memref<8x128xf32, #tpu.memory_space<vmem>>, vector<16xf32>,
        %gather3A_502 = tpu.vector_load_idx %arg13[%get3A_498] : memref<10112xf32, #tpu.memory_space<vmem>>[vector<16xi32>], vector<16xf32>,
        %mul3A_503 = arith.mulf %get3A_501, %get3A_501 : vector<16xf32>
        %neg3A_504 = arith.constant 0.000000e+00 : f32
        %neg3A_505 = vector.broadcast %neg3A_504 : f32 to vector<16xf32>
        %neg3A_506 = arith.subf %neg3A_505, %mul3A_503 : vector<16xf32>
        %exp3A_507 = math.exp %neg3A_506 : vector<16xf32>
        %mul3A_508 = arith.mulf %exp3A_507, %gather3A_502 : vector<16xf32>
        %swap3A_509 = arith.constant 32 : index
        %swap3A_510 = tpu.vector_load %arg14[%swap3A_509] {strides = array<i32>} : memref<128xf32, #tpu.memory_space<vmem>>, vector<16xf32>,
        tpu.vector_store %arg14[%swap3A_509], %mul3A_508 {strides = array<i32>} : memref<128xf32, #tpu.memory_space<vmem>>, vector<16xf32>,
        %get3A_511 = arith.index_cast %add3A_465 : i32 to index
        %get3A_512 = arith.constant 48 : index
        %get3A_513 = tpu.vector_load %arg8[%get3A_511, %get3A_512] {strides = array<i32>} : memref<8x128xi32, #tpu.memory_space<vmem>>, vector<16xi32>,
        %get3A_514 = arith.index_cast %add3A_465 : i32 to index
        %get3A_515 = arith.constant 48 : index
        %get3A_516 = tpu.vector_load %arg10[%get3A_514, %get3A_515] {strides = array<i32>} : memref<8x128xf32, #tpu.memory_space<vmem>>, vector<16xf32>,
        %gather3A_517 = tpu.vector_load_idx %arg13[%get3A_513] : memref<10112xf32, #tpu.memory_space<vmem>>[vector<16xi32>], vector<16xf32>,
        %mul3A_518 = arith.mulf %get3A_516, %get3A_516 : vector<16xf32>
        %neg3A_519 = arith.constant 0.000000e+00 : f32
        %neg3A_520 = vector.broadcast %neg3A_519 : f32 to vector<16xf32>
        %neg3A_521 = arith.subf %neg3A_520, %mul3A_518 : vector<16xf32>
        %exp3A_522 = math.exp %neg3A_521 : vector<16xf32>
        %mul3A_523 = arith.mulf %exp3A_522, %gather3A_517 : vector<16xf32>
        %swap3A_524 = arith.constant 48 : index
        %swap3A_525 = tpu.vector_load %arg14[%swap3A_524] {strides = array<i32>} : memref<128xf32, #tpu.memory_space<vmem>>, vector<16xf32>,
        tpu.vector_store %arg14[%swap3A_524], %mul3A_523 {strides = array<i32>} : memref<128xf32, #tpu.memory_space<vmem>>, vector<16xf32>,
        %get3A_526 = arith.index_cast %add3A_465 : i32 to index
        %get3A_527 = arith.constant 64 : index
        %get3A_528 = tpu.vector_load %arg8[%get3A_526, %get3A_527] {strides = array<i32>} : memref<8x128xi32, #tpu.memory_space<vmem>>, vector<16xi32>,
        %get3A_529 = arith.index_cast %add3A_465 : i32 to index
        %get3A_530 = arith.constant 64 : index
        %get3A_531 = tpu.vector_load %arg10[%get3A_529, %get3A_530] {strides = array<i32>} : memref<8x128xf32, #tpu.memory_space<vmem>>, vector<16xf32>,
        %gather3A_532 = tpu.vector_load_idx %arg13[%get3A_528] : memref<10112xf32, #tpu.memory_space<vmem>>[vector<16xi32>], vector<16xf32>,
        %mul3A_533 = arith.mulf %get3A_531, %get3A_531 : vector<16xf32>
        %neg3A_534 = arith.constant 0.000000e+00 : f32
        %neg3A_535 = vector.broadcast %neg3A_534 : f32 to vector<16xf32>
        %neg3A_536 = arith.subf %neg3A_535, %mul3A_533 : vector<16xf32>
        %exp3A_537 = math.exp %neg3A_536 : vector<16xf32>
        %mul3A_538 = arith.mulf %exp3A_537, %gather3A_532 : vector<16xf32>
        %swap3A_539 = arith.constant 64 : index
        %swap3A_540 = tpu.vector_load %arg14[%swap3A_539] {strides = array<i32>} : memref<128xf32, #tpu.memory_space<vmem>>, vector<16xf32>,
        tpu.vector_store %arg14[%swap3A_539], %mul3A_538 {strides = array<i32>} : memref<128xf32, #tpu.memory_space<vmem>>, vector<16xf32>,
        %get3A_541 = arith.index_cast %add3A_465 : i32 to index
        %get3A_542 = arith.constant 80 : index
        %get3A_543 = tpu.vector_load %arg8[%get3A_541, %get3A_542] {strides = array<i32>} : memref<8x128xi32, #tpu.memory_space<vmem>>, vector<16xi32>,
        %get3A_544 = arith.index_cast %add3A_465 : i32 to index
        %get3A_545 = arith.constant 80 : index
        %get3A_546 = tpu.vector_load %arg10[%get3A_544, %get3A_545] {strides = array<i32>} : memref<8x128xf32, #tpu.memory_space<vmem>>, vector<16xf32>,
        %gather3A_547 = tpu.vector_load_idx %arg13[%get3A_543] : memref<10112xf32, #tpu.memory_space<vmem>>[vector<16xi32>], vector<16xf32>,
        %mul3A_548 = arith.mulf %get3A_546, %get3A_546 : vector<16xf32>
        %neg3A_549 = arith.constant 0.000000e+00 : f32
        %neg3A_550 = vector.broadcast %neg3A_549 : f32 to vector<16xf32>
        %neg3A_551 = arith.subf %neg3A_550, %mul3A_548 : vector<16xf32>
        %exp3A_552 = math.exp %neg3A_551 : vector<16xf32>
        %mul3A_553 = arith.mulf %exp3A_552, %gather3A_547 : vector<16xf32>
        %swap3A_554 = arith.constant 80 : index
        %swap3A_555 = tpu.vector_load %arg14[%swap3A_554] {strides = array<i32>} : memref<128xf32, #tpu.memory_space<vmem>>, vector<16xf32>,
        tpu.vector_store %arg14[%swap3A_554], %mul3A_553 {strides = array<i32>} : memref<128xf32, #tpu.memory_space<vmem>>, vector<16xf32>,
        %get3A_556 = arith.index_cast %add3A_465 : i32 to index
        %get3A_557 = arith.constant 96 : index
        %get3A_558 = tpu.vector_load %arg8[%get3A_556, %get3A_557] {strides = array<i32>} : memref<8x128xi32, #tpu.memory_space<vmem>>, vector<16xi32>,
        %get3A_559 = arith.index_cast %add3A_465 : i32 to index
        %get3A_560 = arith.constant 96 : index
        %get3A_561 = tpu.vector_load %arg10[%get3A_559, %get3A_560] {strides = array<i32>} : memref<8x128xf32, #tpu.memory_space<vmem>>, vector<16xf32>,
        %gather3A_562 = tpu.vector_load_idx %arg13[%get3A_558] : memref<10112xf32, #tpu.memory_space<vmem>>[vector<16xi32>], vector<16xf32>,
        %mul3A_563 = arith.mulf %get3A_561, %get3A_561 : vector<16xf32>
        %neg3A_564 = arith.constant 0.000000e+00 : f32
        %neg3A_565 = vector.broadcast %neg3A_564 : f32 to vector<16xf32>
        %neg3A_566 = arith.subf %neg3A_565, %mul3A_563 : vector<16xf32>
        %exp3A_567 = math.exp %neg3A_566 : vector<16xf32>
        %mul3A_568 = arith.mulf %exp3A_567, %gather3A_562 : vector<16xf32>
        %swap3A_569 = arith.constant 96 : index
        %swap3A_570 = tpu.vector_load %arg14[%swap3A_569] {strides = array<i32>} : memref<128xf32, #tpu.memory_space<vmem>>, vector<16xf32>,
        tpu.vector_store %arg14[%swap3A_569], %mul3A_568 {strides = array<i32>} : memref<128xf32, #tpu.memory_space<vmem>>, vector<16xf32>,
        %get3A_571 = arith.index_cast %add3A_465 : i32 to index
        %get3A_572 = arith.constant 112 : index
        %get3A_573 = tpu.vector_load %arg8[%get3A_571, %get3A_572] {strides = array<i32>} : memref<8x128xi32, #tpu.memory_space<vmem>>, vector<16xi32>,
        %get3A_574 = arith.index_cast %add3A_465 : i32 to index
        %get3A_575 = arith.constant 112 : index
        %get3A_576 = tpu.vector_load %arg10[%get3A_574, %get3A_575] {strides = array<i32>} : memref<8x128xf32, #tpu.memory_space<vmem>>, vector<16xf32>,
        %gather3A_577 = tpu.vector_load_idx %arg13[%get3A_573] : memref<10112xf32, #tpu.memory_space<vmem>>[vector<16xi32>], vector<16xf32>,
        %mul3A_578 = arith.mulf %get3A_576, %get3A_576 : vector<16xf32>
        %neg3A_579 = arith.constant 0.000000e+00 : f32
        %neg3A_580 = vector.broadcast %neg3A_579 : f32 to vector<16xf32>
        %neg3A_581 = arith.subf %neg3A_580, %mul3A_578 : vector<16xf32>
        %exp3A_582 = math.exp %neg3A_581 : vector<16xf32>
        %mul3A_583 = arith.mulf %exp3A_582, %gather3A_577 : vector<16xf32>
        %swap3A_584 = arith.constant 112 : index
        %swap3A_585 = tpu.vector_load %arg14[%swap3A_584] {strides = array<i32>} : memref<128xf32, #tpu.memory_space<vmem>>, vector<16xf32>,
        tpu.vector_store %arg14[%swap3A_584], %mul3A_583 {strides = array<i32>} : memref<128xf32, #tpu.memory_space<vmem>>, vector<16xf32>,
        %add3A_586 = arith.constant 1 : i32
        %add3A_587 = arith.addi %scan3A_327, %add3A_586 : i32
        %lt3A = arith.constant 4 : i32
        %lt3A_588 = arith.cmpi slt, %add3A_587, %lt3A : i32
        %convert_element_type3A_589 = arith.extui %lt3A_588 : i1 to i32
        %cond3A_590 = arith.constant 0 : i32
        %cond3A_591 = arith.cmpi ne, %convert_element_type3A_589, %cond3A_590 : i32
        scf.if %cond3A_591 {
          %dma_wait3A_608 = arith.constant 0 : i32
          %dma_wait3A_609 = arith.constant 0 : i32
          %dma_wait3A_610 = tpu.memref_slice %arg9[%dma_wait3A_608, %dma_wait3A_609] : memref<8x128xi32, #tpu.memory_space<vmem>> -> memref<1x128xi32, #tpu.memory_space<vmem>>
          %dma_wait3A_611 = tpu.memref_squeeze %dma_wait3A_610 : memref<1x128xi32, #tpu.memory_space<vmem>> -> memref<128xi32, #tpu.memory_space<vmem>>
          %dma_wait3A_612 = arith.constant 0 : i32
          %dma_wait3A_613 = arith.constant 0 : i32
          %dma_wait3A_614 = tpu.memref_slice %arg17[%dma_wait3A_612, %dma_wait3A_613] : memref<10112x128xf32, #tpu.memory_space<vmem_shared>> -> memref<10112x128xf32, #tpu.memory_space<vmem_shared>>
          tpu.wait_indirect_dma semaphore(%arg20 : memref<!tpu.dma_semaphore, #tpu.memory_space<semaphore_mem>>) src(%arg15 : memref<128x128xf32, #tpu.memory_space<vmem>>) dst(%dma_wait3A_614 : memref<10112x128xf32, #tpu.memory_space<vmem_shared>>)
        } else {
        }
        %scan3A_592 = arith.constant 0 : i32
        %scan3A_593 = arith.constant 0 : i32
        %scan3A_594 = arith.constant 32 : i32
        %scan3A_595 = arith.addi %scan3A_593, %scan3A_594 : i32
        %scan3A_596 = arith.constant 1 : i32
        %scan3A_597 = scf.for %scan3A_608 = %scan3A_593 to %scan3A_595 step %scan3A_596 iter_args(%scan3A_609 = %scan3A_592) -> (i32)  : i32 {
          %mul3A_610 = arith.constant 4 : i32
          %mul3A_611 = arith.muli %scan3A_608, %mul3A_610 : i32
          %add3A_612 = arith.constant 0 : i32
          %add3A_613 = arith.addi %mul3A_611, %add3A_612 : i32
          %broadcast_in_dim3A_614 = vector.broadcast %add3A_613 : i32 to vector<16xi32>
          %gather3A_615 = tpu.vector_load_idx %arg14[%broadcast_in_dim3A_614] : memref<128xf32, #tpu.memory_space<vmem>>[vector<16xi32>], vector<16xf32>,
          %mul3A_616 = arith.constant 4 : i32
          %mul3A_617 = arith.muli %scan3A_608, %mul3A_616 : i32
          %add3A_618 = arith.constant 1 : i32
          %add3A_619 = arith.addi %mul3A_617, %add3A_618 : i32
          %broadcast_in_dim3A_620 = vector.broadcast %add3A_619 : i32 to vector<16xi32>
          %gather3A_621 = tpu.vector_load_idx %arg14[%broadcast_in_dim3A_620] : memref<128xf32, #tpu.memory_space<vmem>>[vector<16xi32>], vector<16xf32>,
          %mul3A_622 = arith.constant 4 : i32
          %mul3A_623 = arith.muli %scan3A_608, %mul3A_622 : i32
          %add3A_624 = arith.constant 2 : i32
          %add3A_625 = arith.addi %mul3A_623, %add3A_624 : i32
          %broadcast_in_dim3A_626 = vector.broadcast %add3A_625 : i32 to vector<16xi32>
          %gather3A_627 = tpu.vector_load_idx %arg14[%broadcast_in_dim3A_626] : memref<128xf32, #tpu.memory_space<vmem>>[vector<16xi32>], vector<16xf32>,
          %mul3A_628 = arith.constant 4 : i32
          %mul3A_629 = arith.muli %scan3A_608, %mul3A_628 : i32
          %add3A_630 = arith.constant 3 : i32
          %add3A_631 = arith.addi %mul3A_629, %add3A_630 : i32
          %broadcast_in_dim3A_632 = vector.broadcast %add3A_631 : i32 to vector<16xi32>
          %gather3A_633 = tpu.vector_load_idx %arg14[%broadcast_in_dim3A_632] : memref<128xf32, #tpu.memory_space<vmem>>[vector<16xi32>], vector<16xf32>,
          %mul3A_634 = arith.constant 4 : i32
          %mul3A_635 = arith.muli %scan3A_608, %mul3A_634 : i32
          %add3A_636 = arith.constant 0 : i32
          %add3A_637 = arith.addi %mul3A_635, %add3A_636 : i32
          %get3A_638 = arith.index_cast %add3A_637 : i32 to index
          %get3A_639 = arith.constant 0 : index
          %get3A_640 = tpu.vector_load %arg16[%get3A_638, %get3A_639] {strides = array<i32>} : memref<128x128xf32, #tpu.memory_space<vmem>>, vector<16xf32>,
          %mul3A_641 = arith.mulf %get3A_640, %gather3A_615 : vector<16xf32>
          %swap3A_642 = arith.index_cast %add3A_637 : i32 to index
          %swap3A_643 = arith.constant 0 : index
          %swap3A_644 = tpu.vector_load %arg16[%swap3A_642, %swap3A_643] {strides = array<i32>} : memref<128x128xf32, #tpu.memory_space<vmem>>, vector<16xf32>,
          tpu.vector_store %arg16[%swap3A_642, %swap3A_643], %mul3A_641 {strides = array<i32>} : memref<128x128xf32, #tpu.memory_space<vmem>>, vector<16xf32>,
          %get3A_645 = arith.index_cast %add3A_637 : i32 to index
          %get3A_646 = arith.constant 16 : index
          %get3A_647 = tpu.vector_load %arg16[%get3A_645, %get3A_646] {strides = array<i32>} : memref<128x128xf32, #tpu.memory_space<vmem>>, vector<16xf32>,
          %mul3A_648 = arith.mulf %get3A_647, %gather3A_615 : vector<16xf32>
          %swap3A_649 = arith.index_cast %add3A_637 : i32 to index
          %swap3A_650 = arith.constant 16 : index
          %swap3A_651 = tpu.vector_load %arg16[%swap3A_649, %swap3A_650] {strides = array<i32>} : memref<128x128xf32, #tpu.memory_space<vmem>>, vector<16xf32>,
          tpu.vector_store %arg16[%swap3A_649, %swap3A_650], %mul3A_648 {strides = array<i32>} : memref<128x128xf32, #tpu.memory_space<vmem>>, vector<16xf32>,
          %get3A_652 = arith.index_cast %add3A_637 : i32 to index
          %get3A_653 = arith.constant 32 : index
          %get3A_654 = tpu.vector_load %arg16[%get3A_652, %get3A_653] {strides = array<i32>} : memref<128x128xf32, #tpu.memory_space<vmem>>, vector<16xf32>,
          %mul3A_655 = arith.mulf %get3A_654, %gather3A_615 : vector<16xf32>
          %swap3A_656 = arith.index_cast %add3A_637 : i32 to index
          %swap3A_657 = arith.constant 32 : index
          %swap3A_658 = tpu.vector_load %arg16[%swap3A_656, %swap3A_657] {strides = array<i32>} : memref<128x128xf32, #tpu.memory_space<vmem>>, vector<16xf32>,
          tpu.vector_store %arg16[%swap3A_656, %swap3A_657], %mul3A_655 {strides = array<i32>} : memref<128x128xf32, #tpu.memory_space<vmem>>, vector<16xf32>,
          %get3A_659 = arith.index_cast %add3A_637 : i32 to index
          %get3A_660 = arith.constant 48 : index
          %get3A_661 = tpu.vector_load %arg16[%get3A_659, %get3A_660] {strides = array<i32>} : memref<128x128xf32, #tpu.memory_space<vmem>>, vector<16xf32>,
          %mul3A_662 = arith.mulf %get3A_661, %gather3A_615 : vector<16xf32>
          %swap3A_663 = arith.index_cast %add3A_637 : i32 to index
          %swap3A_664 = arith.constant 48 : index
          %swap3A_665 = tpu.vector_load %arg16[%swap3A_663, %swap3A_664] {strides = array<i32>} : memref<128x128xf32, #tpu.memory_space<vmem>>, vector<16xf32>,
          tpu.vector_store %arg16[%swap3A_663, %swap3A_664], %mul3A_662 {strides = array<i32>} : memref<128x128xf32, #tpu.memory_space<vmem>>, vector<16xf32>,
          %get3A_666 = arith.index_cast %add3A_637 : i32 to index
          %get3A_667 = arith.constant 64 : index
          %get3A_668 = tpu.vector_load %arg16[%get3A_666, %get3A_667] {strides = array<i32>} : memref<128x128xf32, #tpu.memory_space<vmem>>, vector<16xf32>,
          %mul3A_669 = arith.mulf %get3A_668, %gather3A_615 : vector<16xf32>
          %swap3A_670 = arith.index_cast %add3A_637 : i32 to index
          %swap3A_671 = arith.constant 64 : index
          %swap3A_672 = tpu.vector_load %arg16[%swap3A_670, %swap3A_671] {strides = array<i32>} : memref<128x128xf32, #tpu.memory_space<vmem>>, vector<16xf32>,
          tpu.vector_store %arg16[%swap3A_670, %swap3A_671], %mul3A_669 {strides = array<i32>} : memref<128x128xf32, #tpu.memory_space<vmem>>, vector<16xf32>,
          %get3A_673 = arith.index_cast %add3A_637 : i32 to index
          %get3A_674 = arith.constant 80 : index
          %get3A_675 = tpu.vector_load %arg16[%get3A_673, %get3A_674] {strides = array<i32>} : memref<128x128xf32, #tpu.memory_space<vmem>>, vector<16xf32>,
          %mul3A_676 = arith.mulf %get3A_675, %gather3A_615 : vector<16xf32>
          %swap3A_677 = arith.index_cast %add3A_637 : i32 to index
          %swap3A_678 = arith.constant 80 : index
          %swap3A_679 = tpu.vector_load %arg16[%swap3A_677, %swap3A_678] {strides = array<i32>} : memref<128x128xf32, #tpu.memory_space<vmem>>, vector<16xf32>,
          tpu.vector_store %arg16[%swap3A_677, %swap3A_678], %mul3A_676 {strides = array<i32>} : memref<128x128xf32, #tpu.memory_space<vmem>>, vector<16xf32>,
          %get3A_680 = arith.index_cast %add3A_637 : i32 to index
          %get3A_681 = arith.constant 96 : index
          %get3A_682 = tpu.vector_load %arg16[%get3A_680, %get3A_681] {strides = array<i32>} : memref<128x128xf32, #tpu.memory_space<vmem>>, vector<16xf32>,
          %mul3A_683 = arith.mulf %get3A_682, %gather3A_615 : vector<16xf32>
          %swap3A_684 = arith.index_cast %add3A_637 : i32 to index
          %swap3A_685 = arith.constant 96 : index
          %swap3A_686 = tpu.vector_load %arg16[%swap3A_684, %swap3A_685] {strides = array<i32>} : memref<128x128xf32, #tpu.memory_space<vmem>>, vector<16xf32>,
          tpu.vector_store %arg16[%swap3A_684, %swap3A_685], %mul3A_683 {strides = array<i32>} : memref<128x128xf32, #tpu.memory_space<vmem>>, vector<16xf32>,
          %get3A_687 = arith.index_cast %add3A_637 : i32 to index
          %get3A_688 = arith.constant 112 : index
          %get3A_689 = tpu.vector_load %arg16[%get3A_687, %get3A_688] {strides = array<i32>} : memref<128x128xf32, #tpu.memory_space<vmem>>, vector<16xf32>,
          %mul3A_690 = arith.mulf %get3A_689, %gather3A_615 : vector<16xf32>
          %swap3A_691 = arith.index_cast %add3A_637 : i32 to index
          %swap3A_692 = arith.constant 112 : index
          %swap3A_693 = tpu.vector_load %arg16[%swap3A_691, %swap3A_692] {strides = array<i32>} : memref<128x128xf32, #tpu.memory_space<vmem>>, vector<16xf32>,
          tpu.vector_store %arg16[%swap3A_691, %swap3A_692], %mul3A_690 {strides = array<i32>} : memref<128x128xf32, #tpu.memory_space<vmem>>, vector<16xf32>,
          %mul3A_694 = arith.constant 4 : i32
          %mul3A_695 = arith.muli %scan3A_608, %mul3A_694 : i32
          %add3A_696 = arith.constant 1 : i32
          %add3A_697 = arith.addi %mul3A_695, %add3A_696 : i32
          %get3A_698 = arith.index_cast %add3A_697 : i32 to index
          %get3A_699 = arith.constant 0 : index
          %get3A_700 = tpu.vector_load %arg16[%get3A_698, %get3A_699] {strides = array<i32>} : memref<128x128xf32, #tpu.memory_space<vmem>>, vector<16xf32>,
          %mul3A_701 = arith.mulf %get3A_700, %gather3A_621 : vector<16xf32>
          %swap3A_702 = arith.index_cast %add3A_697 : i32 to index
          %swap3A_703 = arith.constant 0 : index
          %swap3A_704 = tpu.vector_load %arg16[%swap3A_702, %swap3A_703] {strides = array<i32>} : memref<128x128xf32, #tpu.memory_space<vmem>>, vector<16xf32>,
          tpu.vector_store %arg16[%swap3A_702, %swap3A_703], %mul3A_701 {strides = array<i32>} : memref<128x128xf32, #tpu.memory_space<vmem>>, vector<16xf32>,
          %get3A_705 = arith.index_cast %add3A_697 : i32 to index
          %get3A_706 = arith.constant 16 : index
          %get3A_707 = tpu.vector_load %arg16[%get3A_705, %get3A_706] {strides = array<i32>} : memref<128x128xf32, #tpu.memory_space<vmem>>, vector<16xf32>,
          %mul3A_708 = arith.mulf %get3A_707, %gather3A_621 : vector<16xf32>
          %swap3A_709 = arith.index_cast %add3A_697 : i32 to index
          %swap3A_710 = arith.constant 16 : index
          %swap3A_711 = tpu.vector_load %arg16[%swap3A_709, %swap3A_710] {strides = array<i32>} : memref<128x128xf32, #tpu.memory_space<vmem>>, vector<16xf32>,
          tpu.vector_store %arg16[%swap3A_709, %swap3A_710], %mul3A_708 {strides = array<i32>} : memref<128x128xf32, #tpu.memory_space<vmem>>, vector<16xf32>,
          %get3A_712 = arith.index_cast %add3A_697 : i32 to index
          %get3A_713 = arith.constant 32 : index
          %get3A_714 = tpu.vector_load %arg16[%get3A_712, %get3A_713] {strides = array<i32>} : memref<128x128xf32, #tpu.memory_space<vmem>>, vector<16xf32>,
          %mul3A_715 = arith.mulf %get3A_714, %gather3A_621 : vector<16xf32>
          %swap3A_716 = arith.index_cast %add3A_697 : i32 to index
          %swap3A_717 = arith.constant 32 : index
          %swap3A_718 = tpu.vector_load %arg16[%swap3A_716, %swap3A_717] {strides = array<i32>} : memref<128x128xf32, #tpu.memory_space<vmem>>, vector<16xf32>,
          tpu.vector_store %arg16[%swap3A_716, %swap3A_717], %mul3A_715 {strides = array<i32>} : memref<128x128xf32, #tpu.memory_space<vmem>>, vector<16xf32>,
          %get3A_719 = arith.index_cast %add3A_697 : i32 to index
          %get3A_720 = arith.constant 48 : index
          %get3A_721 = tpu.vector_load %arg16[%get3A_719, %get3A_720] {strides = array<i32>} : memref<128x128xf32, #tpu.memory_space<vmem>>, vector<16xf32>,
          %mul3A_722 = arith.mulf %get3A_721, %gather3A_621 : vector<16xf32>
          %swap3A_723 = arith.index_cast %add3A_697 : i32 to index
          %swap3A_724 = arith.constant 48 : index
          %swap3A_725 = tpu.vector_load %arg16[%swap3A_723, %swap3A_724] {strides = array<i32>} : memref<128x128xf32, #tpu.memory_space<vmem>>, vector<16xf32>,
          tpu.vector_store %arg16[%swap3A_723, %swap3A_724], %mul3A_722 {strides = array<i32>} : memref<128x128xf32, #tpu.memory_space<vmem>>, vector<16xf32>,
          %get3A_726 = arith.index_cast %add3A_697 : i32 to index
          %get3A_727 = arith.constant 64 : index
          %get3A_728 = tpu.vector_load %arg16[%get3A_726, %get3A_727] {strides = array<i32>} : memref<128x128xf32, #tpu.memory_space<vmem>>, vector<16xf32>,
          %mul3A_729 = arith.mulf %get3A_728, %gather3A_621 : vector<16xf32>
          %swap3A_730 = arith.index_cast %add3A_697 : i32 to index
          %swap3A_731 = arith.constant 64 : index
          %swap3A_732 = tpu.vector_load %arg16[%swap3A_730, %swap3A_731] {strides = array<i32>} : memref<128x128xf32, #tpu.memory_space<vmem>>, vector<16xf32>,
          tpu.vector_store %arg16[%swap3A_730, %swap3A_731], %mul3A_729 {strides = array<i32>} : memref<128x128xf32, #tpu.memory_space<vmem>>, vector<16xf32>,
          %get3A_733 = arith.index_cast %add3A_697 : i32 to index
          %get3A_734 = arith.constant 80 : index
          %get3A_735 = tpu.vector_load %arg16[%get3A_733, %get3A_734] {strides = array<i32>} : memref<128x128xf32, #tpu.memory_space<vmem>>, vector<16xf32>,
          %mul3A_736 = arith.mulf %get3A_735, %gather3A_621 : vector<16xf32>
          %swap3A_737 = arith.index_cast %add3A_697 : i32 to index
          %swap3A_738 = arith.constant 80 : index
          %swap3A_739 = tpu.vector_load %arg16[%swap3A_737, %swap3A_738] {strides = array<i32>} : memref<128x128xf32, #tpu.memory_space<vmem>>, vector<16xf32>,
          tpu.vector_store %arg16[%swap3A_737, %swap3A_738], %mul3A_736 {strides = array<i32>} : memref<128x128xf32, #tpu.memory_space<vmem>>, vector<16xf32>,
          %get3A_740 = arith.index_cast %add3A_697 : i32 to index
          %get3A_741 = arith.constant 96 : index
          %get3A_742 = tpu.vector_load %arg16[%get3A_740, %get3A_741] {strides = array<i32>} : memref<128x128xf32, #tpu.memory_space<vmem>>, vector<16xf32>,
          %mul3A_743 = arith.mulf %get3A_742, %gather3A_621 : vector<16xf32>
          %swap3A_744 = arith.index_cast %add3A_697 : i32 to index
          %swap3A_745 = arith.constant 96 : index
          %swap3A_746 = tpu.vector_load %arg16[%swap3A_744, %swap3A_745] {strides = array<i32>} : memref<128x128xf32, #tpu.memory_space<vmem>>, vector<16xf32>,
          tpu.vector_store %arg16[%swap3A_744, %swap3A_745], %mul3A_743 {strides = array<i32>} : memref<128x128xf32, #tpu.memory_space<vmem>>, vector<16xf32>,
          %get3A_747 = arith.index_cast %add3A_697 : i32 to index
          %get3A_748 = arith.constant 112 : index
          %get3A_749 = tpu.vector_load %arg16[%get3A_747, %get3A_748] {strides = array<i32>} : memref<128x128xf32, #tpu.memory_space<vmem>>, vector<16xf32>,
          %mul3A_750 = arith.mulf %get3A_749, %gather3A_621 : vector<16xf32>
          %swap3A_751 = arith.index_cast %add3A_697 : i32 to index
          %swap3A_752 = arith.constant 112 : index
          %swap3A_753 = tpu.vector_load %arg16[%swap3A_751, %swap3A_752] {strides = array<i32>} : memref<128x128xf32, #tpu.memory_space<vmem>>, vector<16xf32>,
          tpu.vector_store %arg16[%swap3A_751, %swap3A_752], %mul3A_750 {strides = array<i32>} : memref<128x128xf32, #tpu.memory_space<vmem>>, vector<16xf32>,
          %mul3A_754 = arith.constant 4 : i32
          %mul3A_755 = arith.muli %scan3A_608, %mul3A_754 : i32
          %add3A_756 = arith.constant 2 : i32
          %add3A_757 = arith.addi %mul3A_755, %add3A_756 : i32
          %get3A_758 = arith.index_cast %add3A_757 : i32 to index
          %get3A_759 = arith.constant 0 : index
          %get3A_760 = tpu.vector_load %arg16[%get3A_758, %get3A_759] {strides = array<i32>} : memref<128x128xf32, #tpu.memory_space<vmem>>, vector<16xf32>,
          %mul3A_761 = arith.mulf %get3A_760, %gather3A_627 : vector<16xf32>
          %swap3A_762 = arith.index_cast %add3A_757 : i32 to index
          %swap3A_763 = arith.constant 0 : index
          %swap3A_764 = tpu.vector_load %arg16[%swap3A_762, %swap3A_763] {strides = array<i32>} : memref<128x128xf32, #tpu.memory_space<vmem>>, vector<16xf32>,
          tpu.vector_store %arg16[%swap3A_762, %swap3A_763], %mul3A_761 {strides = array<i32>} : memref<128x128xf32, #tpu.memory_space<vmem>>, vector<16xf32>,
          %get3A_765 = arith.index_cast %add3A_757 : i32 to index
          %get3A_766 = arith.constant 16 : index
          %get3A_767 = tpu.vector_load %arg16[%get3A_765, %get3A_766] {strides = array<i32>} : memref<128x128xf32, #tpu.memory_space<vmem>>, vector<16xf32>,
          %mul3A_768 = arith.mulf %get3A_767, %gather3A_627 : vector<16xf32>
          %swap3A_769 = arith.index_cast %add3A_757 : i32 to index
          %swap3A_770 = arith.constant 16 : index
          %swap3A_771 = tpu.vector_load %arg16[%swap3A_769, %swap3A_770] {strides = array<i32>} : memref<128x128xf32, #tpu.memory_space<vmem>>, vector<16xf32>,
          tpu.vector_store %arg16[%swap3A_769, %swap3A_770], %mul3A_768 {strides = array<i32>} : memref<128x128xf32, #tpu.memory_space<vmem>>, vector<16xf32>,
          %get3A_772 = arith.index_cast %add3A_757 : i32 to index
          %get3A_773 = arith.constant 32 : index
          %get3A_774 = tpu.vector_load %arg16[%get3A_772, %get3A_773] {strides = array<i32>} : memref<128x128xf32, #tpu.memory_space<vmem>>, vector<16xf32>,
          %mul3A_775 = arith.mulf %get3A_774, %gather3A_627 : vector<16xf32>
          %swap3A_776 = arith.index_cast %add3A_757 : i32 to index
          %swap3A_777 = arith.constant 32 : index
          %swap3A_778 = tpu.vector_load %arg16[%swap3A_776, %swap3A_777] {strides = array<i32>} : memref<128x128xf32, #tpu.memory_space<vmem>>, vector<16xf32>,
          tpu.vector_store %arg16[%swap3A_776, %swap3A_777], %mul3A_775 {strides = array<i32>} : memref<128x128xf32, #tpu.memory_space<vmem>>, vector<16xf32>,
          %get3A_779 = arith.index_cast %add3A_757 : i32 to index
          %get3A_780 = arith.constant 48 : index
          %get3A_781 = tpu.vector_load %arg16[%get3A_779, %get3A_780] {strides = array<i32>} : memref<128x128xf32, #tpu.memory_space<vmem>>, vector<16xf32>,
          %mul3A_782 = arith.mulf %get3A_781, %gather3A_627 : vector<16xf32>
          %swap3A_783 = arith.index_cast %add3A_757 : i32 to index
          %swap3A_784 = arith.constant 48 : index
          %swap3A_785 = tpu.vector_load %arg16[%swap3A_783, %swap3A_784] {strides = array<i32>} : memref<128x128xf32, #tpu.memory_space<vmem>>, vector<16xf32>,
          tpu.vector_store %arg16[%swap3A_783, %swap3A_784], %mul3A_782 {strides = array<i32>} : memref<128x128xf32, #tpu.memory_space<vmem>>, vector<16xf32>,
          %get3A_786 = arith.index_cast %add3A_757 : i32 to index
          %get3A_787 = arith.constant 64 : index
          %get3A_788 = tpu.vector_load %arg16[%get3A_786, %get3A_787] {strides = array<i32>} : memref<128x128xf32, #tpu.memory_space<vmem>>, vector<16xf32>,
          %mul3A_789 = arith.mulf %get3A_788, %gather3A_627 : vector<16xf32>
          %swap3A_790 = arith.index_cast %add3A_757 : i32 to index
          %swap3A_791 = arith.constant 64 : index
          %swap3A_792 = tpu.vector_load %arg16[%swap3A_790, %swap3A_791] {strides = array<i32>} : memref<128x128xf32, #tpu.memory_space<vmem>>, vector<16xf32>,
          tpu.vector_store %arg16[%swap3A_790, %swap3A_791], %mul3A_789 {strides = array<i32>} : memref<128x128xf32, #tpu.memory_space<vmem>>, vector<16xf32>,
          %get3A_793 = arith.index_cast %add3A_757 : i32 to index
          %get3A_794 = arith.constant 80 : index
          %get3A_795 = tpu.vector_load %arg16[%get3A_793, %get3A_794] {strides = array<i32>} : memref<128x128xf32, #tpu.memory_space<vmem>>, vector<16xf32>,
          %mul3A_796 = arith.mulf %get3A_795, %gather3A_627 : vector<16xf32>
          %swap3A_797 = arith.index_cast %add3A_757 : i32 to index
          %swap3A_798 = arith.constant 80 : index
          %swap3A_799 = tpu.vector_load %arg16[%swap3A_797, %swap3A_798] {strides = array<i32>} : memref<128x128xf32, #tpu.memory_space<vmem>>, vector<16xf32>,
          tpu.vector_store %arg16[%swap3A_797, %swap3A_798], %mul3A_796 {strides = array<i32>} : memref<128x128xf32, #tpu.memory_space<vmem>>, vector<16xf32>,
          %get3A_800 = arith.index_cast %add3A_757 : i32 to index
          %get3A_801 = arith.constant 96 : index
          %get3A_802 = tpu.vector_load %arg16[%get3A_800, %get3A_801] {strides = array<i32>} : memref<128x128xf32, #tpu.memory_space<vmem>>, vector<16xf32>,
          %mul3A_803 = arith.mulf %get3A_802, %gather3A_627 : vector<16xf32>
          %swap3A_804 = arith.index_cast %add3A_757 : i32 to index
          %swap3A_805 = arith.constant 96 : index
          %swap3A_806 = tpu.vector_load %arg16[%swap3A_804, %swap3A_805] {strides = array<i32>} : memref<128x128xf32, #tpu.memory_space<vmem>>, vector<16xf32>,
          tpu.vector_store %arg16[%swap3A_804, %swap3A_805], %mul3A_803 {strides = array<i32>} : memref<128x128xf32, #tpu.memory_space<vmem>>, vector<16xf32>,
          %get3A_807 = arith.index_cast %add3A_757 : i32 to index
          %get3A_808 = arith.constant 112 : index
          %get3A_809 = tpu.vector_load %arg16[%get3A_807, %get3A_808] {strides = array<i32>} : memref<128x128xf32, #tpu.memory_space<vmem>>, vector<16xf32>,
          %mul3A_810 = arith.mulf %get3A_809, %gather3A_627 : vector<16xf32>
          %swap3A_811 = arith.index_cast %add3A_757 : i32 to index
          %swap3A_812 = arith.constant 112 : index
          %swap3A_813 = tpu.vector_load %arg16[%swap3A_811, %swap3A_812] {strides = array<i32>} : memref<128x128xf32, #tpu.memory_space<vmem>>, vector<16xf32>,
          tpu.vector_store %arg16[%swap3A_811, %swap3A_812], %mul3A_810 {strides = array<i32>} : memref<128x128xf32, #tpu.memory_space<vmem>>, vector<16xf32>,
          %mul3A_814 = arith.constant 4 : i32
          %mul3A_815 = arith.muli %scan3A_608, %mul3A_814 : i32
          %add3A_816 = arith.constant 3 : i32
          %add3A_817 = arith.addi %mul3A_815, %add3A_816 : i32
          %get3A_818 = arith.index_cast %add3A_817 : i32 to index
          %get3A_819 = arith.constant 0 : index
          %get3A_820 = tpu.vector_load %arg16[%get3A_818, %get3A_819] {strides = array<i32>} : memref<128x128xf32, #tpu.memory_space<vmem>>, vector<16xf32>,
          %mul3A_821 = arith.mulf %get3A_820, %gather3A_633 : vector<16xf32>
          %swap3A_822 = arith.index_cast %add3A_817 : i32 to index
          %swap3A_823 = arith.constant 0 : index
          %swap3A_824 = tpu.vector_load %arg16[%swap3A_822, %swap3A_823] {strides = array<i32>} : memref<128x128xf32, #tpu.memory_space<vmem>>, vector<16xf32>,
          tpu.vector_store %arg16[%swap3A_822, %swap3A_823], %mul3A_821 {strides = array<i32>} : memref<128x128xf32, #tpu.memory_space<vmem>>, vector<16xf32>,
          %get3A_825 = arith.index_cast %add3A_817 : i32 to index
          %get3A_826 = arith.constant 16 : index
          %get3A_827 = tpu.vector_load %arg16[%get3A_825, %get3A_826] {strides = array<i32>} : memref<128x128xf32, #tpu.memory_space<vmem>>, vector<16xf32>,
          %mul3A_828 = arith.mulf %get3A_827, %gather3A_633 : vector<16xf32>
          %swap3A_829 = arith.index_cast %add3A_817 : i32 to index
          %swap3A_830 = arith.constant 16 : index
          %swap3A_831 = tpu.vector_load %arg16[%swap3A_829, %swap3A_830] {strides = array<i32>} : memref<128x128xf32, #tpu.memory_space<vmem>>, vector<16xf32>,
          tpu.vector_store %arg16[%swap3A_829, %swap3A_830], %mul3A_828 {strides = array<i32>} : memref<128x128xf32, #tpu.memory_space<vmem>>, vector<16xf32>,
          %get3A_832 = arith.index_cast %add3A_817 : i32 to index
          %get3A_833 = arith.constant 32 : index
          %get3A_834 = tpu.vector_load %arg16[%get3A_832, %get3A_833] {strides = array<i32>} : memref<128x128xf32, #tpu.memory_space<vmem>>, vector<16xf32>,
          %mul3A_835 = arith.mulf %get3A_834, %gather3A_633 : vector<16xf32>
          %swap3A_836 = arith.index_cast %add3A_817 : i32 to index
          %swap3A_837 = arith.constant 32 : index
          %swap3A_838 = tpu.vector_load %arg16[%swap3A_836, %swap3A_837] {strides = array<i32>} : memref<128x128xf32, #tpu.memory_space<vmem>>, vector<16xf32>,
          tpu.vector_store %arg16[%swap3A_836, %swap3A_837], %mul3A_835 {strides = array<i32>} : memref<128x128xf32, #tpu.memory_space<vmem>>, vector<16xf32>,
          %get3A_839 = arith.index_cast %add3A_817 : i32 to index
          %get3A_840 = arith.constant 48 : index
          %get3A_841 = tpu.vector_load %arg16[%get3A_839, %get3A_840] {strides = array<i32>} : memref<128x128xf32, #tpu.memory_space<vmem>>, vector<16xf32>,
          %mul3A_842 = arith.mulf %get3A_841, %gather3A_633 : vector<16xf32>
          %swap3A_843 = arith.index_cast %add3A_817 : i32 to index
          %swap3A_844 = arith.constant 48 : index
          %swap3A_845 = tpu.vector_load %arg16[%swap3A_843, %swap3A_844] {strides = array<i32>} : memref<128x128xf32, #tpu.memory_space<vmem>>, vector<16xf32>,
          tpu.vector_store %arg16[%swap3A_843, %swap3A_844], %mul3A_842 {strides = array<i32>} : memref<128x128xf32, #tpu.memory_space<vmem>>, vector<16xf32>,
          %get3A_846 = arith.index_cast %add3A_817 : i32 to index
          %get3A_847 = arith.constant 64 : index
          %get3A_848 = tpu.vector_load %arg16[%get3A_846, %get3A_847] {strides = array<i32>} : memref<128x128xf32, #tpu.memory_space<vmem>>, vector<16xf32>,
          %mul3A_849 = arith.mulf %get3A_848, %gather3A_633 : vector<16xf32>
          %swap3A_850 = arith.index_cast %add3A_817 : i32 to index
          %swap3A_851 = arith.constant 64 : index
          %swap3A_852 = tpu.vector_load %arg16[%swap3A_850, %swap3A_851] {strides = array<i32>} : memref<128x128xf32, #tpu.memory_space<vmem>>, vector<16xf32>,
          tpu.vector_store %arg16[%swap3A_850, %swap3A_851], %mul3A_849 {strides = array<i32>} : memref<128x128xf32, #tpu.memory_space<vmem>>, vector<16xf32>,
          %get3A_853 = arith.index_cast %add3A_817 : i32 to index
          %get3A_854 = arith.constant 80 : index
          %get3A_855 = tpu.vector_load %arg16[%get3A_853, %get3A_854] {strides = array<i32>} : memref<128x128xf32, #tpu.memory_space<vmem>>, vector<16xf32>,
          %mul3A_856 = arith.mulf %get3A_855, %gather3A_633 : vector<16xf32>
          %swap3A_857 = arith.index_cast %add3A_817 : i32 to index
          %swap3A_858 = arith.constant 80 : index
          %swap3A_859 = tpu.vector_load %arg16[%swap3A_857, %swap3A_858] {strides = array<i32>} : memref<128x128xf32, #tpu.memory_space<vmem>>, vector<16xf32>,
          tpu.vector_store %arg16[%swap3A_857, %swap3A_858], %mul3A_856 {strides = array<i32>} : memref<128x128xf32, #tpu.memory_space<vmem>>, vector<16xf32>,
          %get3A_860 = arith.index_cast %add3A_817 : i32 to index
          %get3A_861 = arith.constant 96 : index
          %get3A_862 = tpu.vector_load %arg16[%get3A_860, %get3A_861] {strides = array<i32>} : memref<128x128xf32, #tpu.memory_space<vmem>>, vector<16xf32>,
          %mul3A_863 = arith.mulf %get3A_862, %gather3A_633 : vector<16xf32>
          %swap3A_864 = arith.index_cast %add3A_817 : i32 to index
          %swap3A_865 = arith.constant 96 : index
          %swap3A_866 = tpu.vector_load %arg16[%swap3A_864, %swap3A_865] {strides = array<i32>} : memref<128x128xf32, #tpu.memory_space<vmem>>, vector<16xf32>,
          tpu.vector_store %arg16[%swap3A_864, %swap3A_865], %mul3A_863 {strides = array<i32>} : memref<128x128xf32, #tpu.memory_space<vmem>>, vector<16xf32>,
          %get3A_867 = arith.index_cast %add3A_817 : i32 to index
          %get3A_868 = arith.constant 112 : index
          %get3A_869 = tpu.vector_load %arg16[%get3A_867, %get3A_868] {strides = array<i32>} : memref<128x128xf32, #tpu.memory_space<vmem>>, vector<16xf32>,
          %mul3A_870 = arith.mulf %get3A_869, %gather3A_633 : vector<16xf32>
          %swap3A_871 = arith.index_cast %add3A_817 : i32 to index
          %swap3A_872 = arith.constant 112 : index
          %swap3A_873 = tpu.vector_load %arg16[%swap3A_871, %swap3A_872] {strides = array<i32>} : memref<128x128xf32, #tpu.memory_space<vmem>>, vector<16xf32>,
          tpu.vector_store %arg16[%swap3A_871, %swap3A_872], %mul3A_870 {strides = array<i32>} : memref<128x128xf32, #tpu.memory_space<vmem>>, vector<16xf32>,
          %scan3A_874 = arith.constant 0 : i32
          scf.yield %scan3A_874 : i32
        }
        %scan3A_598 = arith.constant 32 : i32
        %add3A_599 = arith.constant 1 : i32
        %add3A_600 = arith.addi %mul3A_330, %add3A_599 : i32
        %dma_start3A_601 = arith.constant 0 : i32
        %dma_start3A_602 = tpu.memref_slice %arg9[%add3A_600, %dma_start3A_601] : memref<8x128xi32, #tpu.memory_space<vmem>> -> memref<1x128xi32, #tpu.memory_space<vmem>>
        %dma_start3A_603 = tpu.memref_squeeze %dma_start3A_602 : memref<1x128xi32, #tpu.memory_space<vmem>> -> memref<128xi32, #tpu.memory_space<vmem>>
        %dma_start3A_604 = arith.constant 0 : i32
        %dma_start3A_605 = arith.constant 0 : i32
        %dma_start3A_606 = tpu.memref_slice %arg17[%dma_start3A_604, %dma_start3A_605] : memref<10112x128xf32, #tpu.memory_space<vmem_shared>> -> memref<10112x128xf32, #tpu.memory_space<vmem_shared>>
        tpu.enqueue_indirect_dma source(%arg16 : memref<128x128xf32, #tpu.memory_space<vmem>>) target(%dma_start3A_606 : memref<10112x128xf32, #tpu.memory_space<vmem_shared>>) offsets(%dma_start3A_603 : memref<128xi32, #tpu.memory_space<vmem>>) semaphore(%arg21 : memref<!tpu.dma_semaphore, #tpu.memory_space<semaphore_mem>>) {add = true}
        %scan3A_607 = arith.constant 0 : i32
        scf.yield %scan3A_607 : i32
      }
      %scan3A_325 = arith.constant 4 : i32
      %scan3A_326 = arith.constant 0 : i32
      scf.yield %scan3A_326 : i32
    }
    %scan3A_283 = arith.constant 10 : i32
    %dma_wait3A = arith.constant 0 : i32
    %dma_wait3A_284 = arith.constant 0 : i32
    %dma_wait3A_285 = tpu.memref_slice %arg9[%dma_wait3A, %dma_wait3A_284] : memref<8x128xi32, #tpu.memory_space<vmem>> -> memref<1x128xi32, #tpu.memory_space<vmem>>
    %dma_wait3A_286 = tpu.memref_squeeze %dma_wait3A_285 : memref<1x128xi32, #tpu.memory_space<vmem>> -> memref<128xi32, #tpu.memory_space<vmem>>
    %dma_wait3A_287 = arith.constant 0 : i32
    %dma_wait3A_288 = arith.constant 0 : i32
    %dma_wait3A_289 = tpu.memref_slice %arg17[%dma_wait3A_287, %dma_wait3A_288] : memref<10112x128xf32, #tpu.memory_space<vmem_shared>> -> memref<10112x128xf32, #tpu.memory_space<vmem_shared>>
    tpu.wait_indirect_dma semaphore(%arg20 : memref<!tpu.dma_semaphore, #tpu.memory_space<semaphore_mem>>) src(%arg15 : memref<128x128xf32, #tpu.memory_space<vmem>>) dst(%dma_wait3A_289 : memref<10112x128xf32, #tpu.memory_space<vmem_shared>>)
    %dma_wait3A_290 = arith.constant 0 : i32
    %dma_wait3A_291 = arith.constant 0 : i32
    %dma_wait3A_292 = tpu.memref_slice %arg9[%dma_wait3A_290, %dma_wait3A_291] : memref<8x128xi32, #tpu.memory_space<vmem>> -> memref<1x128xi32, #tpu.memory_space<vmem>>
    %dma_wait3A_293 = tpu.memref_squeeze %dma_wait3A_292 : memref<1x128xi32, #tpu.memory_space<vmem>> -> memref<128xi32, #tpu.memory_space<vmem>>
    %dma_wait3A_294 = arith.constant 0 : i32
    %dma_wait3A_295 = arith.constant 0 : i32
    %dma_wait3A_296 = tpu.memref_slice %arg17[%dma_wait3A_294, %dma_wait3A_295] : memref<10112x128xf32, #tpu.memory_space<vmem_shared>> -> memref<10112x128xf32, #tpu.memory_space<vmem_shared>>
    tpu.wait_indirect_dma semaphore(%arg21 : memref<!tpu.dma_semaphore, #tpu.memory_space<semaphore_mem>>) src(%arg15 : memref<128x128xf32, #tpu.memory_space<vmem>>) dst(%dma_wait3A_296 : memref<10112x128xf32, #tpu.memory_space<vmem_shared>>)
    %barrier3A_297 = arith.constant 0 : index
    tpu.barrier barrier_id(%barrier3A_297)
    %scan3A_298 = arith.constant 0 : i32
    %scan3A_299 = arith.constant 0 : i32
    %scan3A_300 = arith.constant 4 : i32
    %scan3A_301 = arith.addi %scan3A_299, %scan3A_300 : i32
    %scan3A_302 = arith.constant 1 : i32
    %scan3A_303 = scf.for %scan3A_309 = %scan3A_299 to %scan3A_301 step %scan3A_302 iter_args(%scan3A_310 = %scan3A_298) -> (i32)  : i32 {
      %mul3A_311 = arith.constant 632 : i32
      %mul3A_312 = arith.muli %arg1, %mul3A_311 : i32
      %mul3A_313 = arith.constant 128 : i32
      %mul3A_314 = arith.muli %scan3A_309, %mul3A_313 : i32
      %add3A_315 = arith.addi %mul3A_312, %mul3A_314 : i32
      "tpu.region"() ({
        %run_scoped3A = tpu.sem_alloc : memref<!tpu.dma_semaphore, #tpu.memory_space<semaphore_mem>>
        %dma_start3A = arith.constant 0 : i32
        %dma_start3A_317 = tpu.memref_slice %arg17[%add3A_315, %dma_start3A] : memref<10112x128xf32, #tpu.memory_space<vmem_shared>> -> memref<128x128xf32, #tpu.memory_space<vmem_shared>>
        %dma_start3A_318 = arith.constant 0 : i32
        %dma_start3A_319 = tpu.memref_slice %arg17[%add3A_315, %dma_start3A_318] : memref<10112x128xf32, #tpu.memory_space<vmem_shared>> -> memref<128x128xf32, #tpu.memory_space<vmem_shared>>
        tpu.enqueue_dma source(%dma_start3A_319 : memref<128x128xf32, #tpu.memory_space<vmem_shared>>) target(%arg15 : memref<128x128xf32, #tpu.memory_space<vmem>>) target_semaphore(%run_scoped3A : memref<!tpu.dma_semaphore, #tpu.memory_space<semaphore_mem>>)
        %dma_wait3A_320 = arith.constant 0 : i32
        %dma_wait3A_321 = tpu.memref_slice %arg17[%add3A_315, %dma_wait3A_320] : memref<10112x128xf32, #tpu.memory_space<vmem_shared>> -> memref<128x128xf32, #tpu.memory_space<vmem_shared>>
        %dma_wait3A_322 = arith.constant 0 : i32
        %dma_wait3A_323 = tpu.memref_slice %arg17[%add3A_315, %dma_wait3A_322] : memref<10112x128xf32, #tpu.memory_space<vmem_shared>> -> memref<128x128xf32, #tpu.memory_space<vmem_shared>>
        tpu.wait_dma2 semaphore(%run_scoped3A : memref<!tpu.dma_semaphore, #tpu.memory_space<semaphore_mem>>) src(%dma_wait3A_323 : memref<128x128xf32, #tpu.memory_space<vmem_shared>>) dst(%arg15 : memref<128x128xf32, #tpu.memory_space<vmem>>)
        tpu.yield
      }) : () -> ()
      "tpu.region"() ({
        %run_scoped3A = tpu.sem_alloc : memref<!tpu.dma_semaphore, #tpu.memory_space<semaphore_mem>>
        %dma_start3A = arith.constant 0 : i32
        %dma_start3A_317 = tpu.memref_slice %arg7[%arg0, %add3A_315, %dma_start3A] : memref<2x10112x128xf32, #tpu.memory_space<hbm>> -> memref<1x128x128xf32, #tpu.memory_space<hbm>>
        %dma_start3A_318 = tpu.memref_squeeze %dma_start3A_317 : memref<1x128x128xf32, #tpu.memory_space<hbm>> -> memref<128x128xf32, #tpu.memory_space<hbm>>
        %dma_start3A_319 = arith.constant 0 : i32
        %dma_start3A_320 = tpu.memref_slice %arg7[%arg0, %add3A_315, %dma_start3A_319] : memref<2x10112x128xf32, #tpu.memory_space<hbm>> -> memref<1x128x128xf32, #tpu.memory_space<hbm>>
        %dma_start3A_321 = tpu.memref_squeeze %dma_start3A_320 : memref<1x128x128xf32, #tpu.memory_space<hbm>> -> memref<128x128xf32, #tpu.memory_space<hbm>>
        tpu.enqueue_dma source(%arg15 : memref<128x128xf32, #tpu.memory_space<vmem>>) target(%dma_start3A_321 : memref<128x128xf32, #tpu.memory_space<hbm>>) target_semaphore(%run_scoped3A : memref<!tpu.dma_semaphore, #tpu.memory_space<semaphore_mem>>)
        %dma_wait3A_322 = arith.constant 0 : i32
        %dma_wait3A_323 = tpu.memref_slice %arg7[%arg0, %add3A_315, %dma_wait3A_322] : memref<2x10112x128xf32, #tpu.memory_space<hbm>> -> memref<1x128x128xf32, #tpu.memory_space<hbm>>
        %dma_wait3A_324 = tpu.memref_squeeze %dma_wait3A_323 : memref<1x128x128xf32, #tpu.memory_space<hbm>> -> memref<128x128xf32, #tpu.memory_space<hbm>>
        %dma_wait3A_325 = arith.constant 0 : i32
        %dma_wait3A_326 = tpu.memref_slice %arg7[%arg0, %add3A_315, %dma_wait3A_325] : memref<2x10112x128xf32, #tpu.memory_space<hbm>> -> memref<1x128x128xf32, #tpu.memory_space<hbm>>
        %dma_wait3A_327 = tpu.memref_squeeze %dma_wait3A_326 : memref<1x128x128xf32, #tpu.memory_space<hbm>> -> memref<128x128xf32, #tpu.memory_space<hbm>>
        tpu.wait_dma2 semaphore(%run_scoped3A : memref<!tpu.dma_semaphore, #tpu.memory_space<semaphore_mem>>) src(%arg15 : memref<128x128xf32, #tpu.memory_space<vmem>>) dst(%dma_wait3A_327 : memref<128x128xf32, #tpu.memory_space<hbm>>)
        tpu.yield
      }) : () -> ()
      %scan3A_316 = arith.constant 0 : i32
      scf.yield %scan3A_316 : i32
    }
    %scan3A_304 = arith.constant 4 : i32
    %mul3A_305 = arith.constant 632 : i32
    %mul3A_306 = arith.muli %arg1, %mul3A_305 : i32
    %add3A_307 = arith.constant 512 : i32
    %add3A_308 = arith.addi %mul3A_306, %add3A_307 : i32
    "tpu.region"() ({
      %run_scoped3A = tpu.sem_alloc : memref<!tpu.dma_semaphore, #tpu.memory_space<semaphore_mem>>
      %dma_start3A = arith.constant 0 : i32
      %dma_start3A_309 = arith.constant 0 : i32
      %dma_start3A_310 = tpu.memref_slice %arg15[%dma_start3A, %dma_start3A_309] : memref<128x128xf32, #tpu.memory_space<vmem>> -> memref<120x128xf32, #tpu.memory_space<vmem>>
      %dma_start3A_311 = arith.constant 0 : i32
      %dma_start3A_312 = tpu.memref_slice %arg17[%add3A_308, %dma_start3A_311] : memref<10112x128xf32, #tpu.memory_space<vmem_shared>> -> memref<120x128xf32, #tpu.memory_space<vmem_shared>>
      %dma_start3A_313 = arith.constant 0 : i32
      %dma_start3A_314 = arith.constant 0 : i32
      %dma_start3A_315 = tpu.memref_slice %arg15[%dma_start3A_313, %dma_start3A_314] : memref<128x128xf32, #tpu.memory_space<vmem>> -> memref<120x128xf32, #tpu.memory_space<vmem>>
      %dma_start3A_316 = arith.constant 0 : i32
      %dma_start3A_317 = tpu.memref_slice %arg17[%add3A_308, %dma_start3A_316] : memref<10112x128xf32, #tpu.memory_space<vmem_shared>> -> memref<120x128xf32, #tpu.memory_space<vmem_shared>>
      tpu.enqueue_dma source(%dma_start3A_317 : memref<120x128xf32, #tpu.memory_space<vmem_shared>>) target(%dma_start3A_315 : memref<120x128xf32, #tpu.memory_space<vmem>>) target_semaphore(%run_scoped3A : memref<!tpu.dma_semaphore, #tpu.memory_space<semaphore_mem>>)
      %dma_wait3A_318 = arith.constant 0 : i32
      %dma_wait3A_319 = arith.constant 0 : i32
      %dma_wait3A_320 = tpu.memref_slice %arg15[%dma_wait3A_318, %dma_wait3A_319] : memref<128x128xf32, #tpu.memory_space<vmem>> -> memref<120x128xf32, #tpu.memory_space<vmem>>
      %dma_wait3A_321 = arith.constant 0 : i32
      %dma_wait3A_322 = tpu.memref_slice %arg17[%add3A_308, %dma_wait3A_321] : memref<10112x128xf32, #tpu.memory_space<vmem_shared>> -> memref<120x128xf32, #tpu.memory_space<vmem_shared>>
      %dma_wait3A_323 = arith.constant 0 : i32
      %dma_wait3A_324 = arith.constant 0 : i32
      %dma_wait3A_325 = tpu.memref_slice %arg15[%dma_wait3A_323, %dma_wait3A_324] : memref<128x128xf32, #tpu.memory_space<vmem>> -> memref<120x128xf32, #tpu.memory_space<vmem>>
      %dma_wait3A_326 = arith.constant 0 : i32
      %dma_wait3A_327 = tpu.memref_slice %arg17[%add3A_308, %dma_wait3A_326] : memref<10112x128xf32, #tpu.memory_space<vmem_shared>> -> memref<120x128xf32, #tpu.memory_space<vmem_shared>>
      tpu.wait_dma2 semaphore(%run_scoped3A : memref<!tpu.dma_semaphore, #tpu.memory_space<semaphore_mem>>) src(%dma_wait3A_327 : memref<120x128xf32, #tpu.memory_space<vmem_shared>>) dst(%dma_wait3A_325 : memref<120x128xf32, #tpu.memory_space<vmem>>)
      tpu.yield
    }) : () -> ()
    "tpu.region"() ({
      %run_scoped3A = tpu.sem_alloc : memref<!tpu.dma_semaphore, #tpu.memory_space<semaphore_mem>>
      %dma_start3A = arith.constant 0 : i32
      %dma_start3A_309 = arith.constant 0 : i32
      %dma_start3A_310 = tpu.memref_slice %arg15[%dma_start3A, %dma_start3A_309] : memref<128x128xf32, #tpu.memory_space<vmem>> -> memref<120x128xf32, #tpu.memory_space<vmem>>
      %dma_start3A_311 = arith.constant 0 : i32
      %dma_start3A_312 = tpu.memref_slice %arg7[%arg0, %add3A_308, %dma_start3A_311] : memref<2x10112x128xf32, #tpu.memory_space<hbm>> -> memref<1x120x128xf32, #tpu.memory_space<hbm>>
      %dma_start3A_313 = tpu.memref_squeeze %dma_start3A_312 : memref<1x120x128xf32, #tpu.memory_space<hbm>> -> memref<120x128xf32, #tpu.memory_space<hbm>>
      %dma_start3A_314 = arith.constant 0 : i32
      %dma_start3A_315 = tpu.memref_slice %arg7[%arg0, %add3A_308, %dma_start3A_314] : memref<2x10112x128xf32, #tpu.memory_space<hbm>> -> memref<1x120x128xf32, #tpu.memory_space<hbm>>
      %dma_start3A_316 = tpu.memref_squeeze %dma_start3A_315 : memref<1x120x128xf32, #tpu.memory_space<hbm>> -> memref<120x128xf32, #tpu.memory_space<hbm>>
      %dma_start3A_317 = arith.constant 0 : i32
      %dma_start3A_318 = arith.constant 0 : i32
      %dma_start3A_319 = tpu.memref_slice %arg15[%dma_start3A_317, %dma_start3A_318] : memref<128x128xf32, #tpu.memory_space<vmem>> -> memref<120x128xf32, #tpu.memory_space<vmem>>
      tpu.enqueue_dma source(%dma_start3A_319 : memref<120x128xf32, #tpu.memory_space<vmem>>) target(%dma_start3A_316 : memref<120x128xf32, #tpu.memory_space<hbm>>) target_semaphore(%run_scoped3A : memref<!tpu.dma_semaphore, #tpu.memory_space<semaphore_mem>>)
      %dma_wait3A_320 = arith.constant 0 : i32
      %dma_wait3A_321 = arith.constant 0 : i32
      %dma_wait3A_322 = tpu.memref_slice %arg15[%dma_wait3A_320, %dma_wait3A_321] : memref<128x128xf32, #tpu.memory_space<vmem>> -> memref<120x128xf32, #tpu.memory_space<vmem>>
      %dma_wait3A_323 = arith.constant 0 : i32
      %dma_wait3A_324 = tpu.memref_slice %arg7[%arg0, %add3A_308, %dma_wait3A_323] : memref<2x10112x128xf32, #tpu.memory_space<hbm>> -> memref<1x120x128xf32, #tpu.memory_space<hbm>>
      %dma_wait3A_325 = tpu.memref_squeeze %dma_wait3A_324 : memref<1x120x128xf32, #tpu.memory_space<hbm>> -> memref<120x128xf32, #tpu.memory_space<hbm>>
      %dma_wait3A_326 = arith.constant 0 : i32
      %dma_wait3A_327 = tpu.memref_slice %arg7[%arg0, %add3A_308, %dma_wait3A_326] : memref<2x10112x128xf32, #tpu.memory_space<hbm>> -> memref<1x120x128xf32, #tpu.memory_space<hbm>>
      %dma_wait3A_328 = tpu.memref_squeeze %dma_wait3A_327 : memref<1x120x128xf32, #tpu.memory_space<hbm>> -> memref<120x128xf32, #tpu.memory_space<hbm>>
      %dma_wait3A_329 = arith.constant 0 : i32
      %dma_wait3A_330 = arith.constant 0 : i32
      %dma_wait3A_331 = tpu.memref_slice %arg15[%dma_wait3A_329, %dma_wait3A_330] : memref<128x128xf32, #tpu.memory_space<vmem>> -> memref<120x128xf32, #tpu.memory_space<vmem>>
      tpu.wait_dma2 semaphore(%run_scoped3A : memref<!tpu.dma_semaphore, #tpu.memory_space<semaphore_mem>>) src(%dma_wait3A_331 : memref<120x128xf32, #tpu.memory_space<vmem>>) dst(%dma_wait3A_328 : memref<120x128xf32, #tpu.memory_space<hbm>>)
      tpu.yield
    }) : () -> ()
    return
  }
}

#map = affine_map<(d0, d1) -> (0, 0, 0)>
#map1 = affine_map<(d0, d1) -> (0)>
module attributes {stable_mosaic.version = 14 : i64} {
  func.func @deg_kernel(%arg0: i32, %arg1: i32, %arg2: memref<32x80x128xi32, #tpu.memory_space<hbm>>, %arg3: memref<20224xf32, #tpu.memory_space<hbm>>, %arg4: memref<80x128xi32, #tpu.memory_space<vmem>>, %arg5: memref<80x128xf32, #tpu.memory_space<vmem>>, %arg6: memref<80xi32, #tpu.memory_space<vmem>>, %arg7: memref<128xf32, #tpu.memory_space<vmem>>, %arg8: memref<80x128xf32, #tpu.memory_space<vmem_shared>>) attributes {dimension_semantics = [#tpu.dimension_semantics<core_parallel>, #tpu.dimension_semantics<subcore_parallel>], iteration_bounds = array<i64: 2, 16>, scalar_prefetch = 0 : i64, scratch_operands = 5 : i64, tpu.core_type = #tpu.core_type<sc_vector_subcore>, window_params = [{transform_indices = #map}, {transform_indices = #map1}]} {
    %mul3A = arith.constant 2 : i32
    %mul3A_0 = arith.muli %arg1, %mul3A : i32
    %add3A = arith.addi %mul3A_0, %arg0 : i32
    %broadcast_in_dim3A = arith.constant 0.000000e+00 : f32
    %broadcast_in_dim3A_1 = vector.broadcast %broadcast_in_dim3A : f32 to vector<16xf32>
    %broadcast_in_dim3A_2 = arith.constant 1.000000e+00 : f32
    %broadcast_in_dim3A_3 = vector.broadcast %broadcast_in_dim3A_2 : f32 to vector<16xf32>
    %iota3A = tpu.iota {dimensions = array<i32: 0>} : vector<16xi32>
    %scan3A = arith.constant 0 : i32
    %scan3A_4 = arith.constant 0 : i32
    %scan3A_5 = arith.constant 80 : i32
    %scan3A_6 = arith.addi %scan3A_4, %scan3A_5 : i32
    %scan3A_7 = arith.constant 1 : i32
    %scan3A_8 = scf.for %scan3A_54 = %scan3A_4 to %scan3A_6 step %scan3A_7 iter_args(%scan3A_55 = %scan3A) -> (i32)  : i32 {
      %swap3A_56 = arith.index_cast %scan3A_54 : i32 to index
      %swap3A_57 = arith.constant 0 : index
      %swap3A_58 = tpu.vector_load %arg5[%swap3A_56, %swap3A_57] {strides = array<i32>} : memref<80x128xf32, #tpu.memory_space<vmem>>, vector<16xf32>,
      tpu.vector_store %arg5[%swap3A_56, %swap3A_57], %broadcast_in_dim3A_1 {strides = array<i32>} : memref<80x128xf32, #tpu.memory_space<vmem>>, vector<16xf32>,
      %swap3A_59 = arith.index_cast %scan3A_54 : i32 to index
      %swap3A_60 = arith.constant 16 : index
      %swap3A_61 = tpu.vector_load %arg5[%swap3A_59, %swap3A_60] {strides = array<i32>} : memref<80x128xf32, #tpu.memory_space<vmem>>, vector<16xf32>,
      tpu.vector_store %arg5[%swap3A_59, %swap3A_60], %broadcast_in_dim3A_1 {strides = array<i32>} : memref<80x128xf32, #tpu.memory_space<vmem>>, vector<16xf32>,
      %swap3A_62 = arith.index_cast %scan3A_54 : i32 to index
      %swap3A_63 = arith.constant 32 : index
      %swap3A_64 = tpu.vector_load %arg5[%swap3A_62, %swap3A_63] {strides = array<i32>} : memref<80x128xf32, #tpu.memory_space<vmem>>, vector<16xf32>,
      tpu.vector_store %arg5[%swap3A_62, %swap3A_63], %broadcast_in_dim3A_1 {strides = array<i32>} : memref<80x128xf32, #tpu.memory_space<vmem>>, vector<16xf32>,
      %swap3A_65 = arith.index_cast %scan3A_54 : i32 to index
      %swap3A_66 = arith.constant 48 : index
      %swap3A_67 = tpu.vector_load %arg5[%swap3A_65, %swap3A_66] {strides = array<i32>} : memref<80x128xf32, #tpu.memory_space<vmem>>, vector<16xf32>,
      tpu.vector_store %arg5[%swap3A_65, %swap3A_66], %broadcast_in_dim3A_1 {strides = array<i32>} : memref<80x128xf32, #tpu.memory_space<vmem>>, vector<16xf32>,
      %swap3A_68 = arith.index_cast %scan3A_54 : i32 to index
      %swap3A_69 = arith.constant 64 : index
      %swap3A_70 = tpu.vector_load %arg5[%swap3A_68, %swap3A_69] {strides = array<i32>} : memref<80x128xf32, #tpu.memory_space<vmem>>, vector<16xf32>,
      tpu.vector_store %arg5[%swap3A_68, %swap3A_69], %broadcast_in_dim3A_1 {strides = array<i32>} : memref<80x128xf32, #tpu.memory_space<vmem>>, vector<16xf32>,
      %swap3A_71 = arith.index_cast %scan3A_54 : i32 to index
      %swap3A_72 = arith.constant 80 : index
      %swap3A_73 = tpu.vector_load %arg5[%swap3A_71, %swap3A_72] {strides = array<i32>} : memref<80x128xf32, #tpu.memory_space<vmem>>, vector<16xf32>,
      tpu.vector_store %arg5[%swap3A_71, %swap3A_72], %broadcast_in_dim3A_1 {strides = array<i32>} : memref<80x128xf32, #tpu.memory_space<vmem>>, vector<16xf32>,
      %swap3A_74 = arith.index_cast %scan3A_54 : i32 to index
      %swap3A_75 = arith.constant 96 : index
      %swap3A_76 = tpu.vector_load %arg5[%swap3A_74, %swap3A_75] {strides = array<i32>} : memref<80x128xf32, #tpu.memory_space<vmem>>, vector<16xf32>,
      tpu.vector_store %arg5[%swap3A_74, %swap3A_75], %broadcast_in_dim3A_1 {strides = array<i32>} : memref<80x128xf32, #tpu.memory_space<vmem>>, vector<16xf32>,
      %swap3A_77 = arith.index_cast %scan3A_54 : i32 to index
      %swap3A_78 = arith.constant 112 : index
      %swap3A_79 = tpu.vector_load %arg5[%swap3A_77, %swap3A_78] {strides = array<i32>} : memref<80x128xf32, #tpu.memory_space<vmem>>, vector<16xf32>,
      tpu.vector_store %arg5[%swap3A_77, %swap3A_78], %broadcast_in_dim3A_1 {strides = array<i32>} : memref<80x128xf32, #tpu.memory_space<vmem>>, vector<16xf32>,
      %scan3A_80 = arith.constant 0 : i32
      scf.yield %scan3A_80 : i32
    }
    %scan3A_9 = arith.constant 80 : i32
    %scan3A_10 = arith.constant 0 : i32
    %scan3A_11 = arith.constant 0 : i32
    %scan3A_12 = arith.constant 5 : i32
    %scan3A_13 = arith.addi %scan3A_11, %scan3A_12 : i32
    %scan3A_14 = arith.constant 1 : i32
    %scan3A_15 = scf.for %scan3A_54 = %scan3A_11 to %scan3A_13 step %scan3A_14 iter_args(%scan3A_55 = %scan3A_10) -> (i32)  : i32 {
      %mul3A_56 = arith.constant 16 : i32
      %mul3A_57 = arith.muli %scan3A_54, %mul3A_56 : i32
      %add3A_58 = vector.broadcast %mul3A_57 : i32 to vector<16xi32>
      %add3A_59 = arith.addi %iota3A, %add3A_58 : vector<16xi32>
      %mul3A_60 = arith.constant 16 : i32
      %mul3A_61 = arith.muli %scan3A_54, %mul3A_60 : i32
      %swap3A_62 = arith.index_cast %mul3A_61 : i32 to index
      %swap3A_63 = tpu.vector_load %arg6[%swap3A_62] {strides = array<i32>} : memref<80xi32, #tpu.memory_space<vmem>>, vector<16xi32>,
      tpu.vector_store %arg6[%swap3A_62], %add3A_59 {strides = array<i32>} : memref<80xi32, #tpu.memory_space<vmem>>, vector<16xi32>,
      %scan3A_64 = arith.constant 0 : i32
      scf.yield %scan3A_64 : i32
    }
    %scan3A_16 = arith.constant 5 : i32
    %swap3A = arith.constant 0 : index
    %swap3A_17 = tpu.vector_load %arg7[%swap3A] {strides = array<i32>} : memref<128xf32, #tpu.memory_space<vmem>>, vector<16xf32>,
    tpu.vector_store %arg7[%swap3A], %broadcast_in_dim3A_1 {strides = array<i32>} : memref<128xf32, #tpu.memory_space<vmem>>, vector<16xf32>,
    %swap3A_18 = arith.constant 16 : index
    %swap3A_19 = tpu.vector_load %arg7[%swap3A_18] {strides = array<i32>} : memref<128xf32, #tpu.memory_space<vmem>>, vector<16xf32>,
    tpu.vector_store %arg7[%swap3A_18], %broadcast_in_dim3A_1 {strides = array<i32>} : memref<128xf32, #tpu.memory_space<vmem>>, vector<16xf32>,
    %swap3A_20 = arith.constant 32 : index
    %swap3A_21 = tpu.vector_load %arg7[%swap3A_20] {strides = array<i32>} : memref<128xf32, #tpu.memory_space<vmem>>, vector<16xf32>,
    tpu.vector_store %arg7[%swap3A_20], %broadcast_in_dim3A_1 {strides = array<i32>} : memref<128xf32, #tpu.memory_space<vmem>>, vector<16xf32>,
    %swap3A_22 = arith.constant 48 : index
    %swap3A_23 = tpu.vector_load %arg7[%swap3A_22] {strides = array<i32>} : memref<128xf32, #tpu.memory_space<vmem>>, vector<16xf32>,
    tpu.vector_store %arg7[%swap3A_22], %broadcast_in_dim3A_1 {strides = array<i32>} : memref<128xf32, #tpu.memory_space<vmem>>, vector<16xf32>,
    %swap3A_24 = arith.constant 64 : index
    %swap3A_25 = tpu.vector_load %arg7[%swap3A_24] {strides = array<i32>} : memref<128xf32, #tpu.memory_space<vmem>>, vector<16xf32>,
    tpu.vector_store %arg7[%swap3A_24], %broadcast_in_dim3A_1 {strides = array<i32>} : memref<128xf32, #tpu.memory_space<vmem>>, vector<16xf32>,
    %swap3A_26 = arith.constant 80 : index
    %swap3A_27 = tpu.vector_load %arg7[%swap3A_26] {strides = array<i32>} : memref<128xf32, #tpu.memory_space<vmem>>, vector<16xf32>,
    tpu.vector_store %arg7[%swap3A_26], %broadcast_in_dim3A_1 {strides = array<i32>} : memref<128xf32, #tpu.memory_space<vmem>>, vector<16xf32>,
    %swap3A_28 = arith.constant 96 : index
    %swap3A_29 = tpu.vector_load %arg7[%swap3A_28] {strides = array<i32>} : memref<128xf32, #tpu.memory_space<vmem>>, vector<16xf32>,
    tpu.vector_store %arg7[%swap3A_28], %broadcast_in_dim3A_1 {strides = array<i32>} : memref<128xf32, #tpu.memory_space<vmem>>, vector<16xf32>,
    %swap3A_30 = arith.constant 112 : index
    %swap3A_31 = tpu.vector_load %arg7[%swap3A_30] {strides = array<i32>} : memref<128xf32, #tpu.memory_space<vmem>>, vector<16xf32>,
    tpu.vector_store %arg7[%swap3A_30], %broadcast_in_dim3A_1 {strides = array<i32>} : memref<128xf32, #tpu.memory_space<vmem>>, vector<16xf32>,
    %scan3A_32 = arith.constant 0 : i32
    %scan3A_33 = arith.constant 0 : i32
    %scan3A_34 = arith.constant 5 : i32
    %scan3A_35 = arith.addi %scan3A_33, %scan3A_34 : i32
    %scan3A_36 = arith.constant 1 : i32
    %scan3A_37 = scf.for %scan3A_54 = %scan3A_33 to %scan3A_35 step %scan3A_36 iter_args(%scan3A_55 = %scan3A_32) -> (i32)  : i32 {
      %mul3A_56 = arith.constant 16 : i32
      %mul3A_57 = arith.muli %scan3A_54, %mul3A_56 : i32
      %add3A_58 = arith.addi %mul3A_57, %arg1 : i32
      "tpu.region"() ({
        %run_scoped3A = tpu.sem_alloc : memref<!tpu.dma_semaphore, #tpu.memory_space<semaphore_mem>>
        %dma_start3A = arith.constant 0 : i32
        %dma_start3A_60 = tpu.memref_slice %arg8[%add3A_58, %dma_start3A] : memref<80x128xf32, #tpu.memory_space<vmem_shared>> -> memref<1x128xf32, #tpu.memory_space<vmem_shared>>
        %dma_start3A_61 = tpu.memref_squeeze %dma_start3A_60 : memref<1x128xf32, #tpu.memory_space<vmem_shared>> -> memref<128xf32, #tpu.memory_space<vmem_shared>>
        %dma_start3A_62 = arith.constant 0 : i32
        %dma_start3A_63 = tpu.memref_slice %arg8[%add3A_58, %dma_start3A_62] : memref<80x128xf32, #tpu.memory_space<vmem_shared>> -> memref<1x128xf32, #tpu.memory_space<vmem_shared>>
        %dma_start3A_64 = tpu.memref_squeeze %dma_start3A_63 : memref<1x128xf32, #tpu.memory_space<vmem_shared>> -> memref<128xf32, #tpu.memory_space<vmem_shared>>
        tpu.enqueue_dma source(%arg7 : memref<128xf32, #tpu.memory_space<vmem>>) target(%dma_start3A_64 : memref<128xf32, #tpu.memory_space<vmem_shared>>) target_semaphore(%run_scoped3A : memref<!tpu.dma_semaphore, #tpu.memory_space<semaphore_mem>>)
        %dma_wait3A = arith.constant 0 : i32
        %dma_wait3A_65 = tpu.memref_slice %arg8[%add3A_58, %dma_wait3A] : memref<80x128xf32, #tpu.memory_space<vmem_shared>> -> memref<1x128xf32, #tpu.memory_space<vmem_shared>>
        %dma_wait3A_66 = tpu.memref_squeeze %dma_wait3A_65 : memref<1x128xf32, #tpu.memory_space<vmem_shared>> -> memref<128xf32, #tpu.memory_space<vmem_shared>>
        %dma_wait3A_67 = arith.constant 0 : i32
        %dma_wait3A_68 = tpu.memref_slice %arg8[%add3A_58, %dma_wait3A_67] : memref<80x128xf32, #tpu.memory_space<vmem_shared>> -> memref<1x128xf32, #tpu.memory_space<vmem_shared>>
        %dma_wait3A_69 = tpu.memref_squeeze %dma_wait3A_68 : memref<1x128xf32, #tpu.memory_space<vmem_shared>> -> memref<128xf32, #tpu.memory_space<vmem_shared>>
        tpu.wait_dma2 semaphore(%run_scoped3A : memref<!tpu.dma_semaphore, #tpu.memory_space<semaphore_mem>>) src(%arg7 : memref<128xf32, #tpu.memory_space<vmem>>) dst(%dma_wait3A_69 : memref<128xf32, #tpu.memory_space<vmem_shared>>)
        tpu.yield
      }) : () -> ()
      %scan3A_59 = arith.constant 0 : i32
      scf.yield %scan3A_59 : i32
    }
    %scan3A_38 = arith.constant 5 : i32
    %barrier3A = arith.constant 0 : index
    tpu.barrier barrier_id(%barrier3A)
    "tpu.region"() ({
      %run_scoped3A = tpu.sem_alloc : memref<!tpu.dma_semaphore, #tpu.memory_space<semaphore_mem>>
      %dma_start3A = arith.constant 0 : i32
      %dma_start3A_54 = arith.constant 0 : i32
      %dma_start3A_55 = tpu.memref_slice %arg2[%add3A, %dma_start3A, %dma_start3A_54] : memref<32x80x128xi32, #tpu.memory_space<hbm>> -> memref<1x80x128xi32, #tpu.memory_space<hbm>>
      %dma_start3A_56 = tpu.memref_squeeze %dma_start3A_55 : memref<1x80x128xi32, #tpu.memory_space<hbm>> -> memref<80x128xi32, #tpu.memory_space<hbm>>
      %dma_start3A_57 = arith.constant 0 : i32
      %dma_start3A_58 = arith.constant 0 : i32
      %dma_start3A_59 = tpu.memref_slice %arg2[%add3A, %dma_start3A_57, %dma_start3A_58] : memref<32x80x128xi32, #tpu.memory_space<hbm>> -> memref<1x80x128xi32, #tpu.memory_space<hbm>>
      %dma_start3A_60 = tpu.memref_squeeze %dma_start3A_59 : memref<1x80x128xi32, #tpu.memory_space<hbm>> -> memref<80x128xi32, #tpu.memory_space<hbm>>
      tpu.enqueue_dma source(%dma_start3A_60 : memref<80x128xi32, #tpu.memory_space<hbm>>) target(%arg4 : memref<80x128xi32, #tpu.memory_space<vmem>>) target_semaphore(%run_scoped3A : memref<!tpu.dma_semaphore, #tpu.memory_space<semaphore_mem>>)
      %dma_wait3A = arith.constant 0 : i32
      %dma_wait3A_61 = arith.constant 0 : i32
      %dma_wait3A_62 = tpu.memref_slice %arg2[%add3A, %dma_wait3A, %dma_wait3A_61] : memref<32x80x128xi32, #tpu.memory_space<hbm>> -> memref<1x80x128xi32, #tpu.memory_space<hbm>>
      %dma_wait3A_63 = tpu.memref_squeeze %dma_wait3A_62 : memref<1x80x128xi32, #tpu.memory_space<hbm>> -> memref<80x128xi32, #tpu.memory_space<hbm>>
      %dma_wait3A_64 = arith.constant 0 : i32
      %dma_wait3A_65 = arith.constant 0 : i32
      %dma_wait3A_66 = tpu.memref_slice %arg2[%add3A, %dma_wait3A_64, %dma_wait3A_65] : memref<32x80x128xi32, #tpu.memory_space<hbm>> -> memref<1x80x128xi32, #tpu.memory_space<hbm>>
      %dma_wait3A_67 = tpu.memref_squeeze %dma_wait3A_66 : memref<1x80x128xi32, #tpu.memory_space<hbm>> -> memref<80x128xi32, #tpu.memory_space<hbm>>
      tpu.wait_dma2 semaphore(%run_scoped3A : memref<!tpu.dma_semaphore, #tpu.memory_space<semaphore_mem>>) src(%dma_wait3A_67 : memref<80x128xi32, #tpu.memory_space<hbm>>) dst(%arg4 : memref<80x128xi32, #tpu.memory_space<vmem>>)
      tpu.yield
    }) : () -> ()
    %scan3A_39 = arith.constant 0 : i32
    %scan3A_40 = arith.constant 0 : i32
    %scan3A_41 = arith.constant 80 : i32
    %scan3A_42 = arith.addi %scan3A_40, %scan3A_41 : i32
    %scan3A_43 = arith.constant 1 : i32
    %scan3A_44 = scf.for %scan3A_54 = %scan3A_40 to %scan3A_42 step %scan3A_43 iter_args(%scan3A_55 = %scan3A_39) -> (i32)  : i32 {
      %get3A = arith.index_cast %scan3A_54 : i32 to index
      %get3A_56 = arith.constant 0 : index
      %get3A_57 = tpu.vector_load %arg4[%get3A, %get3A_56] {strides = array<i32>} : memref<80x128xi32, #tpu.memory_space<vmem>>, vector<16xi32>,
      %shift_right_arithmetic3A = arith.constant 7 : i32
      %shift_right_arithmetic3A_58 = vector.broadcast %shift_right_arithmetic3A : i32 to vector<16xi32>
      %shift_right_arithmetic3A_59 = arith.shrsi %get3A_57, %shift_right_arithmetic3A_58 : vector<16xi32>
      %and3A = arith.constant 127 : i32
      %and3A_60 = vector.broadcast %and3A : i32 to vector<16xi32>
      %and3A_61 = arith.andi %get3A_57, %and3A_60 : vector<16xi32>
      tpu.vector_store_idx %arg5[%shift_right_arithmetic3A_59, %and3A_61], %broadcast_in_dim3A_3 {add = true} : memref<80x128xf32, #tpu.memory_space<vmem>>[vector<16xi32>, vector<16xi32>], vector<16xf32>,
      %get3A_62 = arith.index_cast %scan3A_54 : i32 to index
      %get3A_63 = arith.constant 16 : index
      %get3A_64 = tpu.vector_load %arg4[%get3A_62, %get3A_63] {strides = array<i32>} : memref<80x128xi32, #tpu.memory_space<vmem>>, vector<16xi32>,
      %shift_right_arithmetic3A_65 = arith.constant 7 : i32
      %shift_right_arithmetic3A_66 = vector.broadcast %shift_right_arithmetic3A_65 : i32 to vector<16xi32>
      %shift_right_arithmetic3A_67 = arith.shrsi %get3A_64, %shift_right_arithmetic3A_66 : vector<16xi32>
      %and3A_68 = arith.constant 127 : i32
      %and3A_69 = vector.broadcast %and3A_68 : i32 to vector<16xi32>
      %and3A_70 = arith.andi %get3A_64, %and3A_69 : vector<16xi32>
      tpu.vector_store_idx %arg5[%shift_right_arithmetic3A_67, %and3A_70], %broadcast_in_dim3A_3 {add = true} : memref<80x128xf32, #tpu.memory_space<vmem>>[vector<16xi32>, vector<16xi32>], vector<16xf32>,
      %get3A_71 = arith.index_cast %scan3A_54 : i32 to index
      %get3A_72 = arith.constant 32 : index
      %get3A_73 = tpu.vector_load %arg4[%get3A_71, %get3A_72] {strides = array<i32>} : memref<80x128xi32, #tpu.memory_space<vmem>>, vector<16xi32>,
      %shift_right_arithmetic3A_74 = arith.constant 7 : i32
      %shift_right_arithmetic3A_75 = vector.broadcast %shift_right_arithmetic3A_74 : i32 to vector<16xi32>
      %shift_right_arithmetic3A_76 = arith.shrsi %get3A_73, %shift_right_arithmetic3A_75 : vector<16xi32>
      %and3A_77 = arith.constant 127 : i32
      %and3A_78 = vector.broadcast %and3A_77 : i32 to vector<16xi32>
      %and3A_79 = arith.andi %get3A_73, %and3A_78 : vector<16xi32>
      tpu.vector_store_idx %arg5[%shift_right_arithmetic3A_76, %and3A_79], %broadcast_in_dim3A_3 {add = true} : memref<80x128xf32, #tpu.memory_space<vmem>>[vector<16xi32>, vector<16xi32>], vector<16xf32>,
      %get3A_80 = arith.index_cast %scan3A_54 : i32 to index
      %get3A_81 = arith.constant 48 : index
      %get3A_82 = tpu.vector_load %arg4[%get3A_80, %get3A_81] {strides = array<i32>} : memref<80x128xi32, #tpu.memory_space<vmem>>, vector<16xi32>,
      %shift_right_arithmetic3A_83 = arith.constant 7 : i32
      %shift_right_arithmetic3A_84 = vector.broadcast %shift_right_arithmetic3A_83 : i32 to vector<16xi32>
      %shift_right_arithmetic3A_85 = arith.shrsi %get3A_82, %shift_right_arithmetic3A_84 : vector<16xi32>
      %and3A_86 = arith.constant 127 : i32
      %and3A_87 = vector.broadcast %and3A_86 : i32 to vector<16xi32>
      %and3A_88 = arith.andi %get3A_82, %and3A_87 : vector<16xi32>
      tpu.vector_store_idx %arg5[%shift_right_arithmetic3A_85, %and3A_88], %broadcast_in_dim3A_3 {add = true} : memref<80x128xf32, #tpu.memory_space<vmem>>[vector<16xi32>, vector<16xi32>], vector<16xf32>,
      %get3A_89 = arith.index_cast %scan3A_54 : i32 to index
      %get3A_90 = arith.constant 64 : index
      %get3A_91 = tpu.vector_load %arg4[%get3A_89, %get3A_90] {strides = array<i32>} : memref<80x128xi32, #tpu.memory_space<vmem>>, vector<16xi32>,
      %shift_right_arithmetic3A_92 = arith.constant 7 : i32
      %shift_right_arithmetic3A_93 = vector.broadcast %shift_right_arithmetic3A_92 : i32 to vector<16xi32>
      %shift_right_arithmetic3A_94 = arith.shrsi %get3A_91, %shift_right_arithmetic3A_93 : vector<16xi32>
      %and3A_95 = arith.constant 127 : i32
      %and3A_96 = vector.broadcast %and3A_95 : i32 to vector<16xi32>
      %and3A_97 = arith.andi %get3A_91, %and3A_96 : vector<16xi32>
      tpu.vector_store_idx %arg5[%shift_right_arithmetic3A_94, %and3A_97], %broadcast_in_dim3A_3 {add = true} : memref<80x128xf32, #tpu.memory_space<vmem>>[vector<16xi32>, vector<16xi32>], vector<16xf32>,
      %get3A_98 = arith.index_cast %scan3A_54 : i32 to index
      %get3A_99 = arith.constant 80 : index
      %get3A_100 = tpu.vector_load %arg4[%get3A_98, %get3A_99] {strides = array<i32>} : memref<80x128xi32, #tpu.memory_space<vmem>>, vector<16xi32>,
      %shift_right_arithmetic3A_101 = arith.constant 7 : i32
      %shift_right_arithmetic3A_102 = vector.broadcast %shift_right_arithmetic3A_101 : i32 to vector<16xi32>
      %shift_right_arithmetic3A_103 = arith.shrsi %get3A_100, %shift_right_arithmetic3A_102 : vector<16xi32>
      %and3A_104 = arith.constant 127 : i32
      %and3A_105 = vector.broadcast %and3A_104 : i32 to vector<16xi32>
      %and3A_106 = arith.andi %get3A_100, %and3A_105 : vector<16xi32>
      tpu.vector_store_idx %arg5[%shift_right_arithmetic3A_103, %and3A_106], %broadcast_in_dim3A_3 {add = true} : memref<80x128xf32, #tpu.memory_space<vmem>>[vector<16xi32>, vector<16xi32>], vector<16xf32>,
      %get3A_107 = arith.index_cast %scan3A_54 : i32 to index
      %get3A_108 = arith.constant 96 : index
      %get3A_109 = tpu.vector_load %arg4[%get3A_107, %get3A_108] {strides = array<i32>} : memref<80x128xi32, #tpu.memory_space<vmem>>, vector<16xi32>,
      %shift_right_arithmetic3A_110 = arith.constant 7 : i32
      %shift_right_arithmetic3A_111 = vector.broadcast %shift_right_arithmetic3A_110 : i32 to vector<16xi32>
      %shift_right_arithmetic3A_112 = arith.shrsi %get3A_109, %shift_right_arithmetic3A_111 : vector<16xi32>
      %and3A_113 = arith.constant 127 : i32
      %and3A_114 = vector.broadcast %and3A_113 : i32 to vector<16xi32>
      %and3A_115 = arith.andi %get3A_109, %and3A_114 : vector<16xi32>
      tpu.vector_store_idx %arg5[%shift_right_arithmetic3A_112, %and3A_115], %broadcast_in_dim3A_3 {add = true} : memref<80x128xf32, #tpu.memory_space<vmem>>[vector<16xi32>, vector<16xi32>], vector<16xf32>,
      %get3A_116 = arith.index_cast %scan3A_54 : i32 to index
      %get3A_117 = arith.constant 112 : index
      %get3A_118 = tpu.vector_load %arg4[%get3A_116, %get3A_117] {strides = array<i32>} : memref<80x128xi32, #tpu.memory_space<vmem>>, vector<16xi32>,
      %shift_right_arithmetic3A_119 = arith.constant 7 : i32
      %shift_right_arithmetic3A_120 = vector.broadcast %shift_right_arithmetic3A_119 : i32 to vector<16xi32>
      %shift_right_arithmetic3A_121 = arith.shrsi %get3A_118, %shift_right_arithmetic3A_120 : vector<16xi32>
      %and3A_122 = arith.constant 127 : i32
      %and3A_123 = vector.broadcast %and3A_122 : i32 to vector<16xi32>
      %and3A_124 = arith.andi %get3A_118, %and3A_123 : vector<16xi32>
      tpu.vector_store_idx %arg5[%shift_right_arithmetic3A_121, %and3A_124], %broadcast_in_dim3A_3 {add = true} : memref<80x128xf32, #tpu.memory_space<vmem>>[vector<16xi32>, vector<16xi32>], vector<16xf32>,
      %scan3A_125 = arith.constant 0 : i32
      scf.yield %scan3A_125 : i32
    }
    %scan3A_45 = arith.constant 80 : i32
    "tpu.region"() ({
      %run_scoped3A = tpu.sem_alloc : memref<!tpu.dma_semaphore, #tpu.memory_space<semaphore_mem>>
      %dma_start3A = arith.constant 0 : i32
      %dma_start3A_54 = arith.constant 0 : i32
      %dma_start3A_55 = tpu.memref_slice %arg8[%dma_start3A, %dma_start3A_54] : memref<80x128xf32, #tpu.memory_space<vmem_shared>> -> memref<80x128xf32, #tpu.memory_space<vmem_shared>>
      tpu.enqueue_indirect_dma source(%arg5 : memref<80x128xf32, #tpu.memory_space<vmem>>) target(%dma_start3A_55 : memref<80x128xf32, #tpu.memory_space<vmem_shared>>) offsets(%arg6 : memref<80xi32, #tpu.memory_space<vmem>>) semaphore(%run_scoped3A : memref<!tpu.dma_semaphore, #tpu.memory_space<semaphore_mem>>) {add = true}
      %dma_wait3A = arith.constant 0 : i32
      %dma_wait3A_56 = arith.constant 0 : i32
      %dma_wait3A_57 = tpu.memref_slice %arg8[%dma_wait3A, %dma_wait3A_56] : memref<80x128xf32, #tpu.memory_space<vmem_shared>> -> memref<80x128xf32, #tpu.memory_space<vmem_shared>>
      tpu.wait_indirect_dma semaphore(%run_scoped3A : memref<!tpu.dma_semaphore, #tpu.memory_space<semaphore_mem>>) src(%arg5 : memref<80x128xf32, #tpu.memory_space<vmem>>) dst(%dma_wait3A_57 : memref<80x128xf32, #tpu.memory_space<vmem_shared>>)
      tpu.yield
    }) : () -> ()
    %barrier3A_46 = arith.constant 0 : index
    tpu.barrier barrier_id(%barrier3A_46)
    %scan3A_47 = arith.constant 0 : i32
    %scan3A_48 = arith.constant 0 : i32
    %scan3A_49 = arith.constant 5 : i32
    %scan3A_50 = arith.addi %scan3A_48, %scan3A_49 : i32
    %scan3A_51 = arith.constant 1 : i32
    %scan3A_52 = scf.for %scan3A_54 = %scan3A_48 to %scan3A_50 step %scan3A_51 iter_args(%scan3A_55 = %scan3A_47) -> (i32)  : i32 {
      %mul3A_56 = arith.constant 5 : i32
      %mul3A_57 = arith.muli %arg1, %mul3A_56 : i32
      %add3A_58 = arith.addi %mul3A_57, %scan3A_54 : i32
      %lt3A = arith.constant 79 : i32
      %lt3A_59 = arith.cmpi slt, %add3A_58, %lt3A : i32
      %convert_element_type3A = arith.extui %lt3A_59 : i1 to i32
      %cond3A = arith.constant 0 : i32
      %cond3A_60 = arith.cmpi ne, %convert_element_type3A, %cond3A : i32
      scf.if %cond3A_60 {
        "tpu.region"() ({
          %run_scoped3A = tpu.sem_alloc : memref<!tpu.dma_semaphore, #tpu.memory_space<semaphore_mem>>
          %dma_start3A = arith.constant 0 : i32
          %dma_start3A_67 = tpu.memref_slice %arg8[%add3A_58, %dma_start3A] : memref<80x128xf32, #tpu.memory_space<vmem_shared>> -> memref<1x128xf32, #tpu.memory_space<vmem_shared>>
          %dma_start3A_68 = tpu.memref_squeeze %dma_start3A_67 : memref<1x128xf32, #tpu.memory_space<vmem_shared>> -> memref<128xf32, #tpu.memory_space<vmem_shared>>
          %dma_start3A_69 = arith.constant 0 : i32
          %dma_start3A_70 = tpu.memref_slice %arg8[%add3A_58, %dma_start3A_69] : memref<80x128xf32, #tpu.memory_space<vmem_shared>> -> memref<1x128xf32, #tpu.memory_space<vmem_shared>>
          %dma_start3A_71 = tpu.memref_squeeze %dma_start3A_70 : memref<1x128xf32, #tpu.memory_space<vmem_shared>> -> memref<128xf32, #tpu.memory_space<vmem_shared>>
          tpu.enqueue_dma source(%dma_start3A_71 : memref<128xf32, #tpu.memory_space<vmem_shared>>) target(%arg7 : memref<128xf32, #tpu.memory_space<vmem>>) target_semaphore(%run_scoped3A : memref<!tpu.dma_semaphore, #tpu.memory_space<semaphore_mem>>)
          %dma_wait3A = arith.constant 0 : i32
          %dma_wait3A_72 = tpu.memref_slice %arg8[%add3A_58, %dma_wait3A] : memref<80x128xf32, #tpu.memory_space<vmem_shared>> -> memref<1x128xf32, #tpu.memory_space<vmem_shared>>
          %dma_wait3A_73 = tpu.memref_squeeze %dma_wait3A_72 : memref<1x128xf32, #tpu.memory_space<vmem_shared>> -> memref<128xf32, #tpu.memory_space<vmem_shared>>
          %dma_wait3A_74 = arith.constant 0 : i32
          %dma_wait3A_75 = tpu.memref_slice %arg8[%add3A_58, %dma_wait3A_74] : memref<80x128xf32, #tpu.memory_space<vmem_shared>> -> memref<1x128xf32, #tpu.memory_space<vmem_shared>>
          %dma_wait3A_76 = tpu.memref_squeeze %dma_wait3A_75 : memref<1x128xf32, #tpu.memory_space<vmem_shared>> -> memref<128xf32, #tpu.memory_space<vmem_shared>>
          tpu.wait_dma2 semaphore(%run_scoped3A : memref<!tpu.dma_semaphore, #tpu.memory_space<semaphore_mem>>) src(%dma_wait3A_76 : memref<128xf32, #tpu.memory_space<vmem_shared>>) dst(%arg7 : memref<128xf32, #tpu.memory_space<vmem>>)
          tpu.yield
        }) : () -> ()
        %mul3A_62 = arith.constant 10112 : i32
        %mul3A_63 = arith.muli %arg0, %mul3A_62 : i32
        %mul3A_64 = arith.constant 128 : i32
        %mul3A_65 = arith.muli %add3A_58, %mul3A_64 : i32
        %add3A_66 = arith.addi %mul3A_63, %mul3A_65 : i32
        "tpu.region"() ({
          %run_scoped3A = tpu.sem_alloc : memref<!tpu.dma_semaphore, #tpu.memory_space<semaphore_mem>>
          %dma_start3A = tpu.memref_slice %arg3[%add3A_66] : memref<20224xf32, #tpu.memory_space<hbm>> -> memref<128xf32, #tpu.memory_space<hbm>>
          %dma_start3A_67 = tpu.memref_slice %arg3[%add3A_66] : memref<20224xf32, #tpu.memory_space<hbm>> -> memref<128xf32, #tpu.memory_space<hbm>>
          tpu.enqueue_dma source(%arg7 : memref<128xf32, #tpu.memory_space<vmem>>) target(%dma_start3A_67 : memref<128xf32, #tpu.memory_space<hbm>>) target_semaphore(%run_scoped3A : memref<!tpu.dma_semaphore, #tpu.memory_space<semaphore_mem>>)
          %dma_wait3A = tpu.memref_slice %arg3[%add3A_66] : memref<20224xf32, #tpu.memory_space<hbm>> -> memref<128xf32, #tpu.memory_space<hbm>>
          %dma_wait3A_68 = tpu.memref_slice %arg3[%add3A_66] : memref<20224xf32, #tpu.memory_space<hbm>> -> memref<128xf32, #tpu.memory_space<hbm>>
          tpu.wait_dma2 semaphore(%run_scoped3A : memref<!tpu.dma_semaphore, #tpu.memory_space<semaphore_mem>>) src(%arg7 : memref<128xf32, #tpu.memory_space<vmem>>) dst(%dma_wait3A_68 : memref<128xf32, #tpu.memory_space<hbm>>)
          tpu.yield
        }) : () -> ()
      } else {
      }
      %scan3A_61 = arith.constant 0 : i32
      scf.yield %scan3A_61 : i32
    }
    %scan3A_53 = arith.constant 5 : i32
    return
  }
}

module attributes {stable_mosaic.version = 14 : i64} {
  func.func @_mm_body(%arg0: i32, %arg1: memref<2x1264x128xf32, #tpu.memory_space<vmem>>, %arg2: memref<2x1264x1xf32, #tpu.memory_space<vmem>>, %arg3: memref<128x128xf32, #tpu.memory_space<vmem>>, %arg4: memref<1x128xf32, #tpu.memory_space<vmem>>, %arg5: memref<1264x128xf32, #tpu.memory_space<vmem>>) attributes {dimension_semantics = [#tpu.dimension_semantics<arbitrary>], iteration_bounds = array<i64: 8>, scalar_prefetch = 0 : i64, scratch_operands = 0 : i64, tpu.core_type = #tpu.core_type<tc>, window_params = [{transform_indices = @transform_0, window_bounds = array<i64: 2, 1264, 128>}, {transform_indices = @transform_1, window_bounds = array<i64: 2, 1264, 1>}, {pipeline_mode = #tpu.pipeline_mode<synchronous>, transform_indices = @transform_2, window_bounds = array<i64: 128, 128>}, {pipeline_mode = #tpu.pipeline_mode<synchronous>, transform_indices = @transform_3, window_bounds = array<i64: 1, 128>}, {transform_indices = @transform_4, window_bounds = array<i64: 1264, 128>}]} {
    %get3A = arith.constant 0 : index
    %get3A_0 = arith.constant 0 : index
    %get3A_1 = arith.constant 0 : index
    %get3A_2 = vector.load %arg2[%get3A, %get3A_0, %get3A_1] : memref<2x1264x1xf32, #tpu.memory_space<vmem>>, vector<1x1264x1xf32>
    %get3A_3 = vector.shape_cast %get3A_2 : vector<1x1264x1xf32> to vector<1264x1xf32>
    %get3A_4 = arith.constant 1 : index
    %get3A_5 = arith.constant 0 : index
    %get3A_6 = arith.constant 0 : index
    %get3A_7 = vector.load %arg2[%get3A_4, %get3A_5, %get3A_6] : memref<2x1264x1xf32, #tpu.memory_space<vmem>>, vector<1x1264x1xf32>
    %get3A_8 = vector.shape_cast %get3A_7 : vector<1x1264x1xf32> to vector<1264x1xf32>
    %add3A = arith.addf %get3A_3, %get3A_8 : vector<1264x1xf32>
    %gt3A = arith.constant 0.000000e+00 : f32
    %gt3A_9 = vector.broadcast %gt3A : f32 to vector<1264x1xf32>
    %gt3A_10 = arith.cmpf ogt, %add3A, %gt3A_9 : vector<1264x1xf32>
    %max3A = arith.constant 1.000000e-30 : f32
    %max3A_11 = vector.broadcast %max3A : f32 to vector<1264x1xf32>
    %max3A_12 = arith.maximumf %add3A, %max3A_11 : vector<1264x1xf32>
    %rsqrt3A = math.rsqrt %max3A_12 : vector<1264x1xf32>
    %jit3A = arith.constant 0.000000e+00 : f32
    %broadcast_in_dim3A = vector.broadcast %jit3A : f32 to vector<1264x1xf32>
    %select_n3A = arith.select %gt3A_10, %rsqrt3A, %broadcast_in_dim3A : vector<1264x1xi1>, vector<1264x1xf32>
    %get3A_13 = arith.constant 0 : index
    %get3A_14 = arith.constant 0 : index
    %get3A_15 = arith.constant 0 : index
    %get3A_16 = vector.load %arg1[%get3A_13, %get3A_14, %get3A_15] : memref<2x1264x128xf32, #tpu.memory_space<vmem>>, vector<1x1264x128xf32>
    %get3A_17 = vector.shape_cast %get3A_16 : vector<1x1264x128xf32> to vector<1264x128xf32>
    %get3A_18 = arith.constant 1 : index
    %get3A_19 = arith.constant 0 : index
    %get3A_20 = arith.constant 0 : index
    %get3A_21 = vector.load %arg1[%get3A_18, %get3A_19, %get3A_20] : memref<2x1264x128xf32, #tpu.memory_space<vmem>>, vector<1x1264x128xf32>
    %get3A_22 = vector.shape_cast %get3A_21 : vector<1x1264x128xf32> to vector<1264x128xf32>
    %add3A_23 = arith.addf %get3A_17, %get3A_22 : vector<1264x128xf32>
    %mul3A = vector.broadcast %select_n3A : vector<1264x1xf32> to vector<1264x128xf32>
    %mul3A_24 = arith.mulf %add3A_23, %mul3A : vector<1264x128xf32>
    %get3A_25 = arith.constant 0 : index
    %get3A_26 = arith.constant 0 : index
    %get3A_27 = vector.load %arg3[%get3A_25, %get3A_26] : memref<128x128xf32, #tpu.memory_space<vmem>>, vector<128x128xf32>
    %dot_general3A = arith.constant dense<0.000000e+00> : vector<1264x128xf32>
    %dot_general3A_28 = tpu.matmul %mul3A_24, %get3A_27, %dot_general3A {dimension_numbers = #tpu.dot_dimension_numbers<[1], [1], [0], [0], [0, 0, 1, 0], [], []>, transpose_lhs_hint = false} : vector<1264x128xf32>, vector<128x128xf32>, vector<1264x128xf32> -> vector<1264x128xf32>
    %get3A_29 = arith.constant 0 : index
    %get3A_30 = arith.constant 0 : index
    %get3A_31 = vector.load %arg4[%get3A_29, %get3A_30] : memref<1x128xf32, #tpu.memory_space<vmem>>, vector<1x128xf32>
    %add3A_32 = vector.broadcast %get3A_31 : vector<1x128xf32> to vector<1264x128xf32>
    %add3A_33 = arith.addf %dot_general3A_28, %add3A_32 : vector<1264x128xf32>
    %swap3A = arith.constant 0 : index
    %swap3A_34 = arith.constant 0 : index
    %swap3A_35 = vector.load %arg5[%swap3A, %swap3A_34] : memref<1264x128xf32, #tpu.memory_space<vmem>>, vector<1264x128xf32>
    tpu.vector_store %arg5[%swap3A, %swap3A_34], %add3A_33 {strides = array<i32>} : memref<1264x128xf32, #tpu.memory_space<vmem>>, vector<1264x128xf32>,
    return
  }
  func.func @transform_0(%arg0: i32) -> (i32, i32, i32) {
    %c0_i32 = arith.constant 0 : i32
    %c0_i32_0 = arith.constant 0 : i32
    %c0_i32_1 = arith.constant 0 : i32
    return %c0_i32, %arg0, %c0_i32_0 : i32, i32, i32
  }
  func.func @transform_1(%arg0: i32) -> (i32, i32, i32) {
    %c0_i32 = arith.constant 0 : i32
    %c0_i32_0 = arith.constant 0 : i32
    %c0_i32_1 = arith.constant 0 : i32
    return %c0_i32, %arg0, %c0_i32_0 : i32, i32, i32
  }
  func.func @transform_2(%arg0: i32) -> (i32, i32) {
    %c0_i32 = arith.constant 0 : i32
    %c0_i32_0 = arith.constant 0 : i32
    %c0_i32_1 = arith.constant 0 : i32
    return %c0_i32, %c0_i32_0 : i32, i32
  }
  func.func @transform_3(%arg0: i32) -> (i32, i32) {
    %c0_i32 = arith.constant 0 : i32
    %c0_i32_0 = arith.constant 0 : i32
    %c0_i32_1 = arith.constant 0 : i32
    return %c0_i32, %c0_i32_0 : i32, i32
  }
  func.func @transform_4(%arg0: i32) -> (i32, i32) {
    %c0_i32 = arith.constant 0 : i32
    %c0_i32_0 = arith.constant 0 : i32
    return %arg0, %c0_i32 : i32, i32
  }
}

</mosaic_0001>

<sc_bundles>
// kernel: kernel.5.cloned.1.call-start
scs
__scs_entry_jumppad:
0x0: {  	(pc) =	sbr.rel $0x88, $3  }
0x1: {  	(tag) =	ssettag $0x0;
	lr =	simm.s32 $0x1  }
0x2: {  	[smem:$0x3F9C] =	sst lr;
	_ =	strace $0xD0000000  }
0x3: {  	_ = 	snop  }
0x4: {  	_ = 	snop  }
0x5: {  	_ = 	snop  }
0x6: {  	_ = 	snop  }
0x7: {  	_ = 	snop  }
__scs_overlays_trampoline_lowered:
0x8: {  	[smem:$0x3FAB] =	sst s0  }
0x9: {  	[smem:$0x3FAC] =	sst s1  }
0xa: {  	[smem:$0x3FAD] =	sst s2  }
0xb: {  	[smem:$0x3FAE] =	sst s3  }
0xc: {  	[smem:$0x3FAF] =	sst s4  }
0xd: {  	[smem:$0x3FB0] =	sst s5  }
0xe: {  	[smem:$0x3FB1] =	sst s6  }
0xf: {  	[smem:$0x3FB2] =	sst s7  }
0x10: {  	[smem:$0x3FB3] =	sst s8  }
0x11: {  	[smem:$0x3FB4] =	sst s9;
	s0 =	simm.s32 @!p0 $0x0  }
0x12: {  	s1 =	sld [smem:$0x3F9A];
	s0 =	simm.s32 @p0 $0x1  }
0x13: {  	[smem:$0x3FB5] =	sst s0;
	s0 =	simm.s32 @!p1 $0x0  }
0x14: {  	s2 =	sld [smem:$0x3F99];
	s0 =	simm.s32 @p1 $0x1  }
0x15: {  	[smem:$0x3FB6] =	sst s0;
	s0 =	simm.s32 @!p2 $0x0  }
0x16: {  	s3 =	sld [smem:$0x3FDB];
	s0 =	simm.s32 @p2 $0x1  }
0x17: {  	s4 =	simm.s32 $0x1BF5;
	[smem:$0x3FB8] =	sst s0  }
0x18: {  	s0 =	sld [smem:$0x3F9B];
	_ =	swait.ge [sflag:s4], $0x0  }
0x19: {  	s7 =	sld [smem:$0x3F9C]  }
0x1a: {  	s8 =	sadd.s32 $0xFFFFE003, lr  }
0x1b: {  	s9 =	sadd.s32 $0xFFFFFEF7, lr;
	s5 =	simm.s32 $0xFFFFFFFF;
	p2 =	slt.u32 s8, $0xFFFFF086  }
0x1c: {  	p1 =	slt.u32 s9, $0xF7A;
	s5 =	simm.s32 @!p2 $0x0  }
0x1d: {  	s5 =	simm.s32 @p1 $0x1;
	p0 =	seq.s32 s7, s2  }
0x1e: {  	s7 =	smul.u32 @!p0 $0xF7A, s2;
	p2 =	seq.s32 @!p0 s5, $0x0  }
0x1f: {  	s9 =	smul.u32 $0xF7A, s1;
	s8 =	simm.s32 @!p0 $0x1BF5;
	p2 =	por !p2, p0  }
0x20: {  	[sflag:s8] =	ssyncset.s32 @!p0 $0xFFFFF086;
	s6 =	sadd.s32 @!p0 s3, s7;
	s7 =	simm.s32 @!p0 $0x108  }
0x21: {  	s3 =	sadd.s32 s3, s9;
	s6 =	sadd.s32 @!p0 $0x88, s6;
	s7 =	simm.s32 @p2 $0x1082  }
0x22: {  	[simem:s7], [sflag:s8] =	dma.local @!p0 [hbm:s6], $0xF7A  }
0x23: {  	s9 =	sor.u32 $0xD0000000, s2;
	s6 =	simm.s32 $0x108;
	_ =	swait.ge @!p0 [sflag:s8], $0x0  }
0x24: {  	s3 =	sadd.s32 $0x88, s3;
	s6 =	simm.s32 @!p1 $0x1082;
	[sflag:s4] =	ssyncset.s32 $0xFFFFF086  }
0x25: {  	[simem:s6], [sflag:s4] =	dma.local [hbm:s3], $0xF7A  }
0x26: {  	[smem:$0x3F9C] =	sst s1;
	(tag) =	ssettag s2;
	_ =	strace s9  }
0x27: {  	s1 =	sld [smem:$0x3FAC]  }
0x28: {  	s2 =	sld [smem:$0x3FAD]  }
0x29: {  	s4 =	sld [smem:$0x3FAF]  }
0x2a: {  	p0 =	seq.s32 s5, $0x0;
	s5 =	sld [smem:$0x3FB0]  }
0x2b: {  	s6 =	sld [smem:$0x3FB1]  }
0x2c: {  	s7 =	sld [smem:$0x3FB2]  }
0x2d: {  	s3 =	simm.s32 $0x108;
	s8 =	sld [smem:$0x3FB3]  }
0x2e: {  	s3 =	simm.s32 @!p0 $0x1082;
	s9 =	sld [smem:$0x3FB4]  }
0x2f: {  	lr =	sadd.s32 s0, s3;
	s0 =	sld [smem:$0x3FAB]  }
0x30: {  	s3 =	sld [smem:$0x3FAE]  }
0x31: {  	[smem:$0x3FB7] =	sst s10  }
0x32: {  	s10 =	sld [smem:$0x3FB5];
	_ =	sdelay $0x3  }
0x33: {  	p0 =	seq.s32 s10, $0x1;
	s10 =	sld [smem:$0x3FB7];
	_ =	sdelay $0x3  }
0x34: {  	[smem:$0x3FB7] =	sst s10  }
0x35: {  	s10 =	sld [smem:$0x3FB6];
	_ =	sdelay $0x3  }
0x36: {  	p1 =	seq.s32 s10, $0x1;
	s10 =	sld [smem:$0x3FB7];
	_ =	sdelay $0x3  }
0x37: {  	[smem:$0x3FB7] =	sst s10  }
0x38: {  	s10 =	sld [smem:$0x3FB8]  }
0x39: {  	_ = 	snop;
	(pc) =	sbr.ind lr, $3  }
0x3a: {  	_ = 	snop  }
0x3b: {  	_ = 	snop  }
0x3c: {  	p2 =	seq.s32 s10, $0x1;
	s10 =	sld [smem:$0x3FB7]  }
0x3d: {  	_ =	shalt  }
0x3e: {  	_ =	shalt  }
0x3f: {  	_ =	shalt  }
0x40: {  	_ =	shalt  }
0x41: {  	_ =	shalt  }
0x42: {  	_ =	shalt  }
0x43: {  	_ =	shalt  }
0x44: {  	_ =	shalt  }
0x45: {  	_ =	shalt  }
0x46: {  	_ =	shalt  }
0x47: {  	_ =	shalt  }
0x48: {  	_ =	shalt  }
0x49: {  	_ =	shalt  }
0x4a: {  	_ =	shalt  }
0x4b: {  	_ =	shalt  }
0x4c: {  	_ =	shalt  }
0x4d: {  	_ =	shalt  }
0x4e: {  	_ =	shalt  }
0x4f: {  	_ =	shalt  }
0x50: {  	_ =	shalt  }
0x51: {  	_ =	shalt  }
0x52: {  	_ =	shalt  }
0x53: {  	_ =	shalt  }
0x54: {  	_ =	shalt  }
0x55: {  	_ =	shalt  }
0x56: {  	_ =	shalt  }
0x57: {  	_ =	shalt  }
0x58: {  	_ =	shalt  }
0x59: {  	_ =	shalt  }
0x5a: {  	_ =	shalt  }
0x5b: {  	_ =	shalt  }
0x5c: {  	_ =	shalt  }
0x5d: {  	_ =	shalt  }
0x5e: {  	_ =	shalt  }
0x5f: {  	_ =	shalt  }
0x60: {  	_ =	shalt  }
0x61: {  	_ =	shalt  }
0x62: {  	_ =	shalt  }
0x63: {  	_ =	shalt  }
0x64: {  	_ =	shalt  }
0x65: {  	_ =	shalt  }
0x66: {  	_ =	shalt  }
0x67: {  	_ =	shalt  }
0x68: {  	_ =	shalt  }
0x69: {  	_ =	shalt  }
0x6a: {  	_ =	shalt  }
0x6b: {  	_ =	shalt  }
0x6c: {  	_ =	shalt  }
0x6d: {  	_ =	shalt  }
0x6e: {  	_ =	shalt  }
0x6f: {  	_ =	shalt  }
0x70: {  	_ =	shalt  }
0x71: {  	_ =	shalt  }
0x72: {  	_ =	shalt  }
0x73: {  	_ =	shalt  }
0x74: {  	_ =	shalt  }
0x75: {  	_ =	shalt  }
0x76: {  	_ =	shalt  }
0x77: {  	_ =	shalt  }
0x78: {  	_ =	shalt  }
0x79: {  	_ =	shalt  }
0x7a: {  	_ =	shalt  }
0x7b: {  	_ =	shalt  }
0x7c: {  	_ =	shalt  }
0x7d: {  	_ =	shalt  }
0x7e: {  	_ =	shalt  }
0x7f: {  	_ =	shalt  }
0x80: {  	_ =	shalt  }
0x81: {  	_ =	shalt  }
0x82: {  	_ =	shalt  }
0x83: {  	_ =	shalt  }
0x84: {  	_ =	shalt  }
0x85: {  	_ =	shalt  }
0x86: {  	_ =	shalt  }
0x87: {  	_ =	shalt  }
.Lfunc_end0:
.L_simem_size_0:
called_computation_lowered:
.L_overlay_start_0:
0x88: {  	s2 =	sld [smem:$0x3FD9]  }
0x89: {  	s3 =	sld [smem:$0x3FFE];
	_ =	sdelay $0x1  }
0x8a: {  	s1 =	srdreg.scid  }
0x8b: {  	s0 =	sand.u32 $0x1, s1  }
0x8c: {  	s17 =	sshll.u32 s0, $0xA;
	s2 =	sadd.s32 s3, s2  }
0x8d: {  	s2 =	sadd.s32 s2, s17  }
0x8e: {  	[smem:$0x3FC3] =	sst s2  }
0x8f: {  	_ = 	snop  }
0x90: {  	s2 =	sld [smem:$0x3FD0];
	(tm) =	ssettm $0x1  }
0x91: {  	s18 =	sld [smem:$0x3FFB];
	_ =	sdelay $0x3  }
0x92: {  	_ =	strace s18  }
0x93: {  	s3 =	sld [smem:$0x3FFC];
	_ =	sdelay $0x3  }
0x94: {  	_ =	strace s3  }
0x95: {  	s3 =	sld [smem:$0x3FFD];
	_ =	sdelay $0x3  }
0x96: {  	_ =	strace s3  }
0x97: {  	_ =	strace $0x8FFFFFFF  }
0x98: {  	s19 =	sld [smem:$0x3FDB];
	_ =	sdelay $0x1  }
0x99: {  	s4 =	simm.s32 $_scs_section_size  }
0x9a: {  	s5 =	simm.s32 $_size__tile_overlayer_lowered;
	s6 =	simm.s32 $_tile_overlayer_lowered  }
0x9b: {  	s22 =	simm.s32 $0x1BFF;
	s21 =	sshll.u32 s6, $0x1;
	s3 =	sadd.s32 s4, s19  }
0x9c: {  	s7 =	simm.s32 $0x0;
	s20 =	sshll.u32 s5, $0x1;
	s5 =	sadd.s32 s21, s3  }
0x9d: {  	[timem:s7], [sflag:s22] =	dma.local [hbm:s5], s20  }
0x9e: {  	_ =	swait.ge [sflag:s22], s20  }
0x9f: {  	s4 =	ssub.s32 $0x0, s20;
	[sflag:s22] =	ssyncset.done $0x0  }
0xa0: {  	[sflag:s22] =	ssyncadd.s32 s4;
	_ =	sdelay $0x1  }
0xa1: {  	s23 =	simm.s32 $0x1B8B  }
0xa2: {  	_ =	swait.ge [sflag:s23], $0x1  }
0xa3: {  	[sflag:s23] =	ssyncset.done $0x0  }
0xa4: {  	s25 =	simm.s32 $0x1B8E;
	s24 =	sld [smem:$0x3FFE];
	[sflag:s23] =	ssyncadd.s32 $0xFFFFFFFF  }
0xa5: {  	s26 =	simm.s32 $execute0_lowered;
	[smem:$0x3FD2] =	sst s25  }
0xa6: {  	s5 =	sshll.u32 s26, $0x1;
	_ =	strace $0x80000046;
	[dreg:$0x1] =	wrdreg $0xFFFFFFFF  }
0xa7: {  	s28 =	simm.s32 $_size_execute0_lowered;
	s3 =	sadd.s32 s3, s5;
	[dreg:$0x0] =	wrdreg $0x0  }
0xa8: {  	s5 =	sshll.u32 s28, $0x1;
	[dreg:$0x2] =	wrdreg s3  }
0xa9: {  	[dreg:$0x3] =	wrdreg s5  }
0xaa: {  	[dreg:$0x4] =	wrdreg $0xC0  }
0xab: {  	_ =	task [dreg:s7], $0x5FFFF  }
0xac: {  	[dreg:$0x1] =	wrdreg $0xFFFFFFFF  }
0xad: {  	[dreg:$0x0] =	wrdreg $0x60  }
0xae: {  	[dreg:$0x2] =	wrdreg s2  }
0xaf: {  	[dreg:$0x3] =	wrdreg s24  }
0xb0: {  	[dreg:$0x4] =	wrdreg $0x51000  }
0xb1: {  	[dreg:$0x5] =	wrdreg $0x9  }
0xb2: {  	_ =	task.clear_ibuf [dreg:s7], $0x6FFFF;
	_ =	strace $0x90000046  }
0xb3: {  	s29 =	simm.s32 $0x9;
	_ =	strace $0x80000048  }
0xb4: {  	_ =	swait.ge [sflag:s29], $0x1  }
0xb5: {  	[sflag:s29] =	ssyncadd.s32 $0xFFFFFFFF  }
0xb6: {  	_ =	strace $0x90000048  }
0xb7: {  	_ =	sfence  }
0xb8: {  	s30 =	sld [smem:$0x0];
	_ =	sdelay $0x2  }
0xb9: {  	s31 =	sshll.u32 s1, $0xD;
	s1 =	sshrl.u32 s1, $0x2  }
0xba: {  	s3 =	sand.u32 $0x4000, s31;
	s1 =	sadd.s32 s1, s30  }
0xbb: {  	s0 =	sor.u32 s3, s0;
	s1 =	sshll.u32 s1, $0x11  }
0xbc: {  	s0 =	sor.u32 s1, s0  }
0xbd: {  	s0 =	sadd.s32 $0x8F2B, s0  }
0xbe: {  	[sflag:s0] =	ssyncadd.remote.s32 $0x1  }
0xbf: {  	_ =	sfence.sel $0xFFFF  }
0xc0: {  	[dreg:$0x0] =	wrdreg $0xFFFFFFFF;
	(pc) =	sbr.abs _section_cstart, $3  }
0xc1: {  	[dreg:$0x1] =	wrdreg $0xFFFFFFFF  }
0xc2: {  	_ =	task.clear_ibuf [dreg:s7], $0x2FFFF;
	_ =	strace $0x9FFFFFFF  }
0xc3: {  	(tm) =	ssettm $0x7FFFFFFF  }
tec
execute0_lowered:
.L_overlay_start_1:
0x0: {  	(tag) =	ssettag $0x1  }
0x1: {  	s5 =	rddreg [dreg:$0x0]  }
0x2: {  	s4 =	rddreg [dreg:$0x1]  }
0x3: {  	s1 =	rddreg [dreg:$0x2]  }
0x4: {  	s0 =	rddreg [dreg:$0x3];
	s3 =	simm.s32 $0x0  }
0x5: {  	s6 =	srdreg.scid;
	s2 =	stileid.u32;
	s23 =	simm.s32 $0x2800  }
0x6: {  	s24 =	simm.s32 $0x50;
	s25 =	simm.s32 $0x5000;
	s26 =	simm.s32 $0x2  }
0x7: {  	s28 =	simm.s32 $0x0;
	[smem:$0x7FF] =	sst s3;
	s6 =	sand.u32 $0x1, s6  }
0x8: {  	s7 =	sshll.u32 s2, $0x1;
	s20 =	sadd.s32 $0xA00, s4;
	s9 =	sshll.u32 s2, $0x7  }
0x9: {  	s17 =	smul.u32 $0x280, s2;
	p0 =	seq.s32 s2, $0xF;
	_ =	strace $0x80000047  }
0xa: {  	s29 =	ssub.s32 $0x2, s6;
	s7 =	sor.u32 s6, s7;
	s18 =	smul.u32 $0x2780, s6  }
0xb: {  	s4 =	sadd.s32 s9, s1;
	s8 =	sshrl.u32 s29, $0x1;
	s7 =	smul.u32 $0x500, s7  }
0xc: {  	s9 =	sadd.s32 $0x1800, s4;
	s10 =	sadd.s32 $0x2000, s4;
	s13 =	sadd.s32 $0x80, s17  }
0xd: {  	s11 =	sadd.s32 s17, s1;
	s15 =	sadd.s32 $0x100, s17;
	s19 =	sadd.s32 $0x180, s17  }
0xe: {  	s22 =	sadd.s32 $0x200, s17;
	s8 =	ssub.s32 s29, s8;
	s12 =	sadd.s32 s18, s17  }
0xf: {  	s14 =	sadd.s32 s18, s13;
	s13 =	sadd.s32 s13, s1;
	s16 =	sadd.s32 s18, s15  }
0x10: {  	s15 =	sadd.s32 s15, s1;
	s21 =	sadd.s32 s18, s19;
	s17 =	sadd.s32 s19, s1  }
0x11: {  	s31 =	sadd.s32 s18, s22;
	s19 =	sadd.s32 s22, s1;
	s22 =	simm.s32 $0x1  }
0x12: {  	s5 =	sadd.s32 s5, s7;
	s6 =	smax.u32 s8, $0x1;
	s7 =	sadd.s32 $0x800, s4  }
0x13: {  	s8 =	sadd.s32 $0x1000, s4;
	s12 =	sshrl.u32 s12, $0x3;
	s14 =	sshrl.u32 s14, $0x3  }
0x14: {  	v0 =	vlaneseq.u32;
	s16 =	sshrl.u32 s16, $0x3;
	s30 =	sshrl.u32 s21, $0x3;
	s21 =	sshrl.u32 s31, $0x3  }
0x15: {  	v1 =	vimm.f32 $0.0e+00;
	v6 =	vimm.f32 $1.000000000e+00;
	v2 =	vor.u32 $0x10, v0;
	s12 =	sadd.s32 s20, s12;
	s14 =	sadd.s32 s20, s14;
	s16 =	sadd.s32 s20, s16  }
0x16: {  	v3 =	vor.u32 $0x20, v0;
	v4 =	vor.u32 $0x30, v0;
	v5 =	vor.u32 $0x40, v0;
	s18 =	sadd.s32 s20, s30;
	s20 =	sadd.s32 s20, s21;
	s21 =	simm.s32 $0x5080  }
.LBB2_1:
0x17: {  	s29 =	simm.s32 $0x0;
	s30 =	simm.s32 $0x200  }
.LBB2_2:
0x18: {  	p1 =	sne.s32 s30, $0x9E00;
	[tilespmem:s29+$0x2870] =	vst v1  }
0x19: {  	[tilespmem:s29+$0x2800] =	vst v1  }
0x1a: {  	[tilespmem:s29+$0x2810] =	vst v1  }
.Ltmp0:
0x1b: {  	[tilespmem:s29+$0x2820] =	vst v1;
	(pc) =	sbr.rel @p1 .LBB2_2-.Ltmp0, $4  }
0x1c: {  	[tilespmem:s29+$0x2830] =	vst v1  }
0x1d: {  	[tilespmem:s29+$0x2840] =	vst v1  }
0x1e: {  	[tilespmem:s29+$0x2850] =	vst v1  }
0x1f: {  	[tilespmem:s29+$0x2860] =	vst v1;
	s29 =	sshra.s32 s30, $0x2;
	s30 =	sadd.s32 $0x200, s30  }
0x20: {  	[tilespmem:s29+$0x2870] =	vst v1  }
0x21: {  	[tilespmem:s29+$0x2800] =	vst v1  }
0x22: {  	[tilespmem:s29+$0x2810] =	vst v1  }
0x23: {  	[tilespmem:s29+$0x2820] =	vst v1  }
0x24: {  	[tilespmem:s29+$0x2830] =	vst v1  }
0x25: {  	[tilespmem:s29+$0x2840] =	vst v1  }
0x26: {  	[tilespmem:s29+$0x2850] =	vst v1  }
0x27: {  	[tilespmem:s29+$0x2860] =	vst v1  }
0x28: {  	[tilespmem:$0x5000] =	vst v0  }
0x29: {  	[tilespmem:$0x5010] =	vst v2  }
0x2a: {  	[tilespmem:$0x5020] =	vst v3  }
0x2b: {  	[tilespmem:$0x5030] =	vst v4  }
0x2c: {  	[tilespmem:$0x5040] =	vst v5  }
0x2d: {  	[tilespmem:$0x5080] =	vst v1  }
0x2e: {  	[tilespmem:$0x5090] =	vst v1  }
0x2f: {  	[tilespmem:$0x50A0] =	vst v1  }
0x30: {  	[tilespmem:$0x50B0] =	vst v1  }
0x31: {  	[tilespmem:$0x50C0] =	vst v1  }
0x32: {  	[tilespmem:$0x50D0] =	vst v1  }
0x33: {  	[tilespmem:$0x50E0] =	vst v1  }
0x34: {  	[tilespmem:$0x50F0] =	vst v1  }
0x35: {  	[spmem:s4] =	stream.linear.scatter [tilespmem:s21], [sflag:$0x1], $0x80, $0x38;
	[tilespmem:$0x5380] =	vst v63  }
0x36: {  	_ =	swait.ge [sflag:s22], $0x80  }
0x37: {  	[sflag:s22] =	ssyncset.done $0x0  }
0x38: {  	[sflag:s22] =	ssyncadd.s32 $0xFFFFFF80  }
0x39: {  	[spmem:s7] =	stream.linear.scatter [tilespmem:s21], [sflag:$0x1], $0x80, $0x38;
	[tilespmem:$0x5380] =	vst v63  }
0x3a: {  	_ =	swait.ge [sflag:s22], $0x80  }
0x3b: {  	[sflag:s22] =	ssyncset.done $0x0  }
0x3c: {  	[sflag:s22] =	ssyncadd.s32 $0xFFFFFF80  }
0x3d: {  	[spmem:s8] =	stream.linear.scatter [tilespmem:s21], [sflag:$0x1], $0x80, $0x38;
	[tilespmem:$0x5380] =	vst v63  }
0x3e: {  	_ =	swait.ge [sflag:s22], $0x80  }
0x3f: {  	[sflag:s22] =	ssyncset.done $0x0  }
0x40: {  	[sflag:s22] =	ssyncadd.s32 $0xFFFFFF80  }
0x41: {  	[spmem:s9] =	stream.linear.scatter [tilespmem:s21], [sflag:$0x1], $0x80, $0x38;
	[tilespmem:$0x5380] =	vst v63  }
0x42: {  	_ =	swait.ge [sflag:s22], $0x80  }
0x43: {  	[sflag:s22] =	ssyncset.done $0x0  }
0x44: {  	[sflag:s22] =	ssyncadd.s32 $0xFFFFFF80  }
0x45: {  	[spmem:s10] =	stream.linear.scatter [tilespmem:s21], [sflag:$0x1], $0x80, $0x38;
	[tilespmem:$0x5380] =	vst v63  }
0x46: {  	_ =	swait.ge [sflag:s22], $0x80  }
0x47: {  	[sflag:s22] =	ssyncset.done $0x0  }
0x48: {  	[sflag:s22] =	ssyncadd.s32 $0xFFFFFF80  }
0x49: {  	s29 =	simm.s32 $0x0;
	[bflag:$0x0] =	sbarrier.arrive $0xFFFF  }
0x4a: {  	[tilespmem:s29], [sflag:$0x1] =	stream.linear.gather [hbm4b:s5+s29], $0x2800, $0x38;
	[tilespmem:$0x5380] =	vst v63  }
0x4b: {  	_ =	swait.ge [sflag:s22], $0x2800  }
0x4c: {  	[sflag:s22] =	ssyncset.done $0x0  }
0x4d: {  	[sflag:s22] =	ssyncadd.s32 $0xFFFFD800  }
.LBB2_4:
0x4e: {  	s30 =	sshra.s32 s29, $0x2  }
0x4f: {  	v7 =	vld [tilespmem:s30+$0x0];
	_ =	sdelay $0x7  }
0x50: {  	[tilespmem:v7+s23+$0x0] =	vst.idx.add.f32.msk $0xffff, v6  }
0x51: {  	v7 =	vld [tilespmem:s30+$0x10];
	_ =	sdelay $0x7  }
0x52: {  	[tilespmem:v7+s23+$0x0] =	vst.idx.add.f32.msk $0xffff, v6  }
0x53: {  	v7 =	vld [tilespmem:s30+$0x20];
	_ =	sdelay $0x7  }
0x54: {  	[tilespmem:v7+s23+$0x0] =	vst.idx.add.f32.msk $0xffff, v6  }
0x55: {  	v7 =	vld [tilespmem:s30+$0x30];
	_ =	sdelay $0x7  }
0x56: {  	[tilespmem:v7+s23+$0x0] =	vst.idx.add.f32.msk $0xffff, v6  }
0x57: {  	v7 =	vld [tilespmem:s30+$0x40];
	_ =	sdelay $0x7  }
0x58: {  	[tilespmem:v7+s23+$0x0] =	vst.idx.add.f32.msk $0xffff, v6  }
0x59: {  	v7 =	vld [tilespmem:s30+$0x50];
	_ =	sdelay $0x7  }
0x5a: {  	[tilespmem:v7+s23+$0x0] =	vst.idx.add.f32.msk $0xffff, v6  }
0x5b: {  	v7 =	vld [tilespmem:s30+$0x60];
	_ =	sdelay $0x7  }
0x5c: {  	[tilespmem:v7+s23+$0x0] =	vst.idx.add.f32.msk $0xffff, v6  }
0x5d: {  	v7 =	vld [tilespmem:s30+$0x70];
	_ =	sdelay $0x2  }
0x5e: {  	p1 =	sne.s32 s29, $0x9E00  }
.Ltmp1:
0x5f: {  	_ = 	snop;
	(pc) =	sbr.rel @p1 .LBB2_4-.Ltmp1, $2  }
0x60: {  	_ =	sdelay $0x2  }
0x61: {  	s29 =	sadd.s32 $0x200, s29;
	[tilespmem:v7+s23+$0x0] =	vst.idx.add.f32.msk $0xffff, v6  }
0x62: {  	[spmem:s1] =	stream.indirect.scatter.add.f32 [tilespmem:s23], [sflag:$0x1], $0x80, s25, s24, $0xb8;
	[tilespmem:$0x5380] =	vst v63  }
0x63: {  	_ =	swait.ge [sflag:s22], $0x2800  }
0x64: {  	[sflag:s22] =	ssyncset.done $0x0  }
0x65: {  	[sflag:s22] =	ssyncadd.s32 $0xFFFFD800  }
0x66: {  	[bflag:$0x0] =	sbarrier.arrive $0xFFFF  }
0x67: {  	[tilespmem:s21], [sflag:$0x2] =	stream.linear.gather [spmem:s11], $0x80, $0x38;
	[tilespmem:$0x5380] =	vst v63  }
0x68: {  	_ =	swait.ge [sflag:s26], $0x80  }
0x69: {  	[sflag:s26] =	ssyncset.done $0x0  }
0x6a: {  	[sflag:s26] =	ssyncadd.s32 $0xFFFFFF80  }
0x6b: {  	[hbm4b:s12+s3] =	stream.linear.scatter [tilespmem:s21], [sflag:$0x1], $0x80, $0x38;
	[tilespmem:$0x5380] =	vst v63  }
0x6c: {  	_ =	swait.ge [sflag:s22], $0x80  }
0x6d: {  	[sflag:s22] =	ssyncset.done $0x0  }
0x6e: {  	[sflag:s22] =	ssyncadd.s32 $0xFFFFFF80  }
0x6f: {  	[tilespmem:s21], [sflag:$0x2] =	stream.linear.gather [spmem:s13], $0x80, $0x38;
	[tilespmem:$0x5380] =	vst v63  }
0x70: {  	_ =	swait.ge [sflag:s26], $0x80  }
0x71: {  	[sflag:s26] =	ssyncset.done $0x0  }
0x72: {  	[sflag:s26] =	ssyncadd.s32 $0xFFFFFF80  }
0x73: {  	[hbm4b:s14+s3] =	stream.linear.scatter [tilespmem:s21], [sflag:$0x1], $0x80, $0x38;
	[tilespmem:$0x5380] =	vst v63  }
0x74: {  	_ =	swait.ge [sflag:s22], $0x80  }
0x75: {  	[sflag:s22] =	ssyncset.done $0x0  }
0x76: {  	[sflag:s22] =	ssyncadd.s32 $0xFFFFFF80  }
0x77: {  	[tilespmem:s21], [sflag:$0x2] =	stream.linear.gather [spmem:s15], $0x80, $0x38;
	[tilespmem:$0x5380] =	vst v63  }
0x78: {  	_ =	swait.ge [sflag:s26], $0x80  }
0x79: {  	[sflag:s26] =	ssyncset.done $0x0  }
0x7a: {  	[sflag:s26] =	ssyncadd.s32 $0xFFFFFF80  }
0x7b: {  	[hbm4b:s16+s3] =	stream.linear.scatter [tilespmem:s21], [sflag:$0x1], $0x80, $0x38;
	[tilespmem:$0x5380] =	vst v63  }
0x7c: {  	_ =	swait.ge [sflag:s22], $0x80  }
0x7d: {  	[sflag:s22] =	ssyncset.done $0x0  }
0x7e: {  	[sflag:s22] =	ssyncadd.s32 $0xFFFFFF80  }
0x7f: {  	[tilespmem:s21], [sflag:$0x2] =	stream.linear.gather [spmem:s17], $0x80, $0x38;
	[tilespmem:$0x5380] =	vst v63  }
0x80: {  	_ =	swait.ge [sflag:s26], $0x80  }
0x81: {  	[sflag:s26] =	ssyncset.done $0x0  }
0x82: {  	[sflag:s26] =	ssyncadd.s32 $0xFFFFFF80  }
0x83: {  	[hbm4b:s18+s3] =	stream.linear.scatter [tilespmem:s21], [sflag:$0x1], $0x80, $0x38;
	[tilespmem:$0x5380] =	vst v63  }
0x84: {  	_ =	swait.ge [sflag:s22], $0x80  }
0x85: {  	[sflag:s22] =	ssyncset.done $0x0  }
0x86: {  	s29 =	simm.s32 @!p0 $0x5080;
	s30 =	simm.s32 @!p0 $0x2;
	[sflag:s22] =	ssyncadd.s32 $0xFFFFFF80  }
0x87: {  	[tilespmem:s29], [sflag:$0x2] =	stream.linear.gather @!p0 [spmem:s19], $0x80, $0x38;
	[tilespmem:$0x5380] =	vst v63  }
0x88: {  	_ =	swait.ge @!p0 [sflag:s30], $0x80  }
0x89: {  	s28 =	sadd.s32 $0x1, s28;
	[sflag:s30] =	ssyncset.done @!p0 $0x0  }
0x8a: {  	p1 =	sne.s32 s28, s6;
	[sflag:s30] =	ssyncadd.s32 @!p0 $0xFFFFFF80;
	s30 =	simm.s32 @!p0 $0x0  }
0x8b: {  	[hbm4b:s20+s30] =	stream.linear.scatter @!p0 [tilespmem:s29], [sflag:$0x1], $0x80, $0x38;
	[tilespmem:$0x5380] =	vst v63  }
.Ltmp2:
0x8c: {  	_ = 	snop;
	(pc) =	sbr.rel @p1 .LBB2_1-.Ltmp2, $4  }
0x8d: {  	s29 =	simm.s32 @!p0 $0x1  }
0x8e: {  	_ =	swait.ge @!p0 [sflag:s29], $0x80  }
0x8f: {  	[sflag:s29] =	ssyncset.done @!p0 $0x0  }
0x90: {  	[sflag:s29] =	ssyncadd.s32 @!p0 $0xFFFFFF80  }
0x91: {  	_ =	sfence.sel $0x180000  }
0x92: {  	[bflag:$0x0] =	sbarrier.arrive $0xFFFF  }
0x93: {  	p0 =	sne.s32 s2, $0x0;
	_ =	strace $0x90000047  }
0x94: {  	s0 =	sadd.s32 @!p0 $0x100000, s0;
	[bflag:$0x2] =	sbarrier.arrive $0xFFFF  }
0x95: {  	[sflag:s0] =	ssyncadd.tile.s32 @!p0 $0x1;
	_ =	shalt  }
.Lfunc_end2:
_tile_overlayer_lowered:
.L_overlay_start_2:
0x96: {  	(tag) =	ssettag $0x2  }
0x97: {  	s0 =	rddreg [dreg:$0x0];
	s2 =	stileid.u32  }
0x98: {  	s1 =	rddreg [dreg:$0x1];
	p0 =	sne.s32 s2, $0x0  }
0x99: {  	s3 =	rddreg [dreg:$0x2];
	[bflag:$0x3] =	sbarrier.arrive $0xFFFF;
	s2 =	simm.s32 @!p0 $0x1C01  }
0x9a: {  	[timem:s3], [sflag:s2] =	dma.local @!p0 [hbm:s0], s1  }
0x9b: {  	s0 =	simm.s32 @!p0 $0x1  }
0x9c: {  	_ =	swait.ge @!p0 [sflag:s0], s1  }
0x9d: {  	s1 =	ssub.s32 @!p0 $0x0, s1;
	[sflag:s0] =	ssyncset.done @!p0 $0x0  }
0x9e: {  	[sflag:s0] =	ssyncadd.s32 @!p0 s1  }
0x9f: {  	[bflag:$0x3] =	sbarrier.arrive $0xFFFF  }
0xa0: {  	_ =	shalt  }

// kernel: kernel.8.cloned.1.call-start
scs
__scs_entry_jumppad:
0x0: {  	(pc) =	sbr.rel $0x88, $3  }
0x1: {  	(tag) =	ssettag $0x0;
	lr =	simm.s32 $0x1  }
0x2: {  	[smem:$0x3F9C] =	sst lr;
	_ =	strace $0xD0000000  }
0x3: {  	_ = 	snop  }
0x4: {  	_ = 	snop  }
0x5: {  	_ = 	snop  }
0x6: {  	_ = 	snop  }
0x7: {  	_ = 	snop  }
__scs_overlays_trampoline_lowered:
0x8: {  	[smem:$0x3FAB] =	sst s0  }
0x9: {  	[smem:$0x3FAC] =	sst s1  }
0xa: {  	[smem:$0x3FAD] =	sst s2  }
0xb: {  	[smem:$0x3FAE] =	sst s3  }
0xc: {  	[smem:$0x3FAF] =	sst s4  }
0xd: {  	[smem:$0x3FB0] =	sst s5  }
0xe: {  	[smem:$0x3FB1] =	sst s6  }
0xf: {  	[smem:$0x3FB2] =	sst s7  }
0x10: {  	[smem:$0x3FB3] =	sst s8  }
0x11: {  	[smem:$0x3FB4] =	sst s9;
	s0 =	simm.s32 @!p0 $0x0  }
0x12: {  	s1 =	sld [smem:$0x3F9A];
	s0 =	simm.s32 @p0 $0x1  }
0x13: {  	[smem:$0x3FB5] =	sst s0;
	s0 =	simm.s32 @!p1 $0x0  }
0x14: {  	s2 =	sld [smem:$0x3F99];
	s0 =	simm.s32 @p1 $0x1  }
0x15: {  	[smem:$0x3FB6] =	sst s0;
	s0 =	simm.s32 @!p2 $0x0  }
0x16: {  	s3 =	sld [smem:$0x3FDB];
	s0 =	simm.s32 @p2 $0x1  }
0x17: {  	s4 =	simm.s32 $0x1BF5;
	[smem:$0x3FB8] =	sst s0  }
0x18: {  	s0 =	sld [smem:$0x3F9B];
	_ =	swait.ge [sflag:s4], $0x0  }
0x19: {  	s7 =	sld [smem:$0x3F9C]  }
0x1a: {  	s8 =	sadd.s32 $0xFFFFE003, lr  }
0x1b: {  	s9 =	sadd.s32 $0xFFFFFEF7, lr;
	s5 =	simm.s32 $0xFFFFFFFF;
	p2 =	slt.u32 s8, $0xFFFFF086  }
0x1c: {  	p1 =	slt.u32 s9, $0xF7A;
	s5 =	simm.s32 @!p2 $0x0  }
0x1d: {  	s5 =	simm.s32 @p1 $0x1;
	p0 =	seq.s32 s7, s2  }
0x1e: {  	s7 =	smul.u32 @!p0 $0xF7A, s2;
	p2 =	seq.s32 @!p0 s5, $0x0  }
0x1f: {  	s9 =	smul.u32 $0xF7A, s1;
	s8 =	simm.s32 @!p0 $0x1BF5;
	p2 =	por !p2, p0  }
0x20: {  	[sflag:s8] =	ssyncset.s32 @!p0 $0xFFFFF086;
	s6 =	sadd.s32 @!p0 s3, s7;
	s7 =	simm.s32 @!p0 $0x108  }
0x21: {  	s3 =	sadd.s32 s3, s9;
	s6 =	sadd.s32 @!p0 $0x88, s6;
	s7 =	simm.s32 @p2 $0x1082  }
0x22: {  	[simem:s7], [sflag:s8] =	dma.local @!p0 [hbm:s6], $0xF7A  }
0x23: {  	s9 =	sor.u32 $0xD0000000, s2;
	s6 =	simm.s32 $0x108;
	_ =	swait.ge @!p0 [sflag:s8], $0x0  }
0x24: {  	s3 =	sadd.s32 $0x88, s3;
	s6 =	simm.s32 @!p1 $0x1082;
	[sflag:s4] =	ssyncset.s32 $0xFFFFF086  }
0x25: {  	[simem:s6], [sflag:s4] =	dma.local [hbm:s3], $0xF7A  }
0x26: {  	[smem:$0x3F9C] =	sst s1;
	(tag) =	ssettag s2;
	_ =	strace s9  }
0x27: {  	s1 =	sld [smem:$0x3FAC]  }
0x28: {  	s2 =	sld [smem:$0x3FAD]  }
0x29: {  	s4 =	sld [smem:$0x3FAF]  }
0x2a: {  	p0 =	seq.s32 s5, $0x0;
	s5 =	sld [smem:$0x3FB0]  }
0x2b: {  	s6 =	sld [smem:$0x3FB1]  }
0x2c: {  	s7 =	sld [smem:$0x3FB2]  }
0x2d: {  	s3 =	simm.s32 $0x108;
	s8 =	sld [smem:$0x3FB3]  }
0x2e: {  	s3 =	simm.s32 @!p0 $0x1082;
	s9 =	sld [smem:$0x3FB4]  }
0x2f: {  	lr =	sadd.s32 s0, s3;
	s0 =	sld [smem:$0x3FAB]  }
0x30: {  	s3 =	sld [smem:$0x3FAE]  }
0x31: {  	[smem:$0x3FB7] =	sst s10  }
0x32: {  	s10 =	sld [smem:$0x3FB5];
	_ =	sdelay $0x3  }
0x33: {  	p0 =	seq.s32 s10, $0x1;
	s10 =	sld [smem:$0x3FB7];
	_ =	sdelay $0x3  }
0x34: {  	[smem:$0x3FB7] =	sst s10  }
0x35: {  	s10 =	sld [smem:$0x3FB6];
	_ =	sdelay $0x3  }
0x36: {  	p1 =	seq.s32 s10, $0x1;
	s10 =	sld [smem:$0x3FB7];
	_ =	sdelay $0x3  }
0x37: {  	[smem:$0x3FB7] =	sst s10  }
0x38: {  	s10 =	sld [smem:$0x3FB8]  }
0x39: {  	_ = 	snop;
	(pc) =	sbr.ind lr, $3  }
0x3a: {  	_ = 	snop  }
0x3b: {  	_ = 	snop  }
0x3c: {  	p2 =	seq.s32 s10, $0x1;
	s10 =	sld [smem:$0x3FB7]  }
0x3d: {  	_ =	shalt  }
0x3e: {  	_ =	shalt  }
0x3f: {  	_ =	shalt  }
0x40: {  	_ =	shalt  }
0x41: {  	_ =	shalt  }
0x42: {  	_ =	shalt  }
0x43: {  	_ =	shalt  }
0x44: {  	_ =	shalt  }
0x45: {  	_ =	shalt  }
0x46: {  	_ =	shalt  }
0x47: {  	_ =	shalt  }
0x48: {  	_ =	shalt  }
0x49: {  	_ =	shalt  }
0x4a: {  	_ =	shalt  }
0x4b: {  	_ =	shalt  }
0x4c: {  	_ =	shalt  }
0x4d: {  	_ =	shalt  }
0x4e: {  	_ =	shalt  }
0x4f: {  	_ =	shalt  }
0x50: {  	_ =	shalt  }
0x51: {  	_ =	shalt  }
0x52: {  	_ =	shalt  }
0x53: {  	_ =	shalt  }
0x54: {  	_ =	shalt  }
0x55: {  	_ =	shalt  }
0x56: {  	_ =	shalt  }
0x57: {  	_ =	shalt  }
0x58: {  	_ =	shalt  }
0x59: {  	_ =	shalt  }
0x5a: {  	_ =	shalt  }
0x5b: {  	_ =	shalt  }
0x5c: {  	_ =	shalt  }
0x5d: {  	_ =	shalt  }
0x5e: {  	_ =	shalt  }
0x5f: {  	_ =	shalt  }
0x60: {  	_ =	shalt  }
0x61: {  	_ =	shalt  }
0x62: {  	_ =	shalt  }
0x63: {  	_ =	shalt  }
0x64: {  	_ =	shalt  }
0x65: {  	_ =	shalt  }
0x66: {  	_ =	shalt  }
0x67: {  	_ =	shalt  }
0x68: {  	_ =	shalt  }
0x69: {  	_ =	shalt  }
0x6a: {  	_ =	shalt  }
0x6b: {  	_ =	shalt  }
0x6c: {  	_ =	shalt  }
0x6d: {  	_ =	shalt  }
0x6e: {  	_ =	shalt  }
0x6f: {  	_ =	shalt  }
0x70: {  	_ =	shalt  }
0x71: {  	_ =	shalt  }
0x72: {  	_ =	shalt  }
0x73: {  	_ =	shalt  }
0x74: {  	_ =	shalt  }
0x75: {  	_ =	shalt  }
0x76: {  	_ =	shalt  }
0x77: {  	_ =	shalt  }
0x78: {  	_ =	shalt  }
0x79: {  	_ =	shalt  }
0x7a: {  	_ =	shalt  }
0x7b: {  	_ =	shalt  }
0x7c: {  	_ =	shalt  }
0x7d: {  	_ =	shalt  }
0x7e: {  	_ =	shalt  }
0x7f: {  	_ =	shalt  }
0x80: {  	_ =	shalt  }
0x81: {  	_ =	shalt  }
0x82: {  	_ =	shalt  }
0x83: {  	_ =	shalt  }
0x84: {  	_ =	shalt  }
0x85: {  	_ =	shalt  }
0x86: {  	_ =	shalt  }
0x87: {  	_ =	shalt  }
.Lfunc_end0:
.L_simem_size_0:
called_computation.1_lowered:
.L_overlay_start_0:
0x88: {  	s2 =	sld [smem:$0x3FD9]  }
0x89: {  	s3 =	sld [smem:$0x3FFE];
	_ =	sdelay $0x1  }
0x8a: {  	s1 =	srdreg.scid  }
0x8b: {  	s0 =	sand.u32 $0x1, s1  }
0x8c: {  	s17 =	sshll.u32 s0, $0xA;
	s2 =	sadd.s32 s3, s2  }
0x8d: {  	s2 =	sadd.s32 s2, s17  }
0x8e: {  	[smem:$0x3FC3] =	sst s2  }
0x8f: {  	_ = 	snop  }
0x90: {  	s2 =	sld [smem:$0x3FD0];
	(tm) =	ssettm $0x1  }
0x91: {  	s18 =	sld [smem:$0x3FFB];
	_ =	sdelay $0x3  }
0x92: {  	_ =	strace s18  }
0x93: {  	s3 =	sld [smem:$0x3FFC];
	_ =	sdelay $0x3  }
0x94: {  	_ =	strace s3  }
0x95: {  	s3 =	sld [smem:$0x3FFD];
	_ =	sdelay $0x3  }
0x96: {  	_ =	strace s3  }
0x97: {  	_ =	strace $0x8FFFFFFF  }
0x98: {  	s19 =	sld [smem:$0x3FDB];
	_ =	sdelay $0x1  }
0x99: {  	s4 =	simm.s32 $_scs_section_size  }
0x9a: {  	s5 =	simm.s32 $_size__tile_overlayer_lowered;
	s6 =	simm.s32 $_tile_overlayer_lowered  }
0x9b: {  	s22 =	simm.s32 $0x1BFF;
	s21 =	sshll.u32 s6, $0x1;
	s3 =	sadd.s32 s4, s19  }
0x9c: {  	s7 =	simm.s32 $0x0;
	s20 =	sshll.u32 s5, $0x1;
	s5 =	sadd.s32 s21, s3  }
0x9d: {  	[timem:s7], [sflag:s22] =	dma.local [hbm:s5], s20  }
0x9e: {  	_ =	swait.ge [sflag:s22], s20  }
0x9f: {  	s4 =	ssub.s32 $0x0, s20;
	[sflag:s22] =	ssyncset.done $0x0  }
0xa0: {  	[sflag:s22] =	ssyncadd.s32 s4;
	_ =	sdelay $0x1  }
0xa1: {  	s23 =	simm.s32 $0x1B8B  }
0xa2: {  	_ =	swait.ge [sflag:s23], $0x1  }
0xa3: {  	[sflag:s23] =	ssyncset.done $0x0  }
0xa4: {  	s25 =	simm.s32 $0x1B8E;
	s24 =	sld [smem:$0x3FFE];
	[sflag:s23] =	ssyncadd.s32 $0xFFFFFFFF  }
0xa5: {  	s26 =	simm.s32 $execute0_lowered;
	[smem:$0x3FD2] =	sst s25  }
0xa6: {  	s5 =	sshll.u32 s26, $0x1;
	_ =	strace $0x80000049;
	[dreg:$0x1] =	wrdreg $0xFFFFFFFF  }
0xa7: {  	s28 =	simm.s32 $_size_execute0_lowered;
	s3 =	sadd.s32 s3, s5;
	[dreg:$0x0] =	wrdreg $0x0  }
0xa8: {  	s5 =	sshll.u32 s28, $0x1;
	[dreg:$0x2] =	wrdreg s3  }
0xa9: {  	[dreg:$0x3] =	wrdreg s5  }
0xaa: {  	[dreg:$0x4] =	wrdreg $0xC0  }
0xab: {  	_ =	task [dreg:s7], $0x5FFFF  }
0xac: {  	[dreg:$0x1] =	wrdreg $0xFFFFFFFF  }
0xad: {  	[dreg:$0x0] =	wrdreg $0x60  }
0xae: {  	[dreg:$0x2] =	wrdreg s2  }
0xaf: {  	[dreg:$0x3] =	wrdreg s24  }
0xb0: {  	[dreg:$0x4] =	wrdreg $0xBE000  }
0xb1: {  	[dreg:$0x5] =	wrdreg $0x9  }
0xb2: {  	_ =	task.clear_ibuf [dreg:s7], $0x6FFFF;
	_ =	strace $0x90000049  }
0xb3: {  	s29 =	simm.s32 $0x9;
	_ =	strace $0x8000004B  }
0xb4: {  	_ =	swait.ge [sflag:s29], $0x1  }
0xb5: {  	[sflag:s29] =	ssyncadd.s32 $0xFFFFFFFF  }
0xb6: {  	_ =	strace $0x9000004B  }
0xb7: {  	_ =	sfence  }
0xb8: {  	s30 =	sld [smem:$0x0];
	_ =	sdelay $0x2  }
0xb9: {  	s31 =	sshll.u32 s1, $0xD;
	s1 =	sshrl.u32 s1, $0x2  }
0xba: {  	s3 =	sand.u32 $0x4000, s31;
	s1 =	sadd.s32 s1, s30  }
0xbb: {  	s0 =	sor.u32 s3, s0;
	s1 =	sshll.u32 s1, $0x11  }
0xbc: {  	s0 =	sor.u32 s1, s0  }
0xbd: {  	s0 =	sadd.s32 $0x8F2B, s0  }
0xbe: {  	[sflag:s0] =	ssyncadd.remote.s32 $0x1  }
0xbf: {  	_ =	sfence.sel $0xFFFF  }
0xc0: {  	[dreg:$0x0] =	wrdreg $0xFFFFFFFF;
	(pc) =	sbr.abs _section_cstart, $3  }
0xc1: {  	[dreg:$0x1] =	wrdreg $0xFFFFFFFF  }
0xc2: {  	_ =	task.clear_ibuf [dreg:s7], $0x2FFFF;
	_ =	strace $0x9FFFFFFF  }
0xc3: {  	(tm) =	ssettm $0x7FFFFFFF  }
tec
execute0_lowered:
.L_overlay_start_1:
0x0: {  	(tag) =	ssettag $0x1  }
0x1: {  	s1 =	rddreg [dreg:$0x0]  }
0x2: {  	s0 =	rddreg [dreg:$0x1]  }
0x3: {  	s2 =	rddreg [dreg:$0x2];
	s3 =	simm.s32 $0x0  }
0x4: {  	s4 =	srdreg.scid;
	s13 =	stileid.u32;
	s28 =	simm.s32 $0x3D80  }
0x5: {  	s29 =	simm.s32 $0x80;
	s30 =	simm.s32 $0x7E00;
	[smem:$0x7FF] =	sst s3  }
0x6: {  	s5 =	sadd.s32 $0x1400, s0;
	s4 =	sand.u32 $0x1, s4;
	s9 =	smul.u32 $0x4F000, s13  }
0x7: {  	s6 =	sadd.s32 $0xB400, s0;
	s7 =	sadd.s32 $0xA00, s0;
	s11 =	smul.u32 $0x13C00, s13  }
0x8: {  	s0 =	sadd.s32 $0x15400, s0;
	s16 =	sshll.u32 s13, $0x1;
	_ =	strace $0x8000004A  }
0x9: {  	s8 =	ssub.s32 $0x2, s4;
	s12 =	smul.u32 $0x13C000, s4;
	s4 =	sor.u32 s4, s16  }
0xa: {  	s10 =	sshrl.u32 s8, $0x1;
	s9 =	sshrl.u32 s9, $0x2;
	s17 =	sadd.s32 $0x10000, s11  }
0xb: {  	s21 =	sadd.s32 $0x4000, s11;
	s23 =	sadd.s32 $0x8000, s11;
	s10 =	ssub.s32 s8, s10  }
0xc: {  	s8 =	sadd.s32 s9, s2;
	s14 =	sadd.s32 s12, s17;
	s9 =	smul.u32 $0x2800, s4  }
0xd: {  	s19 =	sadd.s32 s12, s11;
	s13 =	sadd.s32 s17, s2;
	s22 =	sadd.s32 s21, s2  }
0xe: {  	s24 =	sadd.s32 s12, s23;
	s11 =	sadd.s32 $0xC000, s11;
	[dreg:$0x4] =	wrdreg s13  }
0xf: {  	s18 =	sshrl.u32 s14, $0x3;
	s10 =	smax.u32 s10, $0x1;
	[dreg:$0x8] =	wrdreg s22  }
0x10: {  	s20 =	sshrl.u32 s19, $0x3;
	s31 =	sadd.s32 s11, s2;
	[dreg:$0x6] =	wrdreg s10  }
0x11: {  	s25 =	sshrl.u32 s24, $0x3;
	s4 =	sadd.s32 s0, s18;
	[dreg:$0xc] =	wrdreg s31  }
0x12: {  	s22 =	simm.s32 $0xC00;
	s10 =	sadd.s32 s23, s2;
	[dreg:$0x5] =	wrdreg s4  }
0x13: {  	s24 =	simm.s32 $0x400;
	s4 =	sadd.s32 s0, s20;
	[dreg:$0xa] =	wrdreg s10  }
0x14: {  	s23 =	simm.s32 $0x1100;
	[dreg:$0x7] =	wrdreg s4;
	s4 =	sadd.s32 s12, s21  }
0x15: {  	s20 =	simm.s32 $0x3E00;
	s12 =	sadd.s32 s12, s11;
	s4 =	sshrl.u32 s4, $0x3  }
0x16: {  	s21 =	simm.s32 $0x3;
	s26 =	sshrl.u32 s12, $0x3;
	s4 =	sadd.s32 s0, s4  }
0x17: {  	[dreg:$0x9] =	wrdreg s4;
	s4 =	sadd.s32 s0, s25;
	s0 =	sadd.s32 s0, s26  }
0x18: {  	s25 =	simm.s32 $0x800;
	s26 =	simm.s32 $0x1600;
	[dreg:$0xb] =	wrdreg s4  }
0x19: {  	v0 =	vimm.f32 $0.0e+00;
	[dreg:$0xd] =	wrdreg s0;
	s0 =	simm.s32 $0x2;
	s4 =	simm.s32 $0x0  }
.LBB2_1:
0x1a: {  	[tilespmem:$0x3E00] =	vst v0  }
0x1b: {  	[tilespmem:$0x3E10] =	vst v0  }
0x1c: {  	[tilespmem:$0x3E20] =	vst v0  }
0x1d: {  	[tilespmem:$0x3E30] =	vst v0  }
0x1e: {  	[tilespmem:$0x3E40] =	vst v0  }
0x1f: {  	[tilespmem:$0x3E50] =	vst v0  }
0x20: {  	[tilespmem:$0x3E60] =	vst v0  }
0x21: {  	[tilespmem:$0x3E70] =	vst v0  }
0x22: {  	[tilespmem:$0x3E80] =	vst v0  }
0x23: {  	[tilespmem:$0x3E90] =	vst v0  }
0x24: {  	[tilespmem:$0x3EA0] =	vst v0  }
0x25: {  	[tilespmem:$0x3EB0] =	vst v0  }
0x26: {  	[tilespmem:$0x3EC0] =	vst v0  }
0x27: {  	[tilespmem:$0x3ED0] =	vst v0  }
0x28: {  	[tilespmem:$0x3EE0] =	vst v0  }
0x29: {  	[tilespmem:$0x3EF0] =	vst v0  }
0x2a: {  	[tilespmem:$0x3F00] =	vst v0  }
0x2b: {  	[tilespmem:$0x3F10] =	vst v0  }
0x2c: {  	[tilespmem:$0x3F20] =	vst v0  }
0x2d: {  	[tilespmem:$0x3F30] =	vst v0  }
0x2e: {  	[tilespmem:$0x3F40] =	vst v0  }
0x2f: {  	[tilespmem:$0x3F50] =	vst v0  }
0x30: {  	[tilespmem:$0x3F60] =	vst v0  }
0x31: {  	[tilespmem:$0x3F70] =	vst v0  }
0x32: {  	[tilespmem:$0x3F80] =	vst v0  }
0x33: {  	[tilespmem:$0x3F90] =	vst v0  }
0x34: {  	[tilespmem:$0x3FA0] =	vst v0  }
0x35: {  	[tilespmem:$0x3FB0] =	vst v0  }
0x36: {  	[tilespmem:$0x3FC0] =	vst v0  }
0x37: {  	[tilespmem:$0x3FD0] =	vst v0  }
0x38: {  	[tilespmem:$0x3FE0] =	vst v0  }
0x39: {  	[tilespmem:$0x3FF0] =	vst v0  }
0x3a: {  	[tilespmem:$0x4000] =	vst v0  }
0x3b: {  	[tilespmem:$0x4010] =	vst v0  }
0x3c: {  	[tilespmem:$0x4020] =	vst v0  }
0x3d: {  	[tilespmem:$0x4030] =	vst v0  }
0x3e: {  	[tilespmem:$0x4040] =	vst v0  }
0x3f: {  	[tilespmem:$0x4050] =	vst v0  }
0x40: {  	[tilespmem:$0x4060] =	vst v0  }
0x41: {  	[tilespmem:$0x4070] =	vst v0  }
0x42: {  	[tilespmem:$0x4080] =	vst v0  }
0x43: {  	[tilespmem:$0x4090] =	vst v0  }
0x44: {  	[tilespmem:$0x40A0] =	vst v0  }
0x45: {  	[tilespmem:$0x40B0] =	vst v0  }
0x46: {  	[tilespmem:$0x40C0] =	vst v0  }
0x47: {  	[tilespmem:$0x40D0] =	vst v0  }
0x48: {  	[tilespmem:$0x40E0] =	vst v0  }
0x49: {  	[tilespmem:$0x40F0] =	vst v0  }
0x4a: {  	[tilespmem:$0x4100] =	vst v0  }
0x4b: {  	[tilespmem:$0x4110] =	vst v0  }
0x4c: {  	[tilespmem:$0x4120] =	vst v0  }
0x4d: {  	[tilespmem:$0x4130] =	vst v0  }
0x4e: {  	[tilespmem:$0x4140] =	vst v0  }
0x4f: {  	[tilespmem:$0x4150] =	vst v0  }
0x50: {  	[tilespmem:$0x4160] =	vst v0  }
0x51: {  	[tilespmem:$0x4170] =	vst v0  }
0x52: {  	[tilespmem:$0x4180] =	vst v0  }
0x53: {  	[tilespmem:$0x4190] =	vst v0  }
0x54: {  	[tilespmem:$0x41A0] =	vst v0  }
0x55: {  	[tilespmem:$0x41B0] =	vst v0  }
0x56: {  	[tilespmem:$0x41C0] =	vst v0  }
0x57: {  	[tilespmem:$0x41D0] =	vst v0  }
0x58: {  	[tilespmem:$0x41E0] =	vst v0  }
0x59: {  	[tilespmem:$0x41F0] =	vst v0;
	s10 =	sadd.s32 $0x0, s8  }
0x5a: {  	[spmem:s10] =	stream.linear.scatter [tilespmem:s20], [sflag:$0x3], $0x400, $0x38;
	[tilespmem:$0x1FA00] =	vst v63  }
0x5b: {  	s10 =	simm.s32 $0x1000;
	_ =	swait.ge [sflag:s21], $0x400  }
.LBB2_2:
0x5c: {  	s11 =	sshra.s32 s10, $0x2;
	[sflag:s21] =	ssyncset.done $0x0;
	p0 =	sne.s32 s10, $0x4E000  }
.Ltmp0:
0x5d: {  	s11 =	sadd.s32 s11, s8;
	[sflag:s21] =	ssyncadd.s32 $0xFFFFFC00;
	(pc) =	sbr.rel @p0 .LBB2_2-.Ltmp0, $3  }
0x5e: {  	[spmem:s11] =	stream.linear.scatter [tilespmem:s20], [sflag:$0x3], $0x400, $0x38;
	[tilespmem:$0x1FA00] =	vst v63  }
0x5f: {  	s10 =	sadd.s32 $0x1000, s10;
	_ =	sdelay $0x1  }
0x60: {  	_ =	swait.ge [sflag:s21], $0x400  }
0x61: {  	[sflag:s21] =	ssyncset.done $0x0;
	s10 =	simm.s32 $0x0  }
0x62: {  	s11 =	simm.s32 $0x1600;
	s12 =	simm.s32 $0x0;
	[sflag:s21] =	ssyncadd.s32 $0xFFFFFC00  }
.LBB2_4:
0x63: {  	s13 =	smul.u32 $0x4F0, s12;
	_ =	sdelay $0x1  }
0x64: {  	s13 =	sshrl.u32 s13, $0x3  }
0x65: {  	s13 =	sadd.s32 s7, s13  }
0x66: {  	[tilespmem:s22], [sflag:$0x3] =	stream.linear.gather [hbm4b:s13+s10], $0x4F0, $0x38;
	[tilespmem:$0x1FA00] =	vst v63  }
0x67: {  	_ =	swait.ge [sflag:s21], $0x4F0  }
0x68: {  	[sflag:s21] =	ssyncset.done $0x0  }
0x69: {  	s13 =	sadd.s32 $0x4F0, s13;
	[sflag:s21] =	ssyncadd.s32 $0xFFFFFB10  }
0x6a: {  	[tilespmem:s23], [sflag:$0x3] =	stream.linear.gather [hbm4b:s13+s10], $0x4F0, $0x38;
	[tilespmem:$0x1FA00] =	vst v63  }
0x6b: {  	_ =	swait.ge [sflag:s21], $0x4F0  }
0x6c: {  	[sflag:s21] =	ssyncset.done $0x0  }
0x6d: {  	s13 =	simm.s32 $0x0;
	[sflag:s21] =	ssyncadd.s32 $0xFFFFFB10  }
0x6e: {  	v1 =	vmov s11;
	s14 =	simm.s32 $0x40;
	v2 =	vld [tilespmem:s13+$0x1100]  }
.LBB2_5:
0x6f: {  	p0 =	sne.s32 s14, $0x1380;
	v3 =	vld [tilespmem:s13+$0xC00];
	_ =	sdelay $0x4  }
0x70: {  	v2 =	vadd.f32 v2, v3;
	_ =	sdelay $0x1  }
0x71: {  	v3 =	vshra.s32 v2, $0x1;
	v4 =	vmul.f32 $5.000000000e-01, v2  }
0x72: {  	v3 =	vsub.s32 $0x5F3759DF, v3  }
0x73: {  	v5 =	vmul.f32 v3, v4;
	_ =	sdelay $0x1  }
0x74: {  	v5 =	vmul.f32 v3, v5;
	_ =	sdelay $0x1  }
0x75: {  	v5 =	vsub.f32 $1.500000000e+00, v5;
	_ =	sdelay $0x1  }
0x76: {  	v3 =	vmul.f32 v3, v5;
	_ =	sdelay $0x1  }
0x77: {  	v5 =	vmul.f32 v3, v4;
	_ =	sdelay $0x1  }
0x78: {  	v5 =	vmul.f32 v5, v3;
	_ =	sdelay $0x1  }
0x79: {  	v5 =	vsub.f32 $1.500000000e+00, v5;
	_ =	sdelay $0x1  }
0x7a: {  	v3 =	vmul.f32 v5, v3;
	_ =	sdelay $0x1  }
0x7b: {  	v4 =	vmul.f32 v3, v4;
	_ =	sdelay $0x1  }
0x7c: {  	v4 =	vmul.f32 v4, v3;
	_ =	sdelay $0x1  }
0x7d: {  	v4 =	vsub.f32 $1.500000000e+00, v4;
	_ =	sdelay $0x1  }
.Ltmp1:
0x7e: {  	v3 =	vmul.f32 v4, v3;
	(pc) =	sbr.rel @p0 .LBB2_5-.Ltmp1, $4  }
0x7f: {  	vm0 =	vgt.f32 v2, $5.000000000e-01  }
0x80: {  	v2 =	vnsel vm0, $0x0, v3  }
0x81: {  	[tilespmem:v1+s13+$0x0 ss:$0x1] =	vst.idx.msk $0xffff, v2;
	s13 =	sshra.s32 s14, $0x2  }
0x82: {  	s14 =	sadd.s32 $0x40, s14;
	v2 =	vld [tilespmem:s13+$0x1100]  }
0x83: {  	v3 =	vld [tilespmem:s13+$0xC00];
	_ =	sdelay $0x4  }
0x84: {  	v2 =	vadd.f32 v2, v3;
	_ =	sdelay $0x1  }
0x85: {  	v3 =	vshra.s32 v2, $0x1;
	v4 =	vmul.f32 $5.000000000e-01, v2  }
0x86: {  	v3 =	vsub.s32 $0x5F3759DF, v3  }
0x87: {  	v5 =	vmul.f32 v3, v4;
	_ =	sdelay $0x1  }
0x88: {  	v5 =	vmul.f32 v3, v5;
	_ =	sdelay $0x1  }
0x89: {  	v5 =	vsub.f32 $1.500000000e+00, v5;
	_ =	sdelay $0x1  }
0x8a: {  	v3 =	vmul.f32 v3, v5;
	_ =	sdelay $0x1  }
0x8b: {  	v5 =	vmul.f32 v3, v4;
	_ =	sdelay $0x1  }
0x8c: {  	v5 =	vmul.f32 v5, v3;
	_ =	sdelay $0x1  }
0x8d: {  	v5 =	vsub.f32 $1.500000000e+00, v5;
	_ =	sdelay $0x1  }
0x8e: {  	v3 =	vmul.f32 v5, v3;
	_ =	sdelay $0x1  }
0x8f: {  	v4 =	vmul.f32 v3, v4;
	_ =	sdelay $0x1  }
0x90: {  	v4 =	vmul.f32 v4, v3  }
0x91: {  	s12 =	sadd.s32 $0x1, s12  }
0x92: {  	p0 =	sne.s32 s12, $0x8;
	v4 =	vsub.f32 $1.500000000e+00, v4  }
.Ltmp2:
0x93: {  	_ = 	snop;
	(pc) =	sbr.rel @p0 .LBB2_4-.Ltmp2, $4  }
0x94: {  	v3 =	vmul.f32 v4, v3  }
0x95: {  	vm0 =	vgt.f32 v2, $5.000000000e-01  }
0x96: {  	v2 =	vnsel vm0, $0x0, v3  }
0x97: {  	s11 =	sadd.s32 $0x4F0, s11;
	[tilespmem:v1+s13+$0x0 ss:$0x1] =	vst.idx.msk $0xffff, v2  }
0x98: {  	[tilespmem:$0x3D10] =	vst v0  }
0x99: {  	[tilespmem:$0x3D20] =	vst v0  }
0x9a: {  	[tilespmem:$0x3D30] =	vst v0  }
0x9b: {  	[tilespmem:$0x3D40] =	vst v0  }
0x9c: {  	[tilespmem:$0x3D50] =	vst v0  }
0x9d: {  	[tilespmem:$0x3D60] =	vst v0  }
0x9e: {  	[tilespmem:$0x3D70] =	vst v0  }
0x9f: {  	s10 =	simm.s32 $0x0;
	s11 =	simm.s32 $0x0;
	[bflag:$0x0] =	sbarrier.arrive $0xFFFF  }
.LBB2_8:
0xa0: {  	p0 =	seq.s32 s11, $0x0  }
0xa1: {  	s12 =	simm.s32 @!p0 $0x1  }
0xa2: {  	_ =	swait.ge @!p0 [sflag:s12], $0x4000  }
0xa3: {  	[sflag:s12] =	ssyncset.done @!p0 $0x0  }
0xa4: {  	s13 =	sshll.u32 s11, $0xA;
	[sflag:s12] =	ssyncadd.s32 @!p0 $0xFFFFC000;
	s12 =	simm.s32 @!p0 $0x2  }
0xa5: {  	s13 =	sadd.s32 s9, s13;
	_ =	swait.ge @!p0 [sflag:s12], $0x4000  }
0xa6: {  	s13 =	sshrl.u32 s13, $0x3;
	[sflag:s12] =	ssyncset.done @!p0 $0x0  }
0xa7: {  	s18 =	sadd.s32 s1, s13;
	[sflag:s12] =	ssyncadd.s32 @!p0 $0xFFFFC000  }
0xa8: {  	[tilespmem:s10], [sflag:$0x3] =	stream.linear.gather [hbm4b:s18+s10], $0x400, $0x38;
	[tilespmem:$0x1FA00] =	vst v63  }
0xa9: {  	_ =	swait.ge [sflag:s21], $0x400  }
0xaa: {  	[sflag:s21] =	ssyncset.done $0x0  }
0xab: {  	s19 =	sadd.s32 s5, s13;
	[sflag:s21] =	ssyncadd.s32 $0xFFFFFC00  }
0xac: {  	[tilespmem:s24], [sflag:$0x3] =	stream.linear.gather [hbm4b:s19+s10], $0x400, $0x38;
	[tilespmem:$0x1FA00] =	vst v63  }
0xad: {  	_ =	swait.ge [sflag:s21], $0x400  }
0xae: {  	[sflag:s21] =	ssyncset.done $0x0  }
0xaf: {  	s31 =	sadd.s32 s6, s13;
	[sflag:s21] =	ssyncadd.s32 $0xFFFFFC00  }
0xb0: {  	[tilespmem:s25], [sflag:$0x3] =	stream.linear.gather [hbm4b:s31+s10], $0x400, $0x38;
	[tilespmem:$0x1FA00] =	vst v63  }
0xb1: {  	_ =	swait.ge [sflag:s21], $0x400  }
0xb2: {  	[sflag:s21] =	ssyncset.done $0x0  }
0xb3: {  	s12 =	simm.s32 $0x0;
	[sflag:s21] =	ssyncadd.s32 $0xFFFFFC00  }
.LBB2_9:
0xb4: {  	p0 =	seq.s32 s12, $0x0  }
0xb5: {  	s14 =	simm.s32 @!p0 $0x2  }
0xb6: {  	_ =	swait.ge @!p0 [sflag:s14], $0x4000  }
0xb7: {  	[sflag:s14] =	ssyncset.done @!p0 $0x0  }
0xb8: {  	s13 =	sshll.u32 s12, $0x8;
	[sflag:s14] =	ssyncadd.s32 @!p0 $0xFFFFC000  }
0xb9: {  	v1 =	vld [tilespmem:s13+$0x800];
	_ =	sdelay $0x4  }
0xba: {  	v1 =	vmul.f32 v1, v1;
	_ =	sdelay $0x1  }
0xbb: {  	v1 =	vsub.f32 $0.0e+00, v1  }
0xbc: {  	v2 =	vld [tilespmem:s13+$0x0]  }
0xbd: {  	v1 =	vmul.f32 $1.442695020e+00, v1;
	_ =	sdelay $0x1  }
0xbe: {  	(erf) = vpow2.f32 v1;
	_ =	sdelay $0x4  }
0xbf: {  	v1 =	vld.idx.msk [tilespmem:v2+s26+$0x0], $0xffff;
	_ =	sdelay $0x3  }
0xc0: {  	v2 =	vpop (erf)  }
0xc1: {  	v1 =	vmul.f32 v2, v1;
	_ =	sdelay $0x1  }
0xc2: {  	[tilespmem:$0x3D80] =	vst v1  }
0xc3: {  	v1 =	vld [tilespmem:s13+$0x810];
	_ =	sdelay $0x4  }
0xc4: {  	v1 =	vmul.f32 v1, v1;
	_ =	sdelay $0x1  }
0xc5: {  	s18 =	sor.u32 $0x10, s13;
	v1 =	vsub.f32 $0.0e+00, v1  }
0xc6: {  	v2 =	vld [tilespmem:s18+$0x0]  }
0xc7: {  	v1 =	vmul.f32 $1.442695020e+00, v1;
	_ =	sdelay $0x1  }
0xc8: {  	(erf) = vpow2.f32 v1;
	_ =	sdelay $0x4  }
0xc9: {  	v1 =	vld.idx.msk [tilespmem:v2+s26+$0x0], $0xffff;
	_ =	sdelay $0x3  }
0xca: {  	v2 =	vpop (erf)  }
0xcb: {  	v1 =	vmul.f32 v2, v1;
	_ =	sdelay $0x1  }
0xcc: {  	[tilespmem:$0x3D90] =	vst v1  }
0xcd: {  	v1 =	vld [tilespmem:s13+$0x820];
	_ =	sdelay $0x4  }
0xce: {  	v1 =	vmul.f32 v1, v1;
	_ =	sdelay $0x1  }
0xcf: {  	s19 =	sor.u32 $0x20, s13;
	v1 =	vsub.f32 $0.0e+00, v1  }
0xd0: {  	v2 =	vld [tilespmem:s19+$0x0]  }
0xd1: {  	v1 =	vmul.f32 $1.442695020e+00, v1;
	_ =	sdelay $0x1  }
0xd2: {  	(erf) = vpow2.f32 v1;
	_ =	sdelay $0x4  }
0xd3: {  	v1 =	vld.idx.msk [tilespmem:v2+s26+$0x0], $0xffff;
	_ =	sdelay $0x3  }
0xd4: {  	v2 =	vpop (erf)  }
0xd5: {  	v1 =	vmul.f32 v2, v1;
	_ =	sdelay $0x1  }
0xd6: {  	[tilespmem:$0x3DA0] =	vst v1  }
0xd7: {  	v1 =	vld [tilespmem:s13+$0x830];
	_ =	sdelay $0x4  }
0xd8: {  	v1 =	vmul.f32 v1, v1;
	_ =	sdelay $0x1  }
0xd9: {  	s31 =	sor.u32 $0x30, s13;
	v1 =	vsub.f32 $0.0e+00, v1  }
0xda: {  	v2 =	vld [tilespmem:s31+$0x0]  }
0xdb: {  	v1 =	vmul.f32 $1.442695020e+00, v1;
	_ =	sdelay $0x1  }
0xdc: {  	(erf) = vpow2.f32 v1;
	_ =	sdelay $0x4  }
0xdd: {  	v1 =	vld.idx.msk [tilespmem:v2+s26+$0x0], $0xffff;
	_ =	sdelay $0x3  }
0xde: {  	v2 =	vpop (erf)  }
0xdf: {  	v1 =	vmul.f32 v2, v1;
	_ =	sdelay $0x1  }
0xe0: {  	[tilespmem:$0x3DB0] =	vst v1  }
0xe1: {  	v1 =	vld [tilespmem:s13+$0x840];
	_ =	sdelay $0x4  }
0xe2: {  	v1 =	vmul.f32 v1, v1;
	_ =	sdelay $0x1  }
0xe3: {  	s15 =	sor.u32 $0x40, s13;
	v1 =	vsub.f32 $0.0e+00, v1  }
0xe4: {  	v2 =	vld [tilespmem:s15+$0x0]  }
0xe5: {  	v1 =	vmul.f32 $1.442695020e+00, v1;
	_ =	sdelay $0x1  }
0xe6: {  	(erf) = vpow2.f32 v1;
	_ =	sdelay $0x4  }
0xe7: {  	v1 =	vld.idx.msk [tilespmem:v2+s26+$0x0], $0xffff;
	_ =	sdelay $0x3  }
0xe8: {  	v2 =	vpop (erf)  }
0xe9: {  	v1 =	vmul.f32 v2, v1;
	_ =	sdelay $0x1  }
0xea: {  	[tilespmem:$0x3DC0] =	vst v1  }
0xeb: {  	v1 =	vld [tilespmem:s13+$0x850];
	_ =	sdelay $0x4  }
0xec: {  	v1 =	vmul.f32 v1, v1;
	_ =	sdelay $0x1  }
0xed: {  	s16 =	sor.u32 $0x50, s13;
	v1 =	vsub.f32 $0.0e+00, v1  }
0xee: {  	v2 =	vld [tilespmem:s16+$0x0]  }
0xef: {  	v1 =	vmul.f32 $1.442695020e+00, v1;
	_ =	sdelay $0x1  }
0xf0: {  	(erf) = vpow2.f32 v1;
	_ =	sdelay $0x4  }
0xf1: {  	v1 =	vld.idx.msk [tilespmem:v2+s26+$0x0], $0xffff;
	_ =	sdelay $0x3  }
0xf2: {  	v2 =	vpop (erf)  }
0xf3: {  	v1 =	vmul.f32 v2, v1;
	_ =	sdelay $0x1  }
0xf4: {  	[tilespmem:$0x3DD0] =	vst v1  }
0xf5: {  	v1 =	vld [tilespmem:s13+$0x860];
	_ =	sdelay $0x4  }
0xf6: {  	v1 =	vmul.f32 v1, v1;
	_ =	sdelay $0x1  }
0xf7: {  	s17 =	sor.u32 $0x60, s13;
	v1 =	vsub.f32 $0.0e+00, v1  }
0xf8: {  	v2 =	vld [tilespmem:s17+$0x0]  }
0xf9: {  	v1 =	vmul.f32 $1.442695020e+00, v1;
	_ =	sdelay $0x1  }
0xfa: {  	(erf) = vpow2.f32 v1;
	_ =	sdelay $0x4  }
0xfb: {  	v1 =	vld.idx.msk [tilespmem:v2+s26+$0x0], $0xffff;
	_ =	sdelay $0x3  }
0xfc: {  	v2 =	vpop (erf)  }
0xfd: {  	v1 =	vmul.f32 v2, v1;
	_ =	sdelay $0x1  }
0xfe: {  	[tilespmem:$0x3DE0] =	vst v1  }
0xff: {  	v1 =	vld [tilespmem:s13+$0x870];
	_ =	sdelay $0x4  }
0x100: {  	v1 =	vmul.f32 v1, v1;
	_ =	sdelay $0x1  }
0x101: {  	s18 =	sor.u32 $0x70, s13;
	v1 =	vsub.f32 $0.0e+00, v1  }
0x102: {  	v2 =	vld [tilespmem:s18+$0x0]  }
0x103: {  	v1 =	vmul.f32 $1.442695020e+00, v1;
	_ =	sdelay $0x1  }
0x104: {  	(erf) = vpow2.f32 v1;
	_ =	sdelay $0x4  }
0x105: {  	v1 =	vld.idx.msk [tilespmem:v2+s26+$0x0], $0xffff;
	_ =	sdelay $0x3  }
0x106: {  	v2 =	vpop (erf)  }
0x107: {  	v1 =	vmul.f32 v2, v1;
	_ =	sdelay $0x1  }
0x108: {  	s14 =	simm.s32 $0x3F00;
	[tilespmem:$0x3DF0] =	vst v1  }
0x109: {  	v3 =	vld [tilespmem:s14+$0xD0]  }
0x10a: {  	v4 =	vld [tilespmem:s14+$0xF0]  }
0x10b: {  	v5 =	vld [tilespmem:s14+$0xFFFFFFF0]  }
0x10c: {  	v6 =	vld [tilespmem:s14+$0x0]  }
0x10d: {  	v7 =	vld [tilespmem:s14+$0x10]  }
0x10e: {  	v8 =	vld [tilespmem:s14+$0x20]  }
0x10f: {  	v9 =	vld [tilespmem:s14+$0x30]  }
0x110: {  	s19 =	simm.s32 $0x1;
	v10 =	vld [tilespmem:s14+$0x50]  }
0x111: {  	s31 =	simm.s32 $0x2;
	s16 =	simm.s32 $0x3;
	v2 =	vmov s19;
	v12 =	vld [tilespmem:s14+$0x80]  }
0x112: {  	v13 =	vmov s31;
	v11 =	vmov s16;
	v2 =	vand.u32 $0xFFFFFFFD, v2;
	v14 =	vld [tilespmem:s14+$0x90]  }
0x113: {  	v15 =	vbroadcast v2, $0x0;
	v2 =	vand.u32 $0xFFFFFFFE, v13;
	v13 =	vld [tilespmem:s14+$0xA0]  }
0x114: {  	s15 =	simm.s32 $0x0;
	v17 =	vld [tilespmem:s14+$0xB0]  }
0x115: {  	v1 =	vmov s15;
	v18 =	vld [tilespmem:s14+$0xC0]  }
0x116: {  	v1 =	vand.u32 $0xFFFFFFFC, v1;
	v19 =	vld [tilespmem:s14+$0x40]  }
0x117: {  	v16 =	vbroadcast v2, $0x0;
	v2 =	vld.idx.msk [tilespmem:v11+s28+$0x0], $0xffff;
	v1 =	vbroadcast v1, $0x0  }
0x118: {  	v21 =	vld [tilespmem:s14+$0xFFFFFFC0]  }
0x119: {  	v22 =	vld [tilespmem:s14+$0xFFFFFFB0]  }
0x11a: {  	v23 =	vld [tilespmem:s14+$0xFFFFFF60]  }
0x11b: {  	v24 =	vld [tilespmem:s14+$0xFFFFFF50]  }
0x11c: {  	v11 =	vld.idx.msk [tilespmem:v15+s28+$0x0], $0xffff;
	v3 =	vmul.f32 v3, v2  }
0x11d: {  	v18 =	vmul.f32 v18, v2;
	v20 =	vld.idx.msk [tilespmem:v1+s28+$0x0], $0xffff  }
0x11e: {  	v12 =	vmul.f32 v12, v2;
	v1 =	vld.idx.msk [tilespmem:v16+s28+$0x0], $0xffff;
	[tilespmem:s14+$0xD0] =	vst v3  }
0x11f: {  	v15 =	vld [tilespmem:s14+$0xFFFFFFE0];
	v17 =	vmul.f32 v17, v2;
	[tilespmem:s14+$0xC0] =	vst v18  }
0x120: {  	v4 =	vmul.f32 v4, v2;
	v16 =	vld [tilespmem:s14+$0xFFFFFFD0];
	[tilespmem:s14+$0x80] =	vst v12  }
0x121: {  	v63 =	vld [tilespmem:s14+$0xFFFFFF30];
	v14 =	vmul.f32 v14, v2;
	[tilespmem:s14+$0xB0] =	vst v17  }
0x122: {  	v25 =	vld [tilespmem:s14+$0xFFFFFF20];
	[tilespmem:s14+$0xF0] =	vst v4;
	v5 =	vmul.f32 v5, v11  }
0x123: {  	v18 =	vld [tilespmem:s14+$0xFFFFFF90];
	[tilespmem:s14+$0x90] =	vst v14;
	v62 =	vmul.f32 v22, v11  }
0x124: {  	v3 =	vld [tilespmem:s14+$0xFFFFFFA0];
	v6 =	vmul.f32 v6, v1;
	[tilespmem:s14+$0xFFFFFFF0] =	vst v5  }
0x125: {  	v17 =	vld [tilespmem:s14+$0xFFFFFF70];
	v5 =	vmul.f32 v15, v11;
	v4 =	vmul.f32 v16, v11;
	[tilespmem:s14+$0xFFFFFFB0] =	vst v62  }
0x126: {  	v12 =	vld [tilespmem:s14+$0xFFFFFF80];
	v8 =	vmul.f32 v8, v1;
	v9 =	vmul.f32 v9, v1;
	[tilespmem:s14+$0x0] =	vst v6  }
0x127: {  	v16 =	vld [tilespmem:s14+$0xFFFFFF40];
	v14 =	vmul.f32 v25, v20;
	v6 =	vmul.f32 v7, v1;
	[tilespmem:s14+$0xFFFFFFE0] =	vst v5  }
0x128: {  	v7 =	vmul.f32 v21, v11;
	v5 =	vmul.f32 v18, v11;
	v18 =	vld [tilespmem:s14+$0xFFFFFF10];
	[tilespmem:s14+$0x20] =	vst v8  }
0x129: {  	[tilespmem:s14+$0x10] =	vst v6;
	v6 =	vmul.f32 v3, v11;
	v3 =	vmul.f32 v19, v1;
	v19 =	vld [tilespmem:s14+$0xFFFFFF00]  }
0x12a: {  	v8 =	vmul.f32 v10, v1;
	[tilespmem:s14+$0x30] =	vst v9;
	v9 =	vmul.f32 v17, v20  }
0x12b: {  	[tilespmem:s14+$0xFFFFFFC0] =	vst v7;
	v7 =	vmul.f32 v12, v11;
	v12 =	vmul.f32 v13, v2  }
0x12c: {  	v15 =	vld [tilespmem:s14+$0x60];
	[tilespmem:s14+$0xFFFFFFD0] =	vst v4;
	v10 =	vmul.f32 v23, v20;
	v13 =	vmul.f32 v24, v20  }
0x12d: {  	v17 =	vld [tilespmem:s14+$0xE0];
	v11 =	vmul.f32 v16, v20;
	[tilespmem:s14+$0xA0] =	vst v12;
	v12 =	vmul.f32 v63, v20  }
0x12e: {  	s16 =	simm.s32 $0x4;
	s15 =	simm.s32 $0x4100;
	[tilespmem:s14+$0x50] =	vst v8;
	v16 =	vld [tilespmem:s14+$0x70];
	v8 =	vmul.f32 v18, v20;
	v4 =	vmul.f32 v19, v20  }
.LBB2_10:
0x12f: {  	s18 =	sadd.s32 $0x1, s16  }
0x130: {  	v18 =	vmov s16;
	s19 =	sadd.s32 $0x3, s16;
	v19 =	vld [tilespmem:s15+$0xD0];
	[tilespmem:s14+$0xFFFFFFA0] =	vst v6;
	s31 =	smov.u32 s16;
	s17 =	sadd.s32 $0x4, s16  }
0x131: {  	p0 =	sne.s32 s16, $0x7C;
	v6 =	vand.u32 $0xFFFFFFFC, v18;
	v18 =	vmov s18;
	s18 =	sadd.s32 $0x2, s31;
	v20 =	vmov s19;
	v21 =	vld [tilespmem:s15+$0xF0];
	[tilespmem:s14+$0xFFFFFF90] =	vst v5  }
0x132: {  	v5 =	vbroadcast v6, $0x0;
	v6 =	vand.u32 $0xFFFFFFFD, v18;
	v18 =	vmov s18;
	v22 =	vld [tilespmem:s15+$0xFFFFFFF0];
	[tilespmem:s14+$0xFFFFFF80] =	vst v7  }
0x133: {  	v6 =	vbroadcast v6, $0x0;
	v7 =	vand.u32 $0xFFFFFFFE, v18;
	v18 =	vld [tilespmem:s15+$0x0];
	[tilespmem:s14+$0xFFFFFF70] =	vst v9;
	v2 =	vmul.f32 v17, v2  }
0x134: {  	v7 =	vbroadcast v7, $0x0;
	v9 =	vld [tilespmem:s15+$0x10];
	[tilespmem:s14+$0xFFFFFF60] =	vst v10;
	v10 =	vmul.f32 v16, v1  }
0x135: {  	v1 =	vmul.f32 v15, v1;
	v16 =	vld [tilespmem:s15+$0x20];
	[tilespmem:s14+$0xFFFFFF50] =	vst v13  }
0x136: {  	v13 =	vld [tilespmem:s15+$0x30];
	[tilespmem:s14+$0xFFFFFF40] =	vst v11  }
0x137: {  	v11 =	vld [tilespmem:s15+$0x50];
	[tilespmem:s14+$0xFFFFFF30] =	vst v12  }
0x138: {  	[tilespmem:s14+$0xFFFFFF20] =	vst v14  }
0x139: {  	v12 =	vld [tilespmem:s15+$0x80];
	[tilespmem:s14+$0xE0] =	vst v2  }
0x13a: {  	v14 =	vld [tilespmem:s15+$0x90];
	[tilespmem:s14+$0xFFFFFF10] =	vst v8  }
0x13b: {  	v8 =	vld [tilespmem:s15+$0xA0];
	[tilespmem:s14+$0x60] =	vst v1  }
0x13c: {  	v15 =	vld [tilespmem:s15+$0xB0];
	[tilespmem:s14+$0x70] =	vst v10  }
0x13d: {  	v10 =	vld [tilespmem:s15+$0xC0];
	[tilespmem:s14+$0x40] =	vst v3  }
0x13e: {  	v3 =	vld [tilespmem:s15+$0x40];
	[tilespmem:s14+$0xFFFFFF00] =	vst v4;
	s14 =	smov.u32 s15  }
0x13f: {  	v2 =	vld.idx.msk [tilespmem:v20+s28+$0x0], $0xffff  }
0x140: {  	v4 =	vld.idx.msk [tilespmem:v5+s28+$0x0], $0xffff  }
0x141: {  	v17 =	vld.idx.msk [tilespmem:v6+s28+$0x0], $0xffff  }
0x142: {  	v1 =	vld.idx.msk [tilespmem:v7+s28+$0x0], $0xffff  }
0x143: {  	v5 =	vld [tilespmem:s15+$0xFFFFFFE0]  }
0x144: {  	v6 =	vld [tilespmem:s15+$0xFFFFFFD0]  }
0x145: {  	v19 =	vmul.f32 v19, v2;
	v20 =	vmul.f32 v21, v2;
	v7 =	vld [tilespmem:s15+$0xFFFFFFC0]  }
0x146: {  	v12 =	vmul.f32 v12, v2;
	v10 =	vmul.f32 v10, v2;
	v21 =	vld [tilespmem:s15+$0xFFFFFFB0]  }
0x147: {  	v15 =	vmul.f32 v15, v2;
	v22 =	vmul.f32 v22, v17;
	v23 =	vld [tilespmem:s15+$0xFFFFFFA0];
	[tilespmem:s15+$0xD0] =	vst v19  }
0x148: {  	v19 =	vld [tilespmem:s15+$0xFFFFFF90];
	v24 =	vmul.f32 v5, v17;
	v5 =	vmul.f32 v18, v1;
	[tilespmem:s15+$0xC0] =	vst v10  }
0x149: {  	v25 =	vmul.f32 v9, v1;
	v10 =	vld [tilespmem:s15+$0xFFFFFF80];
	v18 =	vmul.f32 v6, v17;
	[tilespmem:s15+$0x80] =	vst v12  }
0x14a: {  	v16 =	vmul.f32 v16, v1;
	v9 =	vld [tilespmem:s15+$0xFFFFFF70];
	v12 =	vmul.f32 v7, v17;
	[tilespmem:s15+$0xB0] =	vst v15  }
0x14b: {  	v15 =	vld [tilespmem:s15+$0xFFFFFF60];
	v21 =	vmul.f32 v21, v17;
	[tilespmem:s15+$0xFFFFFFF0] =	vst v22;
	v22 =	vmul.f32 v13, v1  }
0x14c: {  	v3 =	vmul.f32 v3, v1;
	v13 =	vld [tilespmem:s15+$0xFFFFFF50];
	v6 =	vmul.f32 v23, v17;
	[tilespmem:s15+$0x0] =	vst v5  }
0x14d: {  	v23 =	vld [tilespmem:s15+$0xFFFFFF40];
	v5 =	vmul.f32 v19, v17;
	v19 =	vmul.f32 v11, v1;
	[tilespmem:s15+$0xF0] =	vst v20  }
0x14e: {  	v20 =	vld [tilespmem:s15+$0xFFFFFF30];
	v7 =	vmul.f32 v10, v17;
	[tilespmem:s15+$0xFFFFFFE0] =	vst v24;
	v17 =	vmul.f32 v14, v2  }
0x14f: {  	v24 =	vmul.f32 v8, v2;
	v14 =	vld [tilespmem:s15+$0xFFFFFF20];
	v9 =	vmul.f32 v9, v4;
	[tilespmem:s15+$0x10] =	vst v25  }
0x150: {  	v8 =	vld [tilespmem:s15+$0xFFFFFF10];
	v10 =	vmul.f32 v15, v4;
	[tilespmem:s15+$0xFFFFFFC0] =	vst v12  }
0x151: {  	v25 =	vld [tilespmem:s15+$0xFFFFFF00];
	v13 =	vmul.f32 v13, v4;
	[tilespmem:s15+$0xFFFFFFD0] =	vst v18  }
0x152: {  	v11 =	vmul.f32 v23, v4;
	[tilespmem:s15+$0x20] =	vst v16  }
.Ltmp3:
0x153: {  	v12 =	vmul.f32 v20, v4;
	[tilespmem:s15+$0xFFFFFFB0] =	vst v21;
	(pc) =	sbr.rel @p0 .LBB2_10-.Ltmp3, $4  }
0x154: {  	v14 =	vmul.f32 v14, v4;
	[tilespmem:s15+$0x30] =	vst v22  }
0x155: {  	v8 =	vmul.f32 v8, v4;
	v15 =	vld [tilespmem:s15+$0x60];
	[tilespmem:s15+$0x90] =	vst v17  }
0x156: {  	v4 =	vmul.f32 v25, v4;
	[tilespmem:s15+$0xA0] =	vst v24;
	v17 =	vld [tilespmem:s15+$0xE0]  }
0x157: {  	s16 =	smov.u32 s17;
	s15 =	sadd.s32 $0x200, s15;
	[tilespmem:s14+$0x50] =	vst v19;
	v16 =	vld [tilespmem:s14+$0x70]  }
0x158: {  	[tilespmem:s14+$0xFFFFFFA0] =	vst v6  }
0x159: {  	[tilespmem:s14+$0xFFFFFF90] =	vst v5  }
0x15a: {  	[tilespmem:s14+$0xFFFFFF80] =	vst v7  }
0x15b: {  	[tilespmem:s14+$0xFFFFFF70] =	vst v9  }
0x15c: {  	[tilespmem:s14+$0xFFFFFF60] =	vst v10  }
0x15d: {  	[tilespmem:s14+$0xFFFFFF50] =	vst v13  }
0x15e: {  	[tilespmem:s14+$0xFFFFFF40] =	vst v11  }
0x15f: {  	[tilespmem:s14+$0xFFFFFF30] =	vst v12  }
0x160: {  	[tilespmem:s14+$0xFFFFFF20] =	vst v14  }
0x161: {  	[tilespmem:s14+$0xFFFFFF10] =	vst v8  }
0x162: {  	[tilespmem:s14+$0x40] =	vst v3;
	v5 =	vmul.f32 v15, v1  }
0x163: {  	[tilespmem:s14+$0xFFFFFF00] =	vst v4;
	v2 =	vmul.f32 v17, v2  }
0x164: {  	v1 =	vmul.f32 v16, v1;
	[tilespmem:s14+$0x60] =	vst v5  }
0x165: {  	[tilespmem:s14+$0xE0] =	vst v2  }
0x166: {  	s16 =	sadd.s32 $0x400, s13;
	[tilespmem:s14+$0x70] =	vst v1  }
0x167: {  	[spmem:s2] =	stream.indirect.scatter.add.f32 [tilespmem:s20], [sflag:$0x1], $0x80, s16, s29, $0xb8;
	[tilespmem:$0x1FA00] =	vst v63  }
0x168: {  	v1 =	vld [tilespmem:s13+$0x880];
	_ =	sdelay $0x4  }
0x169: {  	v1 =	vmul.f32 v1, v1;
	_ =	sdelay $0x1  }
0x16a: {  	s14 =	sor.u32 $0x80, s13;
	v1 =	vsub.f32 $0.0e+00, v1  }
0x16b: {  	v2 =	vld [tilespmem:s14+$0x0]  }
0x16c: {  	v1 =	vmul.f32 $1.442695020e+00, v1;
	_ =	sdelay $0x1  }
0x16d: {  	(erf) = vpow2.f32 v1;
	_ =	sdelay $0x4  }
0x16e: {  	v1 =	vld.idx.msk [tilespmem:v2+s26+$0x0], $0xffff;
	_ =	sdelay $0x3  }
0x16f: {  	v2 =	vpop (erf)  }
0x170: {  	v1 =	vmul.f32 v2, v1;
	_ =	sdelay $0x1  }
0x171: {  	[tilespmem:$0x3D80] =	vst v1  }
0x172: {  	v1 =	vld [tilespmem:s13+$0x890];
	_ =	sdelay $0x4  }
0x173: {  	v1 =	vmul.f32 v1, v1;
	_ =	sdelay $0x1  }
0x174: {  	s15 =	sor.u32 $0x90, s13;
	v1 =	vsub.f32 $0.0e+00, v1  }
0x175: {  	v2 =	vld [tilespmem:s15+$0x0]  }
0x176: {  	v1 =	vmul.f32 $1.442695020e+00, v1;
	_ =	sdelay $0x1  }
0x177: {  	(erf) = vpow2.f32 v1;
	_ =	sdelay $0x4  }
0x178: {  	v1 =	vld.idx.msk [tilespmem:v2+s26+$0x0], $0xffff;
	_ =	sdelay $0x3  }
0x179: {  	v2 =	vpop (erf)  }
0x17a: {  	v1 =	vmul.f32 v2, v1;
	_ =	sdelay $0x1  }
0x17b: {  	[tilespmem:$0x3D90] =	vst v1  }
0x17c: {  	v1 =	vld [tilespmem:s13+$0x8A0];
	_ =	sdelay $0x4  }
0x17d: {  	v1 =	vmul.f32 v1, v1;
	_ =	sdelay $0x1  }
0x17e: {  	s17 =	sor.u32 $0xA0, s13;
	v1 =	vsub.f32 $0.0e+00, v1  }
0x17f: {  	v2 =	vld [tilespmem:s17+$0x0]  }
0x180: {  	v1 =	vmul.f32 $1.442695020e+00, v1;
	_ =	sdelay $0x1  }
0x181: {  	(erf) = vpow2.f32 v1;
	_ =	sdelay $0x4  }
0x182: {  	v1 =	vld.idx.msk [tilespmem:v2+s26+$0x0], $0xffff;
	_ =	sdelay $0x3  }
0x183: {  	v2 =	vpop (erf)  }
0x184: {  	v1 =	vmul.f32 v2, v1;
	_ =	sdelay $0x1  }
0x185: {  	[tilespmem:$0x3DA0] =	vst v1  }
0x186: {  	v1 =	vld [tilespmem:s13+$0x8B0];
	_ =	sdelay $0x4  }
0x187: {  	v1 =	vmul.f32 v1, v1;
	_ =	sdelay $0x1  }
0x188: {  	s18 =	sor.u32 $0xB0, s13;
	v1 =	vsub.f32 $0.0e+00, v1  }
0x189: {  	v2 =	vld [tilespmem:s18+$0x0]  }
0x18a: {  	v1 =	vmul.f32 $1.442695020e+00, v1;
	_ =	sdelay $0x1  }
0x18b: {  	(erf) = vpow2.f32 v1;
	_ =	sdelay $0x4  }
0x18c: {  	v1 =	vld.idx.msk [tilespmem:v2+s26+$0x0], $0xffff;
	_ =	sdelay $0x3  }
0x18d: {  	v2 =	vpop (erf)  }
0x18e: {  	v1 =	vmul.f32 v2, v1;
	_ =	sdelay $0x1  }
0x18f: {  	[tilespmem:$0x3DB0] =	vst v1  }
0x190: {  	v1 =	vld [tilespmem:s13+$0x8C0];
	_ =	sdelay $0x4  }
0x191: {  	v1 =	vmul.f32 v1, v1;
	_ =	sdelay $0x1  }
0x192: {  	s19 =	sor.u32 $0xC0, s13;
	v1 =	vsub.f32 $0.0e+00, v1  }
0x193: {  	v2 =	vld [tilespmem:s19+$0x0]  }
0x194: {  	v1 =	vmul.f32 $1.442695020e+00, v1;
	_ =	sdelay $0x1  }
0x195: {  	(erf) = vpow2.f32 v1;
	_ =	sdelay $0x4  }
0x196: {  	v1 =	vld.idx.msk [tilespmem:v2+s26+$0x0], $0xffff;
	_ =	sdelay $0x3  }
0x197: {  	v2 =	vpop (erf)  }
0x198: {  	v1 =	vmul.f32 v2, v1;
	_ =	sdelay $0x1  }
0x199: {  	[tilespmem:$0x3DC0] =	vst v1  }
0x19a: {  	v1 =	vld [tilespmem:s13+$0x8D0];
	_ =	sdelay $0x4  }
0x19b: {  	v1 =	vmul.f32 v1, v1;
	_ =	sdelay $0x1  }
0x19c: {  	s31 =	sor.u32 $0xD0, s13;
	v1 =	vsub.f32 $0.0e+00, v1  }
0x19d: {  	v2 =	vld [tilespmem:s31+$0x0]  }
0x19e: {  	v1 =	vmul.f32 $1.442695020e+00, v1;
	_ =	sdelay $0x1  }
0x19f: {  	(erf) = vpow2.f32 v1;
	_ =	sdelay $0x4  }
0x1a0: {  	v1 =	vld.idx.msk [tilespmem:v2+s26+$0x0], $0xffff;
	_ =	sdelay $0x3  }
0x1a1: {  	v2 =	vpop (erf)  }
0x1a2: {  	v1 =	vmul.f32 v2, v1;
	_ =	sdelay $0x1  }
0x1a3: {  	[tilespmem:$0x3DD0] =	vst v1  }
0x1a4: {  	v1 =	vld [tilespmem:s13+$0x8E0];
	_ =	sdelay $0x4  }
0x1a5: {  	v1 =	vmul.f32 v1, v1;
	_ =	sdelay $0x1  }
0x1a6: {  	s16 =	sor.u32 $0xE0, s13;
	v1 =	vsub.f32 $0.0e+00, v1  }
0x1a7: {  	v2 =	vld [tilespmem:s16+$0x0]  }
0x1a8: {  	v1 =	vmul.f32 $1.442695020e+00, v1;
	_ =	sdelay $0x1  }
0x1a9: {  	(erf) = vpow2.f32 v1;
	_ =	sdelay $0x4  }
0x1aa: {  	v1 =	vld.idx.msk [tilespmem:v2+s26+$0x0], $0xffff;
	_ =	sdelay $0x3  }
0x1ab: {  	v2 =	vpop (erf)  }
0x1ac: {  	v1 =	vmul.f32 v2, v1;
	_ =	sdelay $0x1  }
0x1ad: {  	[tilespmem:$0x3DE0] =	vst v1  }
0x1ae: {  	v1 =	vld [tilespmem:s13+$0x8F0];
	_ =	sdelay $0x4  }
0x1af: {  	v1 =	vmul.f32 v1, v1;
	_ =	sdelay $0x1  }
0x1b0: {  	s17 =	sor.u32 $0xF0, s13;
	v1 =	vsub.f32 $0.0e+00, v1  }
0x1b1: {  	v2 =	vld [tilespmem:s17+$0x0]  }
0x1b2: {  	v1 =	vmul.f32 $1.442695020e+00, v1;
	_ =	sdelay $0x1  }
0x1b3: {  	(erf) = vpow2.f32 v1;
	_ =	sdelay $0x4  }
0x1b4: {  	v1 =	vld.idx.msk [tilespmem:v2+s26+$0x0], $0xffff;
	_ =	sdelay $0x3  }
0x1b5: {  	v2 =	vpop (erf)  }
0x1b6: {  	v1 =	vmul.f32 v2, v1  }
0x1b7: {  	p0 =	seq.s32 s12, $0x3  }
0x1b8: {  	s13 =	simm.s32 @!p0 $0x1;
	[tilespmem:$0x3DF0] =	vst v1  }
0x1b9: {  	_ =	swait.ge @!p0 [sflag:s13], $0x4000  }
0x1ba: {  	[sflag:s13] =	ssyncset.done @!p0 $0x0  }
0x1bb: {  	[sflag:s13] =	ssyncadd.s32 @!p0 $0xFFFFC000;
	s13 =	simm.s32 $0x7F00  }
0x1bc: {  	v3 =	vld [tilespmem:s13+$0xD0]  }
0x1bd: {  	v4 =	vld [tilespmem:s13+$0xF0]  }
0x1be: {  	v5 =	vld [tilespmem:s13+$0xFFFFFFF0]  }
0x1bf: {  	v6 =	vld [tilespmem:s13+$0x0]  }
0x1c0: {  	v7 =	vld [tilespmem:s13+$0x10]  }
0x1c1: {  	v8 =	vld [tilespmem:s13+$0x20]  }
0x1c2: {  	v9 =	vld [tilespmem:s13+$0x30]  }
0x1c3: {  	s19 =	simm.s32 $0x1;
	v10 =	vld [tilespmem:s13+$0x50]  }
0x1c4: {  	s31 =	simm.s32 $0x2;
	s16 =	simm.s32 $0x3;
	v2 =	vmov s19;
	v12 =	vld [tilespmem:s13+$0x80]  }
0x1c5: {  	v13 =	vmov s31;
	v11 =	vmov s16;
	v2 =	vand.u32 $0xFFFFFFFD, v2;
	v14 =	vld [tilespmem:s13+$0x90]  }
0x1c6: {  	v15 =	vbroadcast v2, $0x0;
	v2 =	vand.u32 $0xFFFFFFFE, v13;
	v13 =	vld [tilespmem:s13+$0xA0]  }
0x1c7: {  	s18 =	simm.s32 $0x0;
	v17 =	vld [tilespmem:s13+$0xB0]  }
0x1c8: {  	v1 =	vmov s18;
	v18 =	vld [tilespmem:s13+$0xC0]  }
0x1c9: {  	v1 =	vand.u32 $0xFFFFFFFC, v1;
	v19 =	vld [tilespmem:s13+$0x40]  }
0x1ca: {  	v16 =	vbroadcast v2, $0x0;
	v1 =	vbroadcast v1, $0x0;
	v2 =	vld.idx.msk [tilespmem:v11+s28+$0x0], $0xffff  }
0x1cb: {  	v21 =	vld [tilespmem:s13+$0xFFFFFFC0]  }
0x1cc: {  	v22 =	vld [tilespmem:s13+$0xFFFFFFB0]  }
0x1cd: {  	v23 =	vld [tilespmem:s13+$0xFFFFFF60]  }
0x1ce: {  	v24 =	vld [tilespmem:s13+$0xFFFFFF50]  }
0x1cf: {  	v11 =	vld.idx.msk [tilespmem:v15+s28+$0x0], $0xffff;
	v3 =	vmul.f32 v3, v2  }
0x1d0: {  	v20 =	vld.idx.msk [tilespmem:v1+s28+$0x0], $0xffff;
	v18 =	vmul.f32 v18, v2  }
0x1d1: {  	v1 =	vld.idx.msk [tilespmem:v16+s28+$0x0], $0xffff;
	v12 =	vmul.f32 v12, v2;
	[tilespmem:s13+$0xD0] =	vst v3  }
0x1d2: {  	v15 =	vld [tilespmem:s13+$0xFFFFFFE0];
	v17 =	vmul.f32 v17, v2;
	[tilespmem:s13+$0xC0] =	vst v18  }
0x1d3: {  	v16 =	vld [tilespmem:s13+$0xFFFFFFD0];
	v4 =	vmul.f32 v4, v2;
	[tilespmem:s13+$0x80] =	vst v12  }
0x1d4: {  	v63 =	vld [tilespmem:s13+$0xFFFFFF30];
	v5 =	vmul.f32 v5, v11;
	[tilespmem:s13+$0xB0] =	vst v17  }
0x1d5: {  	v26 =	vld [tilespmem:s13+$0xFFFFFF00];
	[tilespmem:s13+$0xF0] =	vst v4;
	v62 =	vmul.f32 v22, v11  }
0x1d6: {  	v18 =	vld [tilespmem:s13+$0xFFFFFF90];
	v6 =	vmul.f32 v6, v1;
	[tilespmem:s13+$0xFFFFFFF0] =	vst v5  }
0x1d7: {  	v3 =	vld [tilespmem:s13+$0xFFFFFFA0];
	v5 =	vmul.f32 v15, v11;
	[tilespmem:s13+$0xFFFFFFB0] =	vst v62  }
0x1d8: {  	v25 =	vld [tilespmem:s13+$0xFFFFFF20];
	v4 =	vmul.f32 v16, v11;
	v9 =	vmul.f32 v9, v1;
	[tilespmem:s13+$0x0] =	vst v6  }
0x1d9: {  	v12 =	vld [tilespmem:s13+$0xFFFFFF80];
	v8 =	vmul.f32 v8, v1;
	v6 =	vmul.f32 v7, v1;
	[tilespmem:s13+$0xFFFFFFE0] =	vst v5  }
0x1da: {  	v17 =	vld [tilespmem:s13+$0xFFFFFF70];
	v7 =	vmul.f32 v21, v11;
	[tilespmem:s13+$0x30] =	vst v9;
	v9 =	vmul.f32 v23, v20  }
0x1db: {  	v16 =	vld [tilespmem:s13+$0xFFFFFF40];
	[tilespmem:s13+$0xFFFFFFD0] =	vst v4;
	v4 =	vmul.f32 v26, v20;
	v5 =	vmul.f32 v18, v11  }
0x1dc: {  	v18 =	vld [tilespmem:s13+$0xFFFFFF10];
	[tilespmem:s13+$0x10] =	vst v6;
	v6 =	vmul.f32 v3, v11;
	v3 =	vmul.f32 v19, v1  }
0x1dd: {  	[tilespmem:s13+$0x20] =	vst v8;
	v19 =	vmul.f32 v10, v1;
	v10 =	vmul.f32 v14, v2  }
0x1de: {  	[tilespmem:s13+$0xFFFFFFC0] =	vst v7;
	v7 =	vmul.f32 v12, v11;
	v11 =	vmul.f32 v13, v2  }
0x1df: {  	v15 =	vld [tilespmem:s13+$0x60];
	v8 =	vmul.f32 v17, v20;
	v13 =	vmul.f32 v24, v20;
	[tilespmem:s13+$0x90] =	vst v10  }
0x1e0: {  	v17 =	vld [tilespmem:s13+$0x70];
	v14 =	vmul.f32 v25, v20;
	v10 =	vmul.f32 v16, v20;
	[tilespmem:s13+$0xA0] =	vst v11  }
0x1e1: {  	s12 =	sadd.s32 $0x1, s12;
	s15 =	simm.s32 $0x8100;
	s17 =	simm.s32 $0x4;
	v11 =	vmul.f32 v63, v20;
	v16 =	vld [tilespmem:s13+$0xE0];
	[tilespmem:s13+$0x50] =	vst v19;
	v12 =	vmul.f32 v18, v20  }
.LBB2_12:
0x1e2: {  	s18 =	sadd.s32 $0x1, s17  }
0x1e3: {  	v18 =	vmov s17;
	s19 =	sadd.s32 $0x3, s17;
	v19 =	vld [tilespmem:s15+$0xD0];
	[tilespmem:s13+$0xFFFFFFA0] =	vst v6;
	s31 =	smov.u32 s17;
	s16 =	sadd.s32 $0x4, s17  }
0x1e4: {  	p0 =	sne.s32 s17, $0x7C;
	v6 =	vand.u32 $0xFFFFFFFC, v18;
	v18 =	vmov s18;
	s18 =	sadd.s32 $0x2, s31;
	v20 =	vmov s19;
	v21 =	vld [tilespmem:s15+$0xF0];
	[tilespmem:s13+$0xFFFFFF90] =	vst v5  }
0x1e5: {  	v5 =	vbroadcast v6, $0x0;
	v6 =	vand.u32 $0xFFFFFFFD, v18;
	v18 =	vmov s18;
	v22 =	vld [tilespmem:s15+$0xFFFFFFF0];
	[tilespmem:s13+$0xFFFFFF80] =	vst v7  }
0x1e6: {  	v6 =	vbroadcast v6, $0x0;
	v7 =	vand.u32 $0xFFFFFFFE, v18;
	v18 =	vld [tilespmem:s15+$0x0];
	[tilespmem:s13+$0xFFFFFF70] =	vst v8;
	v2 =	vmul.f32 v16, v2  }
0x1e7: {  	v7 =	vbroadcast v7, $0x0;
	v8 =	vld [tilespmem:s15+$0x10];
	[tilespmem:s13+$0xFFFFFF60] =	vst v9;
	v9 =	vmul.f32 v17, v1  }
0x1e8: {  	v1 =	vmul.f32 v15, v1;
	v16 =	vld [tilespmem:s15+$0x20];
	[tilespmem:s13+$0xFFFFFF50] =	vst v13  }
0x1e9: {  	v13 =	vld [tilespmem:s15+$0x30];
	[tilespmem:s13+$0xFFFFFF40] =	vst v10  }
0x1ea: {  	v10 =	vld [tilespmem:s15+$0x50];
	[tilespmem:s13+$0xFFFFFF30] =	vst v11  }
0x1eb: {  	[tilespmem:s13+$0xFFFFFF20] =	vst v14  }
0x1ec: {  	v11 =	vld [tilespmem:s15+$0x80];
	[tilespmem:s13+$0xE0] =	vst v2  }
0x1ed: {  	v14 =	vld [tilespmem:s15+$0x90];
	[tilespmem:s13+$0xFFFFFF10] =	vst v12  }
0x1ee: {  	v12 =	vld [tilespmem:s15+$0xA0];
	[tilespmem:s13+$0x60] =	vst v1  }
0x1ef: {  	v15 =	vld [tilespmem:s15+$0xB0];
	[tilespmem:s13+$0x70] =	vst v9  }
0x1f0: {  	v9 =	vld [tilespmem:s15+$0xC0];
	[tilespmem:s13+$0x40] =	vst v3  }
0x1f1: {  	v3 =	vld [tilespmem:s15+$0x40];
	[tilespmem:s13+$0xFFFFFF00] =	vst v4;
	s13 =	smov.u32 s15  }
0x1f2: {  	v2 =	vld.idx.msk [tilespmem:v20+s28+$0x0], $0xffff  }
0x1f3: {  	v4 =	vld.idx.msk [tilespmem:v5+s28+$0x0], $0xffff  }
0x1f4: {  	v17 =	vld.idx.msk [tilespmem:v6+s28+$0x0], $0xffff  }
0x1f5: {  	v1 =	vld.idx.msk [tilespmem:v7+s28+$0x0], $0xffff  }
0x1f6: {  	v5 =	vld [tilespmem:s15+$0xFFFFFFE0]  }
0x1f7: {  	v6 =	vld [tilespmem:s15+$0xFFFFFFD0]  }
0x1f8: {  	v19 =	vmul.f32 v19, v2;
	v20 =	vmul.f32 v21, v2;
	v7 =	vld [tilespmem:s15+$0xFFFFFFC0]  }
0x1f9: {  	v11 =	vmul.f32 v11, v2;
	v9 =	vmul.f32 v9, v2;
	v21 =	vld [tilespmem:s15+$0xFFFFFFB0]  }
0x1fa: {  	v15 =	vmul.f32 v15, v2;
	v22 =	vmul.f32 v22, v17;
	v23 =	vld [tilespmem:s15+$0xFFFFFFA0];
	[tilespmem:s15+$0xD0] =	vst v19  }
0x1fb: {  	v19 =	vld [tilespmem:s15+$0xFFFFFF90];
	v24 =	vmul.f32 v5, v17;
	v5 =	vmul.f32 v18, v1;
	[tilespmem:s15+$0xC0] =	vst v9  }
0x1fc: {  	v25 =	vmul.f32 v8, v1;
	v9 =	vld [tilespmem:s15+$0xFFFFFF80];
	v18 =	vmul.f32 v6, v17;
	[tilespmem:s15+$0x80] =	vst v11  }
0x1fd: {  	v16 =	vmul.f32 v16, v1;
	v8 =	vld [tilespmem:s15+$0xFFFFFF70];
	v11 =	vmul.f32 v7, v17;
	[tilespmem:s15+$0xB0] =	vst v15  }
0x1fe: {  	v15 =	vld [tilespmem:s15+$0xFFFFFF60];
	v21 =	vmul.f32 v21, v17;
	[tilespmem:s15+$0xFFFFFFF0] =	vst v22;
	v22 =	vmul.f32 v13, v1  }
0x1ff: {  	v3 =	vmul.f32 v3, v1;
	v13 =	vld [tilespmem:s15+$0xFFFFFF50];
	v6 =	vmul.f32 v23, v17;
	[tilespmem:s15+$0x0] =	vst v5  }
0x200: {  	v23 =	vld [tilespmem:s15+$0xFFFFFF40];
	v5 =	vmul.f32 v19, v17;
	v19 =	vmul.f32 v10, v1;
	[tilespmem:s15+$0xF0] =	vst v20  }
0x201: {  	v20 =	vld [tilespmem:s15+$0xFFFFFF30];
	v7 =	vmul.f32 v9, v17;
	[tilespmem:s15+$0xFFFFFFE0] =	vst v24;
	v17 =	vmul.f32 v14, v2  }
0x202: {  	v24 =	vmul.f32 v12, v2;
	v14 =	vld [tilespmem:s15+$0xFFFFFF20];
	v8 =	vmul.f32 v8, v4;
	[tilespmem:s15+$0x10] =	vst v25  }
0x203: {  	v12 =	vld [tilespmem:s15+$0xFFFFFF10];
	v9 =	vmul.f32 v15, v4;
	[tilespmem:s15+$0xFFFFFFC0] =	vst v11  }
0x204: {  	v25 =	vld [tilespmem:s15+$0xFFFFFF00];
	v13 =	vmul.f32 v13, v4;
	[tilespmem:s15+$0xFFFFFFD0] =	vst v18  }
0x205: {  	v10 =	vmul.f32 v23, v4;
	[tilespmem:s15+$0x20] =	vst v16  }
.Ltmp4:
0x206: {  	v11 =	vmul.f32 v20, v4;
	[tilespmem:s15+$0xFFFFFFB0] =	vst v21;
	(pc) =	sbr.rel @p0 .LBB2_12-.Ltmp4, $4  }
0x207: {  	v14 =	vmul.f32 v14, v4;
	[tilespmem:s15+$0x30] =	vst v22  }
0x208: {  	v12 =	vmul.f32 v12, v4;
	v15 =	vld [tilespmem:s15+$0x60];
	[tilespmem:s15+$0x90] =	vst v17  }
0x209: {  	v4 =	vmul.f32 v25, v4;
	[tilespmem:s15+$0xA0] =	vst v24;
	v16 =	vld [tilespmem:s15+$0xE0]  }
0x20a: {  	s17 =	smov.u32 s16;
	s15 =	sadd.s32 $0x200, s15;
	[tilespmem:s13+$0x50] =	vst v19;
	v17 =	vld [tilespmem:s13+$0x70]  }
0x20b: {  	[tilespmem:s13+$0xFFFFFFA0] =	vst v6  }
0x20c: {  	[tilespmem:s13+$0xFFFFFF90] =	vst v5  }
0x20d: {  	[tilespmem:s13+$0xFFFFFF80] =	vst v7  }
0x20e: {  	[tilespmem:s13+$0xFFFFFF70] =	vst v8  }
0x20f: {  	[tilespmem:s13+$0xFFFFFF60] =	vst v9  }
0x210: {  	[tilespmem:s13+$0xFFFFFF50] =	vst v13  }
0x211: {  	[tilespmem:s13+$0xFFFFFF40] =	vst v10  }
0x212: {  	[tilespmem:s13+$0xFFFFFF30] =	vst v11  }
0x213: {  	[tilespmem:s13+$0xFFFFFF20] =	vst v14  }
0x214: {  	[tilespmem:s13+$0xFFFFFF10] =	vst v12  }
0x215: {  	[tilespmem:s13+$0x40] =	vst v3;
	p0 =	sne.s32 s12, $0x4;
	v63 =	vmul.f32 v15, v1  }
.Ltmp5:
0x216: {  	[tilespmem:s13+$0xFFFFFF00] =	vst v4;
	v2 =	vmul.f32 v16, v2;
	(pc) =	sbr.rel @p0 .LBB2_9-.Ltmp5, $4  }
0x217: {  	v1 =	vmul.f32 v17, v1;
	[tilespmem:s13+$0x60] =	vst v63  }
0x218: {  	[tilespmem:s13+$0xE0] =	vst v2  }
0x219: {  	s31 =	sadd.s32 $0x400, s14;
	[tilespmem:s13+$0x70] =	vst v1  }
0x21a: {  	[spmem:s2] =	stream.indirect.scatter.add.f32 [tilespmem:s30], [sflag:$0x2], $0x80, s31, s29, $0xb8;
	[tilespmem:$0x1FA00] =	vst v63  }
0x21b: {  	s11 =	sadd.s32 $0x1, s11  }
0x21c: {  	p0 =	sne.s32 s11, $0xA  }
.Ltmp6:
0x21d: {  	_ = 	snop;
	(pc) =	sbr.rel @p0 .LBB2_8-.Ltmp6, $1  }
0x21e: {  	_ =	sdelay $0x3  }
0x21f: {  	s10 =	simm.s32 $0x1  }
0x220: {  	_ =	swait.ge [sflag:s10], $0x4000  }
0x221: {  	[sflag:s10] =	ssyncset.done $0x0  }
0x222: {  	[sflag:s10] =	ssyncadd.s32 $0xFFFFC000  }
0x223: {  	_ =	swait.ge [sflag:s0], $0x4000  }
0x224: {  	[sflag:s0] =	ssyncset.done $0x0  }
0x225: {  	[sflag:s0] =	ssyncadd.s32 $0xFFFFC000  }
0x226: {  	[bflag:$0x0] =	sbarrier.arrive $0xFFFF  }
0x227: {  	[tilespmem:s20], [sflag:$0x3] =	stream.linear.gather [spmem:s8], $0x4000, $0x38;
	[tilespmem:$0x1FA00] =	vst v63  }
0x228: {  	_ =	swait.ge [sflag:s21], $0x4000  }
0x229: {  	[sflag:s21] =	ssyncset.done $0x0  }
0x22a: {  	s11 =	rddreg [dreg:$0x7];
	[sflag:s21] =	ssyncadd.s32 $0xFFFFC000  }
0x22b: {  	[hbm4b:s11+s3] =	stream.linear.scatter [tilespmem:s20], [sflag:$0x3], $0x4000, $0x38;
	[tilespmem:$0x1FA00] =	vst v63  }
0x22c: {  	_ =	swait.ge [sflag:s21], $0x4000  }
0x22d: {  	[sflag:s21] =	ssyncset.done $0x0  }
0x22e: {  	s12 =	rddreg [dreg:$0x8];
	[sflag:s21] =	ssyncadd.s32 $0xFFFFC000  }
0x22f: {  	[tilespmem:s20], [sflag:$0x3] =	stream.linear.gather [spmem:s12], $0x4000, $0x38;
	[tilespmem:$0x1FA00] =	vst v63  }
0x230: {  	_ =	swait.ge [sflag:s21], $0x4000  }
0x231: {  	[sflag:s21] =	ssyncset.done $0x0  }
0x232: {  	s13 =	rddreg [dreg:$0x9];
	[sflag:s21] =	ssyncadd.s32 $0xFFFFC000  }
0x233: {  	[hbm4b:s13+s3] =	stream.linear.scatter [tilespmem:s20], [sflag:$0x3], $0x4000, $0x38;
	[tilespmem:$0x1FA00] =	vst v63  }
0x234: {  	_ =	swait.ge [sflag:s21], $0x4000  }
0x235: {  	[sflag:s21] =	ssyncset.done $0x0  }
0x236: {  	s14 =	rddreg [dreg:$0xa];
	[sflag:s21] =	ssyncadd.s32 $0xFFFFC000  }
0x237: {  	[tilespmem:s20], [sflag:$0x3] =	stream.linear.gather [spmem:s14], $0x4000, $0x38;
	[tilespmem:$0x1FA00] =	vst v63  }
0x238: {  	_ =	swait.ge [sflag:s21], $0x4000  }
0x239: {  	[sflag:s21] =	ssyncset.done $0x0  }
0x23a: {  	s15 =	rddreg [dreg:$0xb];
	[sflag:s21] =	ssyncadd.s32 $0xFFFFC000  }
0x23b: {  	[hbm4b:s15+s3] =	stream.linear.scatter [tilespmem:s20], [sflag:$0x3], $0x4000, $0x38;
	[tilespmem:$0x1FA00] =	vst v63  }
0x23c: {  	_ =	swait.ge [sflag:s21], $0x4000  }
0x23d: {  	[sflag:s21] =	ssyncset.done $0x0  }
0x23e: {  	s16 =	rddreg [dreg:$0xc];
	[sflag:s21] =	ssyncadd.s32 $0xFFFFC000  }
0x23f: {  	[tilespmem:s20], [sflag:$0x3] =	stream.linear.gather [spmem:s16], $0x4000, $0x38;
	[tilespmem:$0x1FA00] =	vst v63  }
0x240: {  	_ =	swait.ge [sflag:s21], $0x4000  }
0x241: {  	[sflag:s21] =	ssyncset.done $0x0  }
0x242: {  	s17 =	rddreg [dreg:$0xd];
	[sflag:s21] =	ssyncadd.s32 $0xFFFFC000  }
0x243: {  	[hbm4b:s17+s3] =	stream.linear.scatter [tilespmem:s20], [sflag:$0x3], $0x4000, $0x38;
	[tilespmem:$0x1FA00] =	vst v63  }
0x244: {  	_ =	swait.ge [sflag:s21], $0x4000  }
0x245: {  	[sflag:s21] =	ssyncset.done $0x0  }
0x246: {  	s18 =	rddreg [dreg:$0x4];
	[sflag:s21] =	ssyncadd.s32 $0xFFFFC000  }
0x247: {  	[tilespmem:s20], [sflag:$0x3] =	stream.linear.gather [spmem:s18], $0x3C00, $0x38;
	[tilespmem:$0x1FA00] =	vst v63  }
0x248: {  	_ =	swait.ge [sflag:s21], $0x3C00  }
0x249: {  	[sflag:s21] =	ssyncset.done $0x0  }
0x24a: {  	s19 =	rddreg [dreg:$0x5];
	[sflag:s21] =	ssyncadd.s32 $0xFFFFC400  }
0x24b: {  	[hbm4b:s19+s3] =	stream.linear.scatter [tilespmem:s20], [sflag:$0x3], $0x3C00, $0x38;
	[tilespmem:$0x1FA00] =	vst v63  }
0x24c: {  	_ =	swait.ge [sflag:s21], $0x3C00  }
0x24d: {  	s4 =	sadd.s32 $0x1, s4;
	s31 =	rddreg [dreg:$0x6]  }
0x24e: {  	p0 =	sne.s32 s4, s31  }
.Ltmp7:
0x24f: {  	_ = 	snop;
	(pc) =	sbr.rel @p0 .LBB2_1-.Ltmp7, $3  }
0x250: {  	_ =	sdelay $0x1  }
0x251: {  	[sflag:s21] =	ssyncset.done $0x0  }
0x252: {  	[sflag:s21] =	ssyncadd.s32 $0xFFFFC400  }
0x253: {  	_ =	sfence.sel $0x180000  }
0x254: {  	[bflag:$0x0] =	sbarrier.arrive $0xFFFF  }
0x255: {  	_ =	strace $0x9000004A  }
0x256: {  	s0 =	stileid.u32;
	[bflag:$0x2] =	sbarrier.arrive $0xFFFF  }
0x257: {  	p0 =	sne.s32 s0, $0x0;
	s0 =	rddreg [dreg:$0x3]  }
0x258: {  	s0 =	sadd.s32 @!p0 $0x100000, s0  }
0x259: {  	[sflag:s0] =	ssyncadd.tile.s32 @!p0 $0x1;
	_ =	shalt  }
.Lfunc_end2:
_tile_overlayer_lowered:
.L_overlay_start_2:
0x25a: {  	(tag) =	ssettag $0x2  }
0x25b: {  	s0 =	rddreg [dreg:$0x0];
	s2 =	stileid.u32  }
0x25c: {  	s1 =	rddreg [dreg:$0x1];
	p0 =	sne.s32 s2, $0x0  }
0x25d: {  	s3 =	rddreg [dreg:$0x2];
	[bflag:$0x3] =	sbarrier.arrive $0xFFFF;
	s2 =	simm.s32 @!p0 $0x1C03  }
0x25e: {  	[timem:s3], [sflag:s2] =	dma.local @!p0 [hbm:s0], s1  }
0x25f: {  	s0 =	simm.s32 @!p0 $0x3  }
0x260: {  	_ =	swait.ge @!p0 [sflag:s0], s1  }
0x261: {  	s1 =	ssub.s32 @!p0 $0x0, s1;
	[sflag:s0] =	ssyncset.done @!p0 $0x0  }
0x262: {  	[sflag:s0] =	ssyncadd.s32 @!p0 s1  }
0x263: {  	[bflag:$0x3] =	sbarrier.arrive $0xFFFF  }
0x264: {  	_ =	shalt  }

</sc_bundles>
